<compile_context>
chip_gen: v7x
topology: tpu7x:2x2x1
jax: 0.10.2.dev20260603
libtpu: 0.0.44.dev20260713+nightly
codegen_flags: <defaults>
</compile_context>

<pallas_src>
import functools

import jax
import jax.numpy as jnp
from jax import lax
from jax.experimental import pallas as pl
from jax.experimental.pallas import tpu as pltpu
from jax.experimental.pallas import tpu_sc as plsc

_BN_INV = 0.9999950000374997



def _make_sc_aggregate(N, D, E):
    NC, NS = 2, 16
    NT = NC * NS
    K = 128
    assert E % K == 0
    nchunks = E // K
    full = nchunks // NT
    extra = nchunks - full * NT
    rpt = (N // NS) & ~7
    rtail = N - rpt * NS

    NB = 3
    mesh = plsc.VectorSubcoreMesh(core_axis_name="c", subcore_axis_name="s")

    scratch = []
    for _ in range(NB):
        scratch += [
            pltpu.VMEM((2, K), jnp.int32),
            pltpu.VMEM((K, D), jnp.float32),
            pltpu.SemaphoreType.DMA,
            pltpu.SemaphoreType.DMA,
            pltpu.SemaphoreType.DMA,
        ]
    scratch.append(pltpu.VMEM_SHARED((N, D), jnp.float32))

    @functools.partial(
        pl.kernel,
        out_type=jax.ShapeDtypeStruct((NC, N, D), jnp.float32),
        mesh=mesh,
        scratch_types=scratch,
    )
    def sc_agg(h_hbm, eidx_hbm, zsrc_hbm, out_hbm, *refs):
        bufs = [refs[5 * b:5 * b + 5] for b in range(NB)]
        agg_sh = refs[5 * NB]
        c = lax.axis_index("c")
        s = lax.axis_index("s")
        tile = c * NS + s
        base = (tile * full + jnp.minimum(tile, extra)) * K

        def issue_idx(j, b):
            eb_v, isem = bufs[b][0], bufs[b][2]
            off = base + j * K
            pltpu.async_copy(eidx_hbm.at[:, pl.ds(off, K)], eb_v, isem)

        def wait_idx(b):
            eb_v, isem = bufs[b][0], bufs[b][2]
            pltpu.make_async_copy(eidx_hbm.at[:, pl.ds(0, K)], eb_v, isem).wait()

        def issue_gather(b):
            eb_v, rows_v, gsem = bufs[b][0], bufs[b][1], bufs[b][3]
            pltpu.async_copy(h_hbm.at[eb_v.at[0]], rows_v, gsem)

        def wait_gather(b):
            eb_v, rows_v, gsem = bufs[b][0], bufs[b][1], bufs[b][3]
            pltpu.make_async_copy(h_hbm.at[eb_v.at[0]], rows_v, gsem).wait()

        def issue_scatter(b):
            eb_v, rows_v, ssem = bufs[b][0], bufs[b][1], bufs[b][4]
            pltpu.async_copy(rows_v, agg_sh.at[eb_v.at[1]], ssem, add=True)

        def wait_scatter(b):
            eb_v, rows_v, ssem = bufs[b][0], bufs[b][1], bufs[b][4]
            pltpu.make_async_copy(rows_v, agg_sh.at[eb_v.at[1]], ssem).wait()

        issue_idx(0, 0)
        issue_idx(1, 1)

        rbase = s * rpt

        def init_slice(lo, n):
            @pl.when(c == 0)
            def _():
                pltpu.sync_copy(h_hbm.at[pl.ds(lo, n)], agg_sh.at[pl.ds(lo, n)])

            @pl.when(c == 1)
            def _():
                pltpu.sync_copy(zsrc_hbm.at[pl.ds(lo, n)],
                                agg_sh.at[pl.ds(lo, n)])

        init_slice(rbase, rpt)
        if rtail:
            @pl.when(s == 0)
            def _():
                init_slice(NS * rpt, rtail)

        wait_idx(0)
        issue_gather(0)
        plsc.subcore_barrier()

        assert full % NB == 0

        def outer(t, carry):
            for b in range(NB):
                j = t * NB + b
                b1, b2 = (b + 1) % NB, (b + 2) % NB
                wait_gather(b)
                issue_scatter(b)

                @pl.when(j >= 1)
                def _():
                    wait_scatter(b2)

                @pl.when(j + 1 < full)
                def _():
                    wait_idx(b1)
                    issue_gather(b1)

                @pl.when(j + 2 < full)
                def _():
                    issue_idx(j + 2, b2)
            return carry

        lax.fori_loop(0, full // NB, outer, 0)
        wait_scatter((full - 1) % NB)

        if extra:
            @pl.when(tile < extra)
            def _():
                issue_idx(full, 0)
                wait_idx(0)
                issue_gather(0)
                wait_gather(0)
                issue_scatter(0)
                wait_scatter(0)

        plsc.subcore_barrier()
        pltpu.sync_copy(agg_sh.at[pl.ds(rbase, rpt)],
                        out_hbm.at[c, pl.ds(rbase, rpt)])
        if rtail:
            @pl.when(s == 0)
            def _():
                pltpu.sync_copy(agg_sh.at[pl.ds(NS * rpt, rtail)],
                                out_hbm.at[c, pl.ds(NS * rpt, rtail)])

    return sc_agg


def _tc_mlp_pool(agg2, batchf, G, W1, b1, g1, be1, W2, b2, g2, be2, R=1000):
    _, N, D = agg2.shape

    def body(agg_ref, b_ref, W1_ref, b1_ref, s1_ref, be1_ref,
             W2_ref, b2_ref, s2_ref, be2_ref, out_ref, hg_ref):
        i = pl.program_id(0)
        m = agg_ref[0] + agg_ref[1]
        t = jnp.dot(m, W1_ref[...], preferred_element_type=jnp.float32)
        t = (t + b1_ref[...]) * s1_ref[...] + be1_ref[...]
        t = jnp.maximum(t, 0.0)
        u = jnp.dot(t, W2_ref[...], preferred_element_type=jnp.float32)
        u = (u + b2_ref[...]) * s2_ref[...] + be2_ref[...]
        hnew = jnp.maximum(u, 0.0)
        out_ref[...] = hnew

        @pl.when(i == 0)
        def _():
            hg_ref[...] = jnp.zeros_like(hg_ref)

        gid = lax.broadcasted_iota(jnp.int32, (G, R), 0).astype(jnp.float32)
        P = jnp.where(gid == b_ref[0], 1.0, 0.0)
        hg_ref[...] += jnp.dot(P, hnew, preferred_element_type=jnp.float32, precision=jax.lax.Precision.HIGHEST)

    s1 = (g1 * _BN_INV).reshape(1, D)
    s2 = (g2 * _BN_INV).reshape(1, D)
    vec = pl.BlockSpec((1, D), lambda i: (0, 0))
    mat = pl.BlockSpec((D, D), lambda i: (0, 0))
    return pl.pallas_call(
        body,
        grid=(N // R,),
        in_specs=[
            pl.BlockSpec((2, R, D), lambda i: (0, i, 0)),
            pl.BlockSpec((1, 1, R), lambda i: (i, 0, 0)),
            mat, vec, vec, vec, mat, vec, vec, vec,
        ],
        out_specs=[
            pl.BlockSpec((R, D), lambda i: (i, 0)),
            pl.BlockSpec((G, D), lambda i: (0, 0)),
        ],
        out_shape=[
            jax.ShapeDtypeStruct((N, D), jnp.float32),
            jax.ShapeDtypeStruct((G, D), jnp.float32),
        ],
    )(agg2, batchf, W1, b1.reshape(1, D), s1, be1.reshape(1, D),
      W2, b2.reshape(1, D), s2, be2.reshape(1, D))


def _tc_head(hg1, hg2, hg3, lin1_W, lin1_b, cls_Wp, cls_bp):
    G, D = hg1.shape

    def body(g1_ref, g2_ref, g3_ref, lw_ref, lb_ref, cw_ref, cb_ref, out_ref):
        hg = g1_ref[...] + g2_ref[...] + g3_ref[...]
        hh = jnp.dot(hg, lw_ref[...], preferred_element_type=jnp.float32) + lb_ref[...]
        hh = jnp.maximum(hh, 0.0)
        out_ref[...] = jnp.dot(hh, cw_ref[...], preferred_element_type=jnp.float32) + cb_ref[...]

    return pl.pallas_call(
        body,
        out_shape=jax.ShapeDtypeStruct((G, 128), jnp.float32),
    )(hg1, hg2, hg3, lin1_W, lin1_b.reshape(1, D), cls_Wp, cls_bp)


def kernel(x, edge_index, batch, W1, b1, g1, be1, W2, b2, g_out, be_out,
           lin1_W, lin1_b, cls_W, cls_b):
    N, D = x.shape
    E = edge_index.shape[1]
    L = W1.shape[0]
    G = 128
    R = 1000

    zsrc = jnp.zeros((N, D), jnp.float32)
    batchf = batch.astype(jnp.float32).reshape(N // R, 1, R)
    sc_agg = _make_sc_aggregate(N, D, E)

    hgs = []
    h = x
    for i in range(L):
        agg2 = sc_agg(h, edge_index, zsrc)
        h, hg = _tc_mlp_pool(agg2, batchf, G, W1[i], b1[i], g1[i], be1[i],
                             W2[i], b2[i], g_out[i], be_out[i], R=R)
        hgs.append(hg)

    cls_Wp = jnp.pad(cls_W, ((0, 0), (0, 127)))
    cls_bp = jnp.pad(cls_b, (0, 127)).reshape(1, 128)
    out2d = _tc_head(hgs[0], hgs[1], hgs[2], lin1_W, lin1_b, cls_Wp, cls_bp)
    return out2d[:, 0]

# --- scband reference (transcript-rebuilt; emitter-appended) ---
"""Pipeline reference for scband-gin-2405181685972 (READ-ONLY COPY).

The authoritative reference and input builder live on the scoring server;
editing this copy changes nothing except your own understanding.
"""

import jax, jax.numpy as jnp
import numpy as np

N = 10000
E = 320000
D = 128
L = 3
G = 128


def setup_inputs(seed: int = 0) -> dict:
    key = jax.random.key(seed)
    ks = jax.random.split(key, 8)
    x = jax.random.normal(ks[0], (N, D), dtype=jnp.float32)
    edge_index = jax.random.randint(ks[1], (2, E), 0, N, dtype=jnp.int32)
    batch = jnp.sort(jax.random.randint(ks[2], (N,), 0, G, dtype=jnp.int32))
    W1 = jax.random.normal(ks[3], (L, D, D), dtype=jnp.float32) * 0.05
    b1 = jnp.zeros((L, D), dtype=jnp.float32)
    g1 = jnp.ones((L, D), dtype=jnp.float32)
    be1 = jnp.zeros((L, D), dtype=jnp.float32)
    W2 = jax.random.normal(ks[4], (L, D, D), dtype=jnp.float32) * 0.05
    b2 = jnp.zeros((L, D), dtype=jnp.float32)
    g_out = jnp.ones((L, D), dtype=jnp.float32)
    be_out = jnp.zeros((L, D), dtype=jnp.float32)
    lin1_W = jax.random.normal(ks[5], (D, D), dtype=jnp.float32) * 0.05
    lin1_b = jnp.zeros((D,), dtype=jnp.float32)
    cls_W = jax.random.normal(ks[6], (D, 1), dtype=jnp.float32) * 0.05
    cls_b = jnp.zeros((1,), dtype=jnp.float32)
    return {"x": x, "edge_index": edge_index, "batch": batch,
            "W1": W1, "b1": b1, "g1": g1, "be1": be1,
            "W2": W2, "b2": b2, "g_out": g_out, "be_out": be_out,
            "lin1_W": lin1_W, "lin1_b": lin1_b, "cls_W": cls_W, "cls_b": cls_b}


def _bn(h, g, b):
    # eval-mode BatchNorm1d with freshly-initialized running stats (mean=0, var=1)
    return g * (h / jnp.sqrt(1.0 + 1e-5)) + b


def reference(x, edge_index, batch, W1, b1, g1, be1, W2, b2, g_out, be_out, lin1_W, lin1_b, cls_W, cls_b):
    src = edge_index[0]
    dst = edge_index[1]
    h = x
    h_graph = jnp.zeros((G, D), dtype=jnp.float32)
    for i in range(L):
        # GINConv: (1 + eps) * x + sum_{j in N(i)} x_j, eps = 0 (default, not trained)
        agg = jax.ops.segment_sum(h[src], dst, num_segments=N)
        m = agg + h
        # MLP: Linear -> BatchNorm -> ReLU -> Linear
        m = m @ W1[i] + b1[i]
        m = jax.nn.relu(_bn(m, g1[i], be1[i]))
        m = m @ W2[i] + b2[i]
        # outer BatchNorm + ReLU (dropout is identity in eval mode)
        h = jax.nn.relu(_bn(m, g_out[i], be_out[i]))
        # global_add_pool accumulated across layers (jumping-knowledge style sum)
        h_graph = h_graph + jax.ops.segment_sum(h, batch, num_segments=G)
    hh = jax.nn.relu(h_graph @ lin1_W + lin1_b)
    out = (hh @ cls_W + cls_b).reshape(-1)
    return out

if __name__ == "__main__":
    import jax
    _d = setup_inputs()
    print(jax.jit(kernel)(*tuple(_d.values())))

</pallas_src>

<mosaic_0001>
#map = affine_map<(d0, d1) -> (0, 0)>
#map1 = affine_map<(d0, d1) -> (0, 0, 0)>
module attributes {stable_mosaic.version = 14 : i64} {
  func.func @sc_agg(%arg0: i32, %arg1: i32, %arg2: memref<10000x128xf32, #tpu.memory_space<hbm>>, %arg3: memref<2x320000xi32, #tpu.memory_space<hbm>>, %arg4: memref<10000x128xf32, #tpu.memory_space<hbm>>, %arg5: memref<2x10000x128xf32, #tpu.memory_space<hbm>>, %arg6: memref<2x128xi32, #tpu.memory_space<vmem>>, %arg7: memref<128x128xf32, #tpu.memory_space<vmem>>, %arg8: memref<!tpu.dma_semaphore, #tpu.memory_space<semaphore_mem>>, %arg9: memref<!tpu.dma_semaphore, #tpu.memory_space<semaphore_mem>>, %arg10: memref<!tpu.dma_semaphore, #tpu.memory_space<semaphore_mem>>, %arg11: memref<2x128xi32, #tpu.memory_space<vmem>>, %arg12: memref<128x128xf32, #tpu.memory_space<vmem>>, %arg13: memref<!tpu.dma_semaphore, #tpu.memory_space<semaphore_mem>>, %arg14: memref<!tpu.dma_semaphore, #tpu.memory_space<semaphore_mem>>, %arg15: memref<!tpu.dma_semaphore, #tpu.memory_space<semaphore_mem>>, %arg16: memref<2x128xi32, #tpu.memory_space<vmem>>, %arg17: memref<128x128xf32, #tpu.memory_space<vmem>>, %arg18: memref<!tpu.dma_semaphore, #tpu.memory_space<semaphore_mem>>, %arg19: memref<!tpu.dma_semaphore, #tpu.memory_space<semaphore_mem>>, %arg20: memref<!tpu.dma_semaphore, #tpu.memory_space<semaphore_mem>>, %arg21: memref<10000x128xf32, #tpu.memory_space<vmem_shared>>) attributes {dimension_semantics = [#tpu.dimension_semantics<core_parallel>, #tpu.dimension_semantics<subcore_parallel>], iteration_bounds = array<i64: 2, 16>, scalar_prefetch = 0 : i64, scratch_operands = 16 : i64, tpu.core_type = #tpu.core_type<sc_vector_subcore>, window_params = [{transform_indices = #map}, {transform_indices = #map}, {transform_indices = #map}, {transform_indices = #map1}]} {
    %mul3A = arith.constant 16 : i32
    %mul3A_0 = arith.muli %arg0, %mul3A : i32
    %add3A = arith.addi %mul3A_0, %arg1 : i32
    %mul3A_1 = arith.constant 78 : i32
    %mul3A_2 = arith.muli %add3A, %mul3A_1 : i32
    %min3A = arith.constant 4 : i32
    %min3A_3 = arith.minsi %add3A, %min3A : i32
    %add3A_4 = arith.addi %mul3A_2, %min3A_3 : i32
    %mul3A_5 = arith.constant 128 : i32
    %mul3A_6 = arith.muli %add3A_4, %mul3A_5 : i32
    %add3A_7 = arith.constant 0 : i32
    %add3A_8 = arith.addi %mul3A_6, %add3A_7 : i32
    %dma_start3A = arith.constant 0 : i32
    %dma_start3A_9 = tpu.memref_slice %arg3[%dma_start3A, %add3A_8] : memref<2x320000xi32, #tpu.memory_space<hbm>> -> memref<2x128xi32, #tpu.memory_space<hbm>>
    %dma_start3A_10 = arith.constant 0 : i32
    %dma_start3A_11 = tpu.memref_slice %arg3[%dma_start3A_10, %add3A_8] : memref<2x320000xi32, #tpu.memory_space<hbm>> -> memref<2x128xi32, #tpu.memory_space<hbm>>
    tpu.enqueue_dma source(%dma_start3A_11 : memref<2x128xi32, #tpu.memory_space<hbm>>) target(%arg6 : memref<2x128xi32, #tpu.memory_space<vmem>>) target_semaphore(%arg8 : memref<!tpu.dma_semaphore, #tpu.memory_space<semaphore_mem>>)
    %add3A_12 = arith.constant 128 : i32
    %add3A_13 = arith.addi %mul3A_6, %add3A_12 : i32
    %dma_start3A_14 = arith.constant 0 : i32
    %dma_start3A_15 = tpu.memref_slice %arg3[%dma_start3A_14, %add3A_13] : memref<2x320000xi32, #tpu.memory_space<hbm>> -> memref<2x128xi32, #tpu.memory_space<hbm>>
    %dma_start3A_16 = arith.constant 0 : i32
    %dma_start3A_17 = tpu.memref_slice %arg3[%dma_start3A_16, %add3A_13] : memref<2x320000xi32, #tpu.memory_space<hbm>> -> memref<2x128xi32, #tpu.memory_space<hbm>>
    tpu.enqueue_dma source(%dma_start3A_17 : memref<2x128xi32, #tpu.memory_space<hbm>>) target(%arg11 : memref<2x128xi32, #tpu.memory_space<vmem>>) target_semaphore(%arg13 : memref<!tpu.dma_semaphore, #tpu.memory_space<semaphore_mem>>)
    %mul3A_18 = arith.constant 624 : i32
    %mul3A_19 = arith.muli %arg1, %mul3A_18 : i32
    %eq3A = arith.constant 0 : i32
    %eq3A_20 = arith.cmpi eq, %arg0, %eq3A : i32
    %convert_element_type3A = arith.extui %eq3A_20 : i1 to i32
    %cond3A = arith.constant 0 : i32
    %cond3A_21 = arith.cmpi ne, %convert_element_type3A, %cond3A : i32
    scf.if %cond3A_21 {
      "tpu.region"() ({
        %run_scoped3A = tpu.sem_alloc : memref<!tpu.dma_semaphore, #tpu.memory_space<semaphore_mem>>
        %dma_start3A_66 = arith.constant 0 : i32
        %dma_start3A_67 = tpu.memref_slice %arg21[%mul3A_19, %dma_start3A_66] : memref<10000x128xf32, #tpu.memory_space<vmem_shared>> -> memref<624x128xf32, #tpu.memory_space<vmem_shared>>
        %dma_start3A_68 = arith.constant 0 : i32
        %dma_start3A_69 = tpu.memref_slice %arg2[%mul3A_19, %dma_start3A_68] : memref<10000x128xf32, #tpu.memory_space<hbm>> -> memref<624x128xf32, #tpu.memory_space<hbm>>
        tpu.enqueue_dma source(%dma_start3A_69 : memref<624x128xf32, #tpu.memory_space<hbm>>) target(%dma_start3A_67 : memref<624x128xf32, #tpu.memory_space<vmem_shared>>) target_semaphore(%run_scoped3A : memref<!tpu.dma_semaphore, #tpu.memory_space<semaphore_mem>>)
        %dma_wait3A_70 = arith.constant 0 : i32
        %dma_wait3A_71 = tpu.memref_slice %arg21[%mul3A_19, %dma_wait3A_70] : memref<10000x128xf32, #tpu.memory_space<vmem_shared>> -> memref<624x128xf32, #tpu.memory_space<vmem_shared>>
        %dma_wait3A_72 = arith.constant 0 : i32
        %dma_wait3A_73 = tpu.memref_slice %arg2[%mul3A_19, %dma_wait3A_72] : memref<10000x128xf32, #tpu.memory_space<hbm>> -> memref<624x128xf32, #tpu.memory_space<hbm>>
        tpu.wait_dma2 semaphore(%run_scoped3A : memref<!tpu.dma_semaphore, #tpu.memory_space<semaphore_mem>>) src(%dma_wait3A_73 : memref<624x128xf32, #tpu.memory_space<hbm>>) dst(%dma_wait3A_71 : memref<624x128xf32, #tpu.memory_space<vmem_shared>>)
        tpu.yield
      }) : () -> ()
    } else {
    }
    %eq3A_22 = arith.constant 1 : i32
    %eq3A_23 = arith.cmpi eq, %arg0, %eq3A_22 : i32
    %convert_element_type3A_24 = arith.extui %eq3A_23 : i1 to i32
    %cond3A_25 = arith.constant 0 : i32
    %cond3A_26 = arith.cmpi ne, %convert_element_type3A_24, %cond3A_25 : i32
    scf.if %cond3A_26 {
      "tpu.region"() ({
        %run_scoped3A = tpu.sem_alloc : memref<!tpu.dma_semaphore, #tpu.memory_space<semaphore_mem>>
        %dma_start3A_66 = arith.constant 0 : i32
        %dma_start3A_67 = tpu.memref_slice %arg21[%mul3A_19, %dma_start3A_66] : memref<10000x128xf32, #tpu.memory_space<vmem_shared>> -> memref<624x128xf32, #tpu.memory_space<vmem_shared>>
        %dma_start3A_68 = arith.constant 0 : i32
        %dma_start3A_69 = tpu.memref_slice %arg4[%mul3A_19, %dma_start3A_68] : memref<10000x128xf32, #tpu.memory_space<hbm>> -> memref<624x128xf32, #tpu.memory_space<hbm>>
        tpu.enqueue_dma source(%dma_start3A_69 : memref<624x128xf32, #tpu.memory_space<hbm>>) target(%dma_start3A_67 : memref<624x128xf32, #tpu.memory_space<vmem_shared>>) target_semaphore(%run_scoped3A : memref<!tpu.dma_semaphore, #tpu.memory_space<semaphore_mem>>)
        %dma_wait3A_70 = arith.constant 0 : i32
        %dma_wait3A_71 = tpu.memref_slice %arg21[%mul3A_19, %dma_wait3A_70] : memref<10000x128xf32, #tpu.memory_space<vmem_shared>> -> memref<624x128xf32, #tpu.memory_space<vmem_shared>>
        %dma_wait3A_72 = arith.constant 0 : i32
        %dma_wait3A_73 = tpu.memref_slice %arg4[%mul3A_19, %dma_wait3A_72] : memref<10000x128xf32, #tpu.memory_space<hbm>> -> memref<624x128xf32, #tpu.memory_space<hbm>>
        tpu.wait_dma2 semaphore(%run_scoped3A : memref<!tpu.dma_semaphore, #tpu.memory_space<semaphore_mem>>) src(%dma_wait3A_73 : memref<624x128xf32, #tpu.memory_space<hbm>>) dst(%dma_wait3A_71 : memref<624x128xf32, #tpu.memory_space<vmem_shared>>)
        tpu.yield
      }) : () -> ()
    } else {
    }
    %eq3A_27 = arith.constant 0 : i32
    %eq3A_28 = arith.cmpi eq, %arg1, %eq3A_27 : i32
    %convert_element_type3A_29 = arith.extui %eq3A_28 : i1 to i32
    %cond3A_30 = arith.constant 0 : i32
    %cond3A_31 = arith.cmpi ne, %convert_element_type3A_29, %cond3A_30 : i32
    scf.if %cond3A_31 {
      %eq3A_66 = arith.constant 0 : i32
      %eq3A_67 = arith.cmpi eq, %arg0, %eq3A_66 : i32
      %convert_element_type3A_68 = arith.extui %eq3A_67 : i1 to i32
      %cond3A_69 = arith.constant 0 : i32
      %cond3A_70 = arith.cmpi ne, %convert_element_type3A_68, %cond3A_69 : i32
      scf.if %cond3A_70 {
        "tpu.region"() ({
          %run_scoped3A = tpu.sem_alloc : memref<!tpu.dma_semaphore, #tpu.memory_space<semaphore_mem>>
          %dma_start3A_76 = arith.constant 9984 : i32
          %dma_start3A_77 = arith.constant 0 : i32
          %dma_start3A_78 = tpu.memref_slice %arg21[%dma_start3A_76, %dma_start3A_77] : memref<10000x128xf32, #tpu.memory_space<vmem_shared>> -> memref<16x128xf32, #tpu.memory_space<vmem_shared>>
          %dma_start3A_79 = arith.constant 9984 : i32
          %dma_start3A_80 = arith.constant 0 : i32
          %dma_start3A_81 = tpu.memref_slice %arg2[%dma_start3A_79, %dma_start3A_80] : memref<10000x128xf32, #tpu.memory_space<hbm>> -> memref<16x128xf32, #tpu.memory_space<hbm>>
          tpu.enqueue_dma source(%dma_start3A_81 : memref<16x128xf32, #tpu.memory_space<hbm>>) target(%dma_start3A_78 : memref<16x128xf32, #tpu.memory_space<vmem_shared>>) target_semaphore(%run_scoped3A : memref<!tpu.dma_semaphore, #tpu.memory_space<semaphore_mem>>)
          %dma_wait3A_82 = arith.constant 9984 : i32
          %dma_wait3A_83 = arith.constant 0 : i32
          %dma_wait3A_84 = tpu.memref_slice %arg21[%dma_wait3A_82, %dma_wait3A_83] : memref<10000x128xf32, #tpu.memory_space<vmem_shared>> -> memref<16x128xf32, #tpu.memory_space<vmem_shared>>
          %dma_wait3A_85 = arith.constant 9984 : i32
          %dma_wait3A_86 = arith.constant 0 : i32
          %dma_wait3A_87 = tpu.memref_slice %arg2[%dma_wait3A_85, %dma_wait3A_86] : memref<10000x128xf32, #tpu.memory_space<hbm>> -> memref<16x128xf32, #tpu.memory_space<hbm>>
          tpu.wait_dma2 semaphore(%run_scoped3A : memref<!tpu.dma_semaphore, #tpu.memory_space<semaphore_mem>>) src(%dma_wait3A_87 : memref<16x128xf32, #tpu.memory_space<hbm>>) dst(%dma_wait3A_84 : memref<16x128xf32, #tpu.memory_space<vmem_shared>>)
          tpu.yield
        }) : () -> ()
      } else {
      }
      %eq3A_71 = arith.constant 1 : i32
      %eq3A_72 = arith.cmpi eq, %arg0, %eq3A_71 : i32
      %convert_element_type3A_73 = arith.extui %eq3A_72 : i1 to i32
      %cond3A_74 = arith.constant 0 : i32
      %cond3A_75 = arith.cmpi ne, %convert_element_type3A_73, %cond3A_74 : i32
      scf.if %cond3A_75 {
        "tpu.region"() ({
          %run_scoped3A = tpu.sem_alloc : memref<!tpu.dma_semaphore, #tpu.memory_space<semaphore_mem>>
          %dma_start3A_76 = arith.constant 9984 : i32
          %dma_start3A_77 = arith.constant 0 : i32
          %dma_start3A_78 = tpu.memref_slice %arg21[%dma_start3A_76, %dma_start3A_77] : memref<10000x128xf32, #tpu.memory_space<vmem_shared>> -> memref<16x128xf32, #tpu.memory_space<vmem_shared>>
          %dma_start3A_79 = arith.constant 9984 : i32
          %dma_start3A_80 = arith.constant 0 : i32
          %dma_start3A_81 = tpu.memref_slice %arg4[%dma_start3A_79, %dma_start3A_80] : memref<10000x128xf32, #tpu.memory_space<hbm>> -> memref<16x128xf32, #tpu.memory_space<hbm>>
          tpu.enqueue_dma source(%dma_start3A_81 : memref<16x128xf32, #tpu.memory_space<hbm>>) target(%dma_start3A_78 : memref<16x128xf32, #tpu.memory_space<vmem_shared>>) target_semaphore(%run_scoped3A : memref<!tpu.dma_semaphore, #tpu.memory_space<semaphore_mem>>)
          %dma_wait3A_82 = arith.constant 9984 : i32
          %dma_wait3A_83 = arith.constant 0 : i32
          %dma_wait3A_84 = tpu.memref_slice %arg21[%dma_wait3A_82, %dma_wait3A_83] : memref<10000x128xf32, #tpu.memory_space<vmem_shared>> -> memref<16x128xf32, #tpu.memory_space<vmem_shared>>
          %dma_wait3A_85 = arith.constant 9984 : i32
          %dma_wait3A_86 = arith.constant 0 : i32
          %dma_wait3A_87 = tpu.memref_slice %arg4[%dma_wait3A_85, %dma_wait3A_86] : memref<10000x128xf32, #tpu.memory_space<hbm>> -> memref<16x128xf32, #tpu.memory_space<hbm>>
          tpu.wait_dma2 semaphore(%run_scoped3A : memref<!tpu.dma_semaphore, #tpu.memory_space<semaphore_mem>>) src(%dma_wait3A_87 : memref<16x128xf32, #tpu.memory_space<hbm>>) dst(%dma_wait3A_84 : memref<16x128xf32, #tpu.memory_space<vmem_shared>>)
          tpu.yield
        }) : () -> ()
      } else {
      }
    } else {
    }
    %dma_wait3A = arith.constant 0 : i32
    %dma_wait3A_32 = arith.constant 0 : i32
    %dma_wait3A_33 = tpu.memref_slice %arg3[%dma_wait3A, %dma_wait3A_32] : memref<2x320000xi32, #tpu.memory_space<hbm>> -> memref<2x128xi32, #tpu.memory_space<hbm>>
    %dma_wait3A_34 = arith.constant 0 : i32
    %dma_wait3A_35 = arith.constant 0 : i32
    %dma_wait3A_36 = tpu.memref_slice %arg3[%dma_wait3A_34, %dma_wait3A_35] : memref<2x320000xi32, #tpu.memory_space<hbm>> -> memref<2x128xi32, #tpu.memory_space<hbm>>
    tpu.wait_dma2 semaphore(%arg8 : memref<!tpu.dma_semaphore, #tpu.memory_space<semaphore_mem>>) src(%dma_wait3A_36 : memref<2x128xi32, #tpu.memory_space<hbm>>) dst(%arg6 : memref<2x128xi32, #tpu.memory_space<vmem>>)
    %dma_start3A_37 = arith.constant 0 : i32
    %dma_start3A_38 = arith.constant 0 : i32
    %dma_start3A_39 = tpu.memref_slice %arg6[%dma_start3A_37, %dma_start3A_38] : memref<2x128xi32, #tpu.memory_space<vmem>> -> memref<1x128xi32, #tpu.memory_space<vmem>>
    %dma_start3A_40 = tpu.memref_squeeze %dma_start3A_39 : memref<1x128xi32, #tpu.memory_space<vmem>> -> memref<128xi32, #tpu.memory_space<vmem>>
    %dma_start3A_41 = arith.constant 0 : i32
    %dma_start3A_42 = arith.constant 0 : i32
    %dma_start3A_43 = tpu.memref_slice %arg2[%dma_start3A_41, %dma_start3A_42] : memref<10000x128xf32, #tpu.memory_space<hbm>> -> memref<10000x128xf32, #tpu.memory_space<hbm>>
    tpu.enqueue_indirect_dma source(%dma_start3A_43 : memref<10000x128xf32, #tpu.memory_space<hbm>>) target(%arg7 : memref<128x128xf32, #tpu.memory_space<vmem>>) offsets(%dma_start3A_40 : memref<128xi32, #tpu.memory_space<vmem>>) semaphore(%arg9 : memref<!tpu.dma_semaphore, #tpu.memory_space<semaphore_mem>>)
    %barrier3A = arith.constant 0 : index
    tpu.barrier barrier_id(%barrier3A)
    %scan3A = arith.constant 0 : i32
    %scan3A_44 = arith.constant 0 : i32
    %scan3A_45 = arith.constant 26 : i32
    %scan3A_46 = arith.addi %scan3A_44, %scan3A_45 : i32
    %scan3A_47 = arith.constant 1 : i32
    scf.for %scan3A_66 = %scan3A_44 to %scan3A_46 step %scan3A_47  : i32 {
      %mul3A_67 = arith.constant 3 : i32
      %mul3A_68 = arith.muli %scan3A_66, %mul3A_67 : i32
      %add3A_69 = arith.constant 0 : i32
      %add3A_70 = arith.addi %mul3A_68, %add3A_69 : i32
      %dma_wait3A_71 = arith.constant 0 : i32
      %dma_wait3A_72 = arith.constant 0 : i32
      %dma_wait3A_73 = tpu.memref_slice %arg6[%dma_wait3A_71, %dma_wait3A_72] : memref<2x128xi32, #tpu.memory_space<vmem>> -> memref<1x128xi32, #tpu.memory_space<vmem>>
      %dma_wait3A_74 = tpu.memref_squeeze %dma_wait3A_73 : memref<1x128xi32, #tpu.memory_space<vmem>> -> memref<128xi32, #tpu.memory_space<vmem>>
      %dma_wait3A_75 = arith.constant 0 : i32
      %dma_wait3A_76 = arith.constant 0 : i32
      %dma_wait3A_77 = tpu.memref_slice %arg2[%dma_wait3A_75, %dma_wait3A_76] : memref<10000x128xf32, #tpu.memory_space<hbm>> -> memref<10000x128xf32, #tpu.memory_space<hbm>>
      tpu.wait_indirect_dma semaphore(%arg9 : memref<!tpu.dma_semaphore, #tpu.memory_space<semaphore_mem>>) src(%dma_wait3A_77 : memref<10000x128xf32, #tpu.memory_space<hbm>>) dst(%arg7 : memref<128x128xf32, #tpu.memory_space<vmem>>)
      %dma_start3A_78 = arith.constant 1 : i32
      %dma_start3A_79 = arith.constant 0 : i32
      %dma_start3A_80 = tpu.memref_slice %arg6[%dma_start3A_78, %dma_start3A_79] : memref<2x128xi32, #tpu.memory_space<vmem>> -> memref<1x128xi32, #tpu.memory_space<vmem>>
      %dma_start3A_81 = tpu.memref_squeeze %dma_start3A_80 : memref<1x128xi32, #tpu.memory_space<vmem>> -> memref<128xi32, #tpu.memory_space<vmem>>
      %dma_start3A_82 = arith.constant 0 : i32
      %dma_start3A_83 = arith.constant 0 : i32
      %dma_start3A_84 = tpu.memref_slice %arg21[%dma_start3A_82, %dma_start3A_83] : memref<10000x128xf32, #tpu.memory_space<vmem_shared>> -> memref<10000x128xf32, #tpu.memory_space<vmem_shared>>
      tpu.enqueue_indirect_dma source(%arg7 : memref<128x128xf32, #tpu.memory_space<vmem>>) target(%dma_start3A_84 : memref<10000x128xf32, #tpu.memory_space<vmem_shared>>) offsets(%dma_start3A_81 : memref<128xi32, #tpu.memory_space<vmem>>) semaphore(%arg10 : memref<!tpu.dma_semaphore, #tpu.memory_space<semaphore_mem>>) {add = true}
      %ge3A = arith.constant 1 : i32
      %ge3A_85 = arith.cmpi sge, %add3A_70, %ge3A : i32
      %convert_element_type3A_86 = arith.extui %ge3A_85 : i1 to i32
      %cond3A_87 = arith.constant 0 : i32
      %cond3A_88 = arith.cmpi ne, %convert_element_type3A_86, %cond3A_87 : i32
      scf.if %cond3A_88 {
        %dma_wait3A_177 = arith.constant 1 : i32
        %dma_wait3A_178 = arith.constant 0 : i32
        %dma_wait3A_179 = tpu.memref_slice %arg16[%dma_wait3A_177, %dma_wait3A_178] : memref<2x128xi32, #tpu.memory_space<vmem>> -> memref<1x128xi32, #tpu.memory_space<vmem>>
        %dma_wait3A_180 = tpu.memref_squeeze %dma_wait3A_179 : memref<1x128xi32, #tpu.memory_space<vmem>> -> memref<128xi32, #tpu.memory_space<vmem>>
        %dma_wait3A_181 = arith.constant 0 : i32
        %dma_wait3A_182 = arith.constant 0 : i32
        %dma_wait3A_183 = tpu.memref_slice %arg21[%dma_wait3A_181, %dma_wait3A_182] : memref<10000x128xf32, #tpu.memory_space<vmem_shared>> -> memref<10000x128xf32, #tpu.memory_space<vmem_shared>>
        tpu.wait_indirect_dma semaphore(%arg20 : memref<!tpu.dma_semaphore, #tpu.memory_space<semaphore_mem>>) src(%arg17 : memref<128x128xf32, #tpu.memory_space<vmem>>) dst(%dma_wait3A_183 : memref<10000x128xf32, #tpu.memory_space<vmem_shared>>)
      } else {
      }
      %add3A_89 = arith.constant 1 : i32
      %add3A_90 = arith.addi %add3A_70, %add3A_89 : i32
      %lt3A_91 = arith.constant 78 : i32
      %lt3A_92 = arith.cmpi slt, %add3A_90, %lt3A_91 : i32
      %convert_element_type3A_93 = arith.extui %lt3A_92 : i1 to i32
      %cond3A_94 = arith.constant 0 : i32
      %cond3A_95 = arith.cmpi ne, %convert_element_type3A_93, %cond3A_94 : i32
      scf.if %cond3A_95 {
        %dma_wait3A_177 = arith.constant 0 : i32
        %dma_wait3A_178 = arith.constant 0 : i32
        %dma_wait3A_179 = tpu.memref_slice %arg3[%dma_wait3A_177, %dma_wait3A_178] : memref<2x320000xi32, #tpu.memory_space<hbm>> -> memref<2x128xi32, #tpu.memory_space<hbm>>
        %dma_wait3A_180 = arith.constant 0 : i32
        %dma_wait3A_181 = arith.constant 0 : i32
        %dma_wait3A_182 = tpu.memref_slice %arg3[%dma_wait3A_180, %dma_wait3A_181] : memref<2x320000xi32, #tpu.memory_space<hbm>> -> memref<2x128xi32, #tpu.memory_space<hbm>>
        tpu.wait_dma2 semaphore(%arg13 : memref<!tpu.dma_semaphore, #tpu.memory_space<semaphore_mem>>) src(%dma_wait3A_182 : memref<2x128xi32, #tpu.memory_space<hbm>>) dst(%arg11 : memref<2x128xi32, #tpu.memory_space<vmem>>)
        %dma_start3A_183 = arith.constant 0 : i32
        %dma_start3A_184 = arith.constant 0 : i32
        %dma_start3A_185 = tpu.memref_slice %arg11[%dma_start3A_183, %dma_start3A_184] : memref<2x128xi32, #tpu.memory_space<vmem>> -> memref<1x128xi32, #tpu.memory_space<vmem>>
        %dma_start3A_186 = tpu.memref_squeeze %dma_start3A_185 : memref<1x128xi32, #tpu.memory_space<vmem>> -> memref<128xi32, #tpu.memory_space<vmem>>
        %dma_start3A_187 = arith.constant 0 : i32
        %dma_start3A_188 = arith.constant 0 : i32
        %dma_start3A_189 = tpu.memref_slice %arg2[%dma_start3A_187, %dma_start3A_188] : memref<10000x128xf32, #tpu.memory_space<hbm>> -> memref<10000x128xf32, #tpu.memory_space<hbm>>
        tpu.enqueue_indirect_dma source(%dma_start3A_189 : memref<10000x128xf32, #tpu.memory_space<hbm>>) target(%arg12 : memref<128x128xf32, #tpu.memory_space<vmem>>) offsets(%dma_start3A_186 : memref<128xi32, #tpu.memory_space<vmem>>) semaphore(%arg14 : memref<!tpu.dma_semaphore, #tpu.memory_space<semaphore_mem>>)
      } else {
      }
      %add3A_96 = arith.constant 2 : i32
      %add3A_97 = arith.addi %add3A_70, %add3A_96 : i32
      %lt3A_98 = arith.constant 78 : i32
      %lt3A_99 = arith.cmpi slt, %add3A_97, %lt3A_98 : i32
      %convert_element_type3A_100 = arith.extui %lt3A_99 : i1 to i32
      %cond3A_101 = arith.constant 0 : i32
      %cond3A_102 = arith.cmpi ne, %convert_element_type3A_100, %cond3A_101 : i32
      scf.if %cond3A_102 {
        %add3A_177 = arith.constant 2 : i32
        %add3A_178 = arith.addi %add3A_70, %add3A_177 : i32
        %mul3A_179 = arith.constant 128 : i32
        %mul3A_180 = arith.muli %add3A_178, %mul3A_179 : i32
        %add3A_181 = arith.addi %mul3A_6, %mul3A_180 : i32
        %dma_start3A_182 = arith.constant 0 : i32
        %dma_start3A_183 = tpu.memref_slice %arg3[%dma_start3A_182, %add3A_181] : memref<2x320000xi32, #tpu.memory_space<hbm>> -> memref<2x128xi32, #tpu.memory_space<hbm>>
        %dma_start3A_184 = arith.constant 0 : i32
        %dma_start3A_185 = tpu.memref_slice %arg3[%dma_start3A_184, %add3A_181] : memref<2x320000xi32, #tpu.memory_space<hbm>> -> memref<2x128xi32, #tpu.memory_space<hbm>>
        tpu.enqueue_dma source(%dma_start3A_185 : memref<2x128xi32, #tpu.memory_space<hbm>>) target(%arg16 : memref<2x128xi32, #tpu.memory_space<vmem>>) target_semaphore(%arg18 : memref<!tpu.dma_semaphore, #tpu.memory_space<semaphore_mem>>)
      } else {
      }
      %mul3A_103 = arith.constant 3 : i32
      %mul3A_104 = arith.muli %scan3A_66, %mul3A_103 : i32
      %add3A_105 = arith.constant 1 : i32
      %add3A_106 = arith.addi %mul3A_104, %add3A_105 : i32
      %dma_wait3A_107 = arith.constant 0 : i32
      %dma_wait3A_108 = arith.constant 0 : i32
      %dma_wait3A_109 = tpu.memref_slice %arg11[%dma_wait3A_107, %dma_wait3A_108] : memref<2x128xi32, #tpu.memory_space<vmem>> -> memref<1x128xi32, #tpu.memory_space<vmem>>
      %dma_wait3A_110 = tpu.memref_squeeze %dma_wait3A_109 : memref<1x128xi32, #tpu.memory_space<vmem>> -> memref<128xi32, #tpu.memory_space<vmem>>
      %dma_wait3A_111 = arith.constant 0 : i32
      %dma_wait3A_112 = arith.constant 0 : i32
      %dma_wait3A_113 = tpu.memref_slice %arg2[%dma_wait3A_111, %dma_wait3A_112] : memref<10000x128xf32, #tpu.memory_space<hbm>> -> memref<10000x128xf32, #tpu.memory_space<hbm>>
      tpu.wait_indirect_dma semaphore(%arg14 : memref<!tpu.dma_semaphore, #tpu.memory_space<semaphore_mem>>) src(%dma_wait3A_113 : memref<10000x128xf32, #tpu.memory_space<hbm>>) dst(%arg12 : memref<128x128xf32, #tpu.memory_space<vmem>>)
      %dma_start3A_114 = arith.constant 1 : i32
      %dma_start3A_115 = arith.constant 0 : i32
      %dma_start3A_116 = tpu.memref_slice %arg11[%dma_start3A_114, %dma_start3A_115] : memref<2x128xi32, #tpu.memory_space<vmem>> -> memref<1x128xi32, #tpu.memory_space<vmem>>
      %dma_start3A_117 = tpu.memref_squeeze %dma_start3A_116 : memref<1x128xi32, #tpu.memory_space<vmem>> -> memref<128xi32, #tpu.memory_space<vmem>>
      %dma_start3A_118 = arith.constant 0 : i32
      %dma_start3A_119 = arith.constant 0 : i32
      %dma_start3A_120 = tpu.memref_slice %arg21[%dma_start3A_118, %dma_start3A_119] : memref<10000x128xf32, #tpu.memory_space<vmem_shared>> -> memref<10000x128xf32, #tpu.memory_space<vmem_shared>>
      tpu.enqueue_indirect_dma source(%arg12 : memref<128x128xf32, #tpu.memory_space<vmem>>) target(%dma_start3A_120 : memref<10000x128xf32, #tpu.memory_space<vmem_shared>>) offsets(%dma_start3A_117 : memref<128xi32, #tpu.memory_space<vmem>>) semaphore(%arg15 : memref<!tpu.dma_semaphore, #tpu.memory_space<semaphore_mem>>) {add = true}
      %ge3A_121 = arith.constant 1 : i32
      %ge3A_122 = arith.cmpi sge, %add3A_106, %ge3A_121 : i32
      %convert_element_type3A_123 = arith.extui %ge3A_122 : i1 to i32
      %cond3A_124 = arith.constant 0 : i32
      %cond3A_125 = arith.cmpi ne, %convert_element_type3A_123, %cond3A_124 : i32
      scf.if %cond3A_125 {
        %dma_wait3A_177 = arith.constant 1 : i32
        %dma_wait3A_178 = arith.constant 0 : i32
        %dma_wait3A_179 = tpu.memref_slice %arg6[%dma_wait3A_177, %dma_wait3A_178] : memref<2x128xi32, #tpu.memory_space<vmem>> -> memref<1x128xi32, #tpu.memory_space<vmem>>
        %dma_wait3A_180 = tpu.memref_squeeze %dma_wait3A_179 : memref<1x128xi32, #tpu.memory_space<vmem>> -> memref<128xi32, #tpu.memory_space<vmem>>
        %dma_wait3A_181 = arith.constant 0 : i32
        %dma_wait3A_182 = arith.constant 0 : i32
        %dma_wait3A_183 = tpu.memref_slice %arg21[%dma_wait3A_181, %dma_wait3A_182] : memref<10000x128xf32, #tpu.memory_space<vmem_shared>> -> memref<10000x128xf32, #tpu.memory_space<vmem_shared>>
        tpu.wait_indirect_dma semaphore(%arg10 : memref<!tpu.dma_semaphore, #tpu.memory_space<semaphore_mem>>) src(%arg7 : memref<128x128xf32, #tpu.memory_space<vmem>>) dst(%dma_wait3A_183 : memref<10000x128xf32, #tpu.memory_space<vmem_shared>>)
      } else {
      }
      %add3A_126 = arith.constant 1 : i32
      %add3A_127 = arith.addi %add3A_106, %add3A_126 : i32
      %lt3A_128 = arith.constant 78 : i32
      %lt3A_129 = arith.cmpi slt, %add3A_127, %lt3A_128 : i32
      %convert_element_type3A_130 = arith.extui %lt3A_129 : i1 to i32
      %cond3A_131 = arith.constant 0 : i32
      %cond3A_132 = arith.cmpi ne, %convert_element_type3A_130, %cond3A_131 : i32
      scf.if %cond3A_132 {
        %dma_wait3A_177 = arith.constant 0 : i32
        %dma_wait3A_178 = arith.constant 0 : i32
        %dma_wait3A_179 = tpu.memref_slice %arg3[%dma_wait3A_177, %dma_wait3A_178] : memref<2x320000xi32, #tpu.memory_space<hbm>> -> memref<2x128xi32, #tpu.memory_space<hbm>>
        %dma_wait3A_180 = arith.constant 0 : i32
        %dma_wait3A_181 = arith.constant 0 : i32
        %dma_wait3A_182 = tpu.memref_slice %arg3[%dma_wait3A_180, %dma_wait3A_181] : memref<2x320000xi32, #tpu.memory_space<hbm>> -> memref<2x128xi32, #tpu.memory_space<hbm>>
        tpu.wait_dma2 semaphore(%arg18 : memref<!tpu.dma_semaphore, #tpu.memory_space<semaphore_mem>>) src(%dma_wait3A_182 : memref<2x128xi32, #tpu.memory_space<hbm>>) dst(%arg16 : memref<2x128xi32, #tpu.memory_space<vmem>>)
        %dma_start3A_183 = arith.constant 0 : i32
        %dma_start3A_184 = arith.constant 0 : i32
        %dma_start3A_185 = tpu.memref_slice %arg16[%dma_start3A_183, %dma_start3A_184] : memref<2x128xi32, #tpu.memory_space<vmem>> -> memref<1x128xi32, #tpu.memory_space<vmem>>
        %dma_start3A_186 = tpu.memref_squeeze %dma_start3A_185 : memref<1x128xi32, #tpu.memory_space<vmem>> -> memref<128xi32, #tpu.memory_space<vmem>>
        %dma_start3A_187 = arith.constant 0 : i32
        %dma_start3A_188 = arith.constant 0 : i32
        %dma_start3A_189 = tpu.memref_slice %arg2[%dma_start3A_187, %dma_start3A_188] : memref<10000x128xf32, #tpu.memory_space<hbm>> -> memref<10000x128xf32, #tpu.memory_space<hbm>>
        tpu.enqueue_indirect_dma source(%dma_start3A_189 : memref<10000x128xf32, #tpu.memory_space<hbm>>) target(%arg17 : memref<128x128xf32, #tpu.memory_space<vmem>>) offsets(%dma_start3A_186 : memref<128xi32, #tpu.memory_space<vmem>>) semaphore(%arg19 : memref<!tpu.dma_semaphore, #tpu.memory_space<semaphore_mem>>)
      } else {
      }
      %add3A_133 = arith.constant 2 : i32
      %add3A_134 = arith.addi %add3A_106, %add3A_133 : i32
      %lt3A_135 = arith.constant 78 : i32
      %lt3A_136 = arith.cmpi slt, %add3A_134, %lt3A_135 : i32
      %convert_element_type3A_137 = arith.extui %lt3A_136 : i1 to i32
      %cond3A_138 = arith.constant 0 : i32
      %cond3A_139 = arith.cmpi ne, %convert_element_type3A_137, %cond3A_138 : i32
      scf.if %cond3A_139 {
        %add3A_177 = arith.constant 2 : i32
        %add3A_178 = arith.addi %add3A_106, %add3A_177 : i32
        %mul3A_179 = arith.constant 128 : i32
        %mul3A_180 = arith.muli %add3A_178, %mul3A_179 : i32
        %add3A_181 = arith.addi %mul3A_6, %mul3A_180 : i32
        %dma_start3A_182 = arith.constant 0 : i32
        %dma_start3A_183 = tpu.memref_slice %arg3[%dma_start3A_182, %add3A_181] : memref<2x320000xi32, #tpu.memory_space<hbm>> -> memref<2x128xi32, #tpu.memory_space<hbm>>
        %dma_start3A_184 = arith.constant 0 : i32
        %dma_start3A_185 = tpu.memref_slice %arg3[%dma_start3A_184, %add3A_181] : memref<2x320000xi32, #tpu.memory_space<hbm>> -> memref<2x128xi32, #tpu.memory_space<hbm>>
        tpu.enqueue_dma source(%dma_start3A_185 : memref<2x128xi32, #tpu.memory_space<hbm>>) target(%arg6 : memref<2x128xi32, #tpu.memory_space<vmem>>) target_semaphore(%arg8 : memref<!tpu.dma_semaphore, #tpu.memory_space<semaphore_mem>>)
      } else {
      }
      %mul3A_140 = arith.constant 3 : i32
      %mul3A_141 = arith.muli %scan3A_66, %mul3A_140 : i32
      %add3A_142 = arith.constant 2 : i32
      %add3A_143 = arith.addi %mul3A_141, %add3A_142 : i32
      %dma_wait3A_144 = arith.constant 0 : i32
      %dma_wait3A_145 = arith.constant 0 : i32
      %dma_wait3A_146 = tpu.memref_slice %arg16[%dma_wait3A_144, %dma_wait3A_145] : memref<2x128xi32, #tpu.memory_space<vmem>> -> memref<1x128xi32, #tpu.memory_space<vmem>>
      %dma_wait3A_147 = tpu.memref_squeeze %dma_wait3A_146 : memref<1x128xi32, #tpu.memory_space<vmem>> -> memref<128xi32, #tpu.memory_space<vmem>>
      %dma_wait3A_148 = arith.constant 0 : i32
      %dma_wait3A_149 = arith.constant 0 : i32
      %dma_wait3A_150 = tpu.memref_slice %arg2[%dma_wait3A_148, %dma_wait3A_149] : memref<10000x128xf32, #tpu.memory_space<hbm>> -> memref<10000x128xf32, #tpu.memory_space<hbm>>
      tpu.wait_indirect_dma semaphore(%arg19 : memref<!tpu.dma_semaphore, #tpu.memory_space<semaphore_mem>>) src(%dma_wait3A_150 : memref<10000x128xf32, #tpu.memory_space<hbm>>) dst(%arg17 : memref<128x128xf32, #tpu.memory_space<vmem>>)
      %dma_start3A_151 = arith.constant 1 : i32
      %dma_start3A_152 = arith.constant 0 : i32
      %dma_start3A_153 = tpu.memref_slice %arg16[%dma_start3A_151, %dma_start3A_152] : memref<2x128xi32, #tpu.memory_space<vmem>> -> memref<1x128xi32, #tpu.memory_space<vmem>>
      %dma_start3A_154 = tpu.memref_squeeze %dma_start3A_153 : memref<1x128xi32, #tpu.memory_space<vmem>> -> memref<128xi32, #tpu.memory_space<vmem>>
      %dma_start3A_155 = arith.constant 0 : i32
      %dma_start3A_156 = arith.constant 0 : i32
      %dma_start3A_157 = tpu.memref_slice %arg21[%dma_start3A_155, %dma_start3A_156] : memref<10000x128xf32, #tpu.memory_space<vmem_shared>> -> memref<10000x128xf32, #tpu.memory_space<vmem_shared>>
      tpu.enqueue_indirect_dma source(%arg17 : memref<128x128xf32, #tpu.memory_space<vmem>>) target(%dma_start3A_157 : memref<10000x128xf32, #tpu.memory_space<vmem_shared>>) offsets(%dma_start3A_154 : memref<128xi32, #tpu.memory_space<vmem>>) semaphore(%arg20 : memref<!tpu.dma_semaphore, #tpu.memory_space<semaphore_mem>>) {add = true}
      %ge3A_158 = arith.constant 1 : i32
      %ge3A_159 = arith.cmpi sge, %add3A_143, %ge3A_158 : i32
      %convert_element_type3A_160 = arith.extui %ge3A_159 : i1 to i32
      %cond3A_161 = arith.constant 0 : i32
      %cond3A_162 = arith.cmpi ne, %convert_element_type3A_160, %cond3A_161 : i32
      scf.if %cond3A_162 {
        %dma_wait3A_177 = arith.constant 1 : i32
        %dma_wait3A_178 = arith.constant 0 : i32
        %dma_wait3A_179 = tpu.memref_slice %arg11[%dma_wait3A_177, %dma_wait3A_178] : memref<2x128xi32, #tpu.memory_space<vmem>> -> memref<1x128xi32, #tpu.memory_space<vmem>>
        %dma_wait3A_180 = tpu.memref_squeeze %dma_wait3A_179 : memref<1x128xi32, #tpu.memory_space<vmem>> -> memref<128xi32, #tpu.memory_space<vmem>>
        %dma_wait3A_181 = arith.constant 0 : i32
        %dma_wait3A_182 = arith.constant 0 : i32
        %dma_wait3A_183 = tpu.memref_slice %arg21[%dma_wait3A_181, %dma_wait3A_182] : memref<10000x128xf32, #tpu.memory_space<vmem_shared>> -> memref<10000x128xf32, #tpu.memory_space<vmem_shared>>
        tpu.wait_indirect_dma semaphore(%arg15 : memref<!tpu.dma_semaphore, #tpu.memory_space<semaphore_mem>>) src(%arg12 : memref<128x128xf32, #tpu.memory_space<vmem>>) dst(%dma_wait3A_183 : memref<10000x128xf32, #tpu.memory_space<vmem_shared>>)
      } else {
      }
      %add3A_163 = arith.constant 1 : i32
      %add3A_164 = arith.addi %add3A_143, %add3A_163 : i32
      %lt3A_165 = arith.constant 78 : i32
      %lt3A_166 = arith.cmpi slt, %add3A_164, %lt3A_165 : i32
      %convert_element_type3A_167 = arith.extui %lt3A_166 : i1 to i32
      %cond3A_168 = arith.constant 0 : i32
      %cond3A_169 = arith.cmpi ne, %convert_element_type3A_167, %cond3A_168 : i32
      scf.if %cond3A_169 {
        %dma_wait3A_177 = arith.constant 0 : i32
        %dma_wait3A_178 = arith.constant 0 : i32
        %dma_wait3A_179 = tpu.memref_slice %arg3[%dma_wait3A_177, %dma_wait3A_178] : memref<2x320000xi32, #tpu.memory_space<hbm>> -> memref<2x128xi32, #tpu.memory_space<hbm>>
        %dma_wait3A_180 = arith.constant 0 : i32
        %dma_wait3A_181 = arith.constant 0 : i32
        %dma_wait3A_182 = tpu.memref_slice %arg3[%dma_wait3A_180, %dma_wait3A_181] : memref<2x320000xi32, #tpu.memory_space<hbm>> -> memref<2x128xi32, #tpu.memory_space<hbm>>
        tpu.wait_dma2 semaphore(%arg8 : memref<!tpu.dma_semaphore, #tpu.memory_space<semaphore_mem>>) src(%dma_wait3A_182 : memref<2x128xi32, #tpu.memory_space<hbm>>) dst(%arg6 : memref<2x128xi32, #tpu.memory_space<vmem>>)
        %dma_start3A_183 = arith.constant 0 : i32
        %dma_start3A_184 = arith.constant 0 : i32
        %dma_start3A_185 = tpu.memref_slice %arg6[%dma_start3A_183, %dma_start3A_184] : memref<2x128xi32, #tpu.memory_space<vmem>> -> memref<1x128xi32, #tpu.memory_space<vmem>>
        %dma_start3A_186 = tpu.memref_squeeze %dma_start3A_185 : memref<1x128xi32, #tpu.memory_space<vmem>> -> memref<128xi32, #tpu.memory_space<vmem>>
        %dma_start3A_187 = arith.constant 0 : i32
        %dma_start3A_188 = arith.constant 0 : i32
        %dma_start3A_189 = tpu.memref_slice %arg2[%dma_start3A_187, %dma_start3A_188] : memref<10000x128xf32, #tpu.memory_space<hbm>> -> memref<10000x128xf32, #tpu.memory_space<hbm>>
        tpu.enqueue_indirect_dma source(%dma_start3A_189 : memref<10000x128xf32, #tpu.memory_space<hbm>>) target(%arg7 : memref<128x128xf32, #tpu.memory_space<vmem>>) offsets(%dma_start3A_186 : memref<128xi32, #tpu.memory_space<vmem>>) semaphore(%arg9 : memref<!tpu.dma_semaphore, #tpu.memory_space<semaphore_mem>>)
      } else {
      }
      %add3A_170 = arith.constant 2 : i32
      %add3A_171 = arith.addi %add3A_143, %add3A_170 : i32
      %lt3A_172 = arith.constant 78 : i32
      %lt3A_173 = arith.cmpi slt, %add3A_171, %lt3A_172 : i32
      %convert_element_type3A_174 = arith.extui %lt3A_173 : i1 to i32
      %cond3A_175 = arith.constant 0 : i32
      %cond3A_176 = arith.cmpi ne, %convert_element_type3A_174, %cond3A_175 : i32
      scf.if %cond3A_176 {
        %add3A_177 = arith.constant 2 : i32
        %add3A_178 = arith.addi %add3A_143, %add3A_177 : i32
        %mul3A_179 = arith.constant 128 : i32
        %mul3A_180 = arith.muli %add3A_178, %mul3A_179 : i32
        %add3A_181 = arith.addi %mul3A_6, %mul3A_180 : i32
        %dma_start3A_182 = arith.constant 0 : i32
        %dma_start3A_183 = tpu.memref_slice %arg3[%dma_start3A_182, %add3A_181] : memref<2x320000xi32, #tpu.memory_space<hbm>> -> memref<2x128xi32, #tpu.memory_space<hbm>>
        %dma_start3A_184 = arith.constant 0 : i32
        %dma_start3A_185 = tpu.memref_slice %arg3[%dma_start3A_184, %add3A_181] : memref<2x320000xi32, #tpu.memory_space<hbm>> -> memref<2x128xi32, #tpu.memory_space<hbm>>
        tpu.enqueue_dma source(%dma_start3A_185 : memref<2x128xi32, #tpu.memory_space<hbm>>) target(%arg11 : memref<2x128xi32, #tpu.memory_space<vmem>>) target_semaphore(%arg13 : memref<!tpu.dma_semaphore, #tpu.memory_space<semaphore_mem>>)
      } else {
      }
    }
    %scan3A_48 = arith.constant 26 : i32
    %dma_wait3A_49 = arith.constant 1 : i32
    %dma_wait3A_50 = arith.constant 0 : i32
    %dma_wait3A_51 = tpu.memref_slice %arg16[%dma_wait3A_49, %dma_wait3A_50] : memref<2x128xi32, #tpu.memory_space<vmem>> -> memref<1x128xi32, #tpu.memory_space<vmem>>
    %dma_wait3A_52 = tpu.memref_squeeze %dma_wait3A_51 : memref<1x128xi32, #tpu.memory_space<vmem>> -> memref<128xi32, #tpu.memory_space<vmem>>
    %dma_wait3A_53 = arith.constant 0 : i32
    %dma_wait3A_54 = arith.constant 0 : i32
    %dma_wait3A_55 = tpu.memref_slice %arg21[%dma_wait3A_53, %dma_wait3A_54] : memref<10000x128xf32, #tpu.memory_space<vmem_shared>> -> memref<10000x128xf32, #tpu.memory_space<vmem_shared>>
    tpu.wait_indirect_dma semaphore(%arg20 : memref<!tpu.dma_semaphore, #tpu.memory_space<semaphore_mem>>) src(%arg17 : memref<128x128xf32, #tpu.memory_space<vmem>>) dst(%dma_wait3A_55 : memref<10000x128xf32, #tpu.memory_space<vmem_shared>>)
    %lt3A = arith.constant 4 : i32
    %lt3A_56 = arith.cmpi slt, %add3A, %lt3A : i32
    %convert_element_type3A_57 = arith.extui %lt3A_56 : i1 to i32
    %cond3A_58 = arith.constant 0 : i32
    %cond3A_59 = arith.cmpi ne, %convert_element_type3A_57, %cond3A_58 : i32
    scf.if %cond3A_59 {
      %add3A_66 = arith.constant 9984 : i32
      %add3A_67 = arith.addi %mul3A_6, %add3A_66 : i32
      %dma_start3A_68 = arith.constant 0 : i32
      %dma_start3A_69 = tpu.memref_slice %arg3[%dma_start3A_68, %add3A_67] : memref<2x320000xi32, #tpu.memory_space<hbm>> -> memref<2x128xi32, #tpu.memory_space<hbm>>
      %dma_start3A_70 = arith.constant 0 : i32
      %dma_start3A_71 = tpu.memref_slice %arg3[%dma_start3A_70, %add3A_67] : memref<2x320000xi32, #tpu.memory_space<hbm>> -> memref<2x128xi32, #tpu.memory_space<hbm>>
      tpu.enqueue_dma source(%dma_start3A_71 : memref<2x128xi32, #tpu.memory_space<hbm>>) target(%arg6 : memref<2x128xi32, #tpu.memory_space<vmem>>) target_semaphore(%arg8 : memref<!tpu.dma_semaphore, #tpu.memory_space<semaphore_mem>>)
      %dma_wait3A_72 = arith.constant 0 : i32
      %dma_wait3A_73 = arith.constant 0 : i32
      %dma_wait3A_74 = tpu.memref_slice %arg3[%dma_wait3A_72, %dma_wait3A_73] : memref<2x320000xi32, #tpu.memory_space<hbm>> -> memref<2x128xi32, #tpu.memory_space<hbm>>
      %dma_wait3A_75 = arith.constant 0 : i32
      %dma_wait3A_76 = arith.constant 0 : i32
      %dma_wait3A_77 = tpu.memref_slice %arg3[%dma_wait3A_75, %dma_wait3A_76] : memref<2x320000xi32, #tpu.memory_space<hbm>> -> memref<2x128xi32, #tpu.memory_space<hbm>>
      tpu.wait_dma2 semaphore(%arg8 : memref<!tpu.dma_semaphore, #tpu.memory_space<semaphore_mem>>) src(%dma_wait3A_77 : memref<2x128xi32, #tpu.memory_space<hbm>>) dst(%arg6 : memref<2x128xi32, #tpu.memory_space<vmem>>)
      %dma_start3A_78 = arith.constant 0 : i32
      %dma_start3A_79 = arith.constant 0 : i32
      %dma_start3A_80 = tpu.memref_slice %arg6[%dma_start3A_78, %dma_start3A_79] : memref<2x128xi32, #tpu.memory_space<vmem>> -> memref<1x128xi32, #tpu.memory_space<vmem>>
      %dma_start3A_81 = tpu.memref_squeeze %dma_start3A_80 : memref<1x128xi32, #tpu.memory_space<vmem>> -> memref<128xi32, #tpu.memory_space<vmem>>
      %dma_start3A_82 = arith.constant 0 : i32
      %dma_start3A_83 = arith.constant 0 : i32
      %dma_start3A_84 = tpu.memref_slice %arg2[%dma_start3A_82, %dma_start3A_83] : memref<10000x128xf32, #tpu.memory_space<hbm>> -> memref<10000x128xf32, #tpu.memory_space<hbm>>
      tpu.enqueue_indirect_dma source(%dma_start3A_84 : memref<10000x128xf32, #tpu.memory_space<hbm>>) target(%arg7 : memref<128x128xf32, #tpu.memory_space<vmem>>) offsets(%dma_start3A_81 : memref<128xi32, #tpu.memory_space<vmem>>) semaphore(%arg9 : memref<!tpu.dma_semaphore, #tpu.memory_space<semaphore_mem>>)
      %dma_wait3A_85 = arith.constant 0 : i32
      %dma_wait3A_86 = arith.constant 0 : i32
      %dma_wait3A_87 = tpu.memref_slice %arg6[%dma_wait3A_85, %dma_wait3A_86] : memref<2x128xi32, #tpu.memory_space<vmem>> -> memref<1x128xi32, #tpu.memory_space<vmem>>
      %dma_wait3A_88 = tpu.memref_squeeze %dma_wait3A_87 : memref<1x128xi32, #tpu.memory_space<vmem>> -> memref<128xi32, #tpu.memory_space<vmem>>
      %dma_wait3A_89 = arith.constant 0 : i32
      %dma_wait3A_90 = arith.constant 0 : i32
      %dma_wait3A_91 = tpu.memref_slice %arg2[%dma_wait3A_89, %dma_wait3A_90] : memref<10000x128xf32, #tpu.memory_space<hbm>> -> memref<10000x128xf32, #tpu.memory_space<hbm>>
      tpu.wait_indirect_dma semaphore(%arg9 : memref<!tpu.dma_semaphore, #tpu.memory_space<semaphore_mem>>) src(%dma_wait3A_91 : memref<10000x128xf32, #tpu.memory_space<hbm>>) dst(%arg7 : memref<128x128xf32, #tpu.memory_space<vmem>>)
      %dma_start3A_92 = arith.constant 1 : i32
      %dma_start3A_93 = arith.constant 0 : i32
      %dma_start3A_94 = tpu.memref_slice %arg6[%dma_start3A_92, %dma_start3A_93] : memref<2x128xi32, #tpu.memory_space<vmem>> -> memref<1x128xi32, #tpu.memory_space<vmem>>
      %dma_start3A_95 = tpu.memref_squeeze %dma_start3A_94 : memref<1x128xi32, #tpu.memory_space<vmem>> -> memref<128xi32, #tpu.memory_space<vmem>>
      %dma_start3A_96 = arith.constant 0 : i32
      %dma_start3A_97 = arith.constant 0 : i32
      %dma_start3A_98 = tpu.memref_slice %arg21[%dma_start3A_96, %dma_start3A_97] : memref<10000x128xf32, #tpu.memory_space<vmem_shared>> -> memref<10000x128xf32, #tpu.memory_space<vmem_shared>>
      tpu.enqueue_indirect_dma source(%arg7 : memref<128x128xf32, #tpu.memory_space<vmem>>) target(%dma_start3A_98 : memref<10000x128xf32, #tpu.memory_space<vmem_shared>>) offsets(%dma_start3A_95 : memref<128xi32, #tpu.memory_space<vmem>>) semaphore(%arg10 : memref<!tpu.dma_semaphore, #tpu.memory_space<semaphore_mem>>) {add = true}
      %dma_wait3A_99 = arith.constant 1 : i32
      %dma_wait3A_100 = arith.constant 0 : i32
      %dma_wait3A_101 = tpu.memref_slice %arg6[%dma_wait3A_99, %dma_wait3A_100] : memref<2x128xi32, #tpu.memory_space<vmem>> -> memref<1x128xi32, #tpu.memory_space<vmem>>
      %dma_wait3A_102 = tpu.memref_squeeze %dma_wait3A_101 : memref<1x128xi32, #tpu.memory_space<vmem>> -> memref<128xi32, #tpu.memory_space<vmem>>
      %dma_wait3A_103 = arith.constant 0 : i32
      %dma_wait3A_104 = arith.constant 0 : i32
      %dma_wait3A_105 = tpu.memref_slice %arg21[%dma_wait3A_103, %dma_wait3A_104] : memref<10000x128xf32, #tpu.memory_space<vmem_shared>> -> memref<10000x128xf32, #tpu.memory_space<vmem_shared>>
      tpu.wait_indirect_dma semaphore(%arg10 : memref<!tpu.dma_semaphore, #tpu.memory_space<semaphore_mem>>) src(%arg7 : memref<128x128xf32, #tpu.memory_space<vmem>>) dst(%dma_wait3A_105 : memref<10000x128xf32, #tpu.memory_space<vmem_shared>>)
    } else {
    }
    %barrier3A_60 = arith.constant 0 : index
    tpu.barrier barrier_id(%barrier3A_60)
    "tpu.region"() ({
      %run_scoped3A = tpu.sem_alloc : memref<!tpu.dma_semaphore, #tpu.memory_space<semaphore_mem>>
      %dma_start3A_66 = arith.constant 0 : i32
      %dma_start3A_67 = tpu.memref_slice %arg5[%arg0, %mul3A_19, %dma_start3A_66] : memref<2x10000x128xf32, #tpu.memory_space<hbm>> -> memref<1x624x128xf32, #tpu.memory_space<hbm>>
      %dma_start3A_68 = tpu.memref_squeeze %dma_start3A_67 : memref<1x624x128xf32, #tpu.memory_space<hbm>> -> memref<624x128xf32, #tpu.memory_space<hbm>>
      %dma_start3A_69 = arith.constant 0 : i32
      %dma_start3A_70 = tpu.memref_slice %arg21[%mul3A_19, %dma_start3A_69] : memref<10000x128xf32, #tpu.memory_space<vmem_shared>> -> memref<624x128xf32, #tpu.memory_space<vmem_shared>>
      tpu.enqueue_dma source(%dma_start3A_70 : memref<624x128xf32, #tpu.memory_space<vmem_shared>>) target(%dma_start3A_68 : memref<624x128xf32, #tpu.memory_space<hbm>>) target_semaphore(%run_scoped3A : memref<!tpu.dma_semaphore, #tpu.memory_space<semaphore_mem>>)
      %dma_wait3A_71 = arith.constant 0 : i32
      %dma_wait3A_72 = tpu.memref_slice %arg5[%arg0, %mul3A_19, %dma_wait3A_71] : memref<2x10000x128xf32, #tpu.memory_space<hbm>> -> memref<1x624x128xf32, #tpu.memory_space<hbm>>
      %dma_wait3A_73 = tpu.memref_squeeze %dma_wait3A_72 : memref<1x624x128xf32, #tpu.memory_space<hbm>> -> memref<624x128xf32, #tpu.memory_space<hbm>>
      %dma_wait3A_74 = arith.constant 0 : i32
      %dma_wait3A_75 = tpu.memref_slice %arg21[%mul3A_19, %dma_wait3A_74] : memref<10000x128xf32, #tpu.memory_space<vmem_shared>> -> memref<624x128xf32, #tpu.memory_space<vmem_shared>>
      tpu.wait_dma2 semaphore(%run_scoped3A : memref<!tpu.dma_semaphore, #tpu.memory_space<semaphore_mem>>) src(%dma_wait3A_75 : memref<624x128xf32, #tpu.memory_space<vmem_shared>>) dst(%dma_wait3A_73 : memref<624x128xf32, #tpu.memory_space<hbm>>)
      tpu.yield
    }) : () -> ()
    %eq3A_61 = arith.constant 0 : i32
    %eq3A_62 = arith.cmpi eq, %arg1, %eq3A_61 : i32
    %convert_element_type3A_63 = arith.extui %eq3A_62 : i1 to i32
    %cond3A_64 = arith.constant 0 : i32
    %cond3A_65 = arith.cmpi ne, %convert_element_type3A_63, %cond3A_64 : i32
    scf.if %cond3A_65 {
      "tpu.region"() ({
        %run_scoped3A = tpu.sem_alloc : memref<!tpu.dma_semaphore, #tpu.memory_space<semaphore_mem>>
        %dma_start3A_66 = arith.constant 9984 : i32
        %dma_start3A_67 = arith.constant 0 : i32
        %dma_start3A_68 = tpu.memref_slice %arg5[%arg0, %dma_start3A_66, %dma_start3A_67] : memref<2x10000x128xf32, #tpu.memory_space<hbm>> -> memref<1x16x128xf32, #tpu.memory_space<hbm>>
        %dma_start3A_69 = tpu.memref_squeeze %dma_start3A_68 : memref<1x16x128xf32, #tpu.memory_space<hbm>> -> memref<16x128xf32, #tpu.memory_space<hbm>>
        %dma_start3A_70 = arith.constant 9984 : i32
        %dma_start3A_71 = arith.constant 0 : i32
        %dma_start3A_72 = tpu.memref_slice %arg21[%dma_start3A_70, %dma_start3A_71] : memref<10000x128xf32, #tpu.memory_space<vmem_shared>> -> memref<16x128xf32, #tpu.memory_space<vmem_shared>>
        tpu.enqueue_dma source(%dma_start3A_72 : memref<16x128xf32, #tpu.memory_space<vmem_shared>>) target(%dma_start3A_69 : memref<16x128xf32, #tpu.memory_space<hbm>>) target_semaphore(%run_scoped3A : memref<!tpu.dma_semaphore, #tpu.memory_space<semaphore_mem>>)
        %dma_wait3A_73 = arith.constant 9984 : i32
        %dma_wait3A_74 = arith.constant 0 : i32
        %dma_wait3A_75 = tpu.memref_slice %arg5[%arg0, %dma_wait3A_73, %dma_wait3A_74] : memref<2x10000x128xf32, #tpu.memory_space<hbm>> -> memref<1x16x128xf32, #tpu.memory_space<hbm>>
        %dma_wait3A_76 = tpu.memref_squeeze %dma_wait3A_75 : memref<1x16x128xf32, #tpu.memory_space<hbm>> -> memref<16x128xf32, #tpu.memory_space<hbm>>
        %dma_wait3A_77 = arith.constant 9984 : i32
        %dma_wait3A_78 = arith.constant 0 : i32
        %dma_wait3A_79 = tpu.memref_slice %arg21[%dma_wait3A_77, %dma_wait3A_78] : memref<10000x128xf32, #tpu.memory_space<vmem_shared>> -> memref<16x128xf32, #tpu.memory_space<vmem_shared>>
        tpu.wait_dma2 semaphore(%run_scoped3A : memref<!tpu.dma_semaphore, #tpu.memory_space<semaphore_mem>>) src(%dma_wait3A_79 : memref<16x128xf32, #tpu.memory_space<vmem_shared>>) dst(%dma_wait3A_76 : memref<16x128xf32, #tpu.memory_space<hbm>>)
        tpu.yield
      }) : () -> ()
    } else {
    }
    return
  }
}

#map = affine_map<(d0, d1) -> (0, 0)>
#map1 = affine_map<(d0, d1) -> (0, 0, 0)>
module attributes {stable_mosaic.version = 14 : i64} {
  func.func @sc_agg(%arg0: i32, %arg1: i32, %arg2: memref<10000x128xf32, #tpu.memory_space<hbm>>, %arg3: memref<2x320000xi32, #tpu.memory_space<hbm>>, %arg4: memref<10000x128xf32, #tpu.memory_space<hbm>>, %arg5: memref<2x10000x128xf32, #tpu.memory_space<hbm>>, %arg6: memref<2x128xi32, #tpu.memory_space<vmem>>, %arg7: memref<128x128xf32, #tpu.memory_space<vmem>>, %arg8: memref<!tpu.dma_semaphore, #tpu.memory_space<semaphore_mem>>, %arg9: memref<!tpu.dma_semaphore, #tpu.memory_space<semaphore_mem>>, %arg10: memref<!tpu.dma_semaphore, #tpu.memory_space<semaphore_mem>>, %arg11: memref<2x128xi32, #tpu.memory_space<vmem>>, %arg12: memref<128x128xf32, #tpu.memory_space<vmem>>, %arg13: memref<!tpu.dma_semaphore, #tpu.memory_space<semaphore_mem>>, %arg14: memref<!tpu.dma_semaphore, #tpu.memory_space<semaphore_mem>>, %arg15: memref<!tpu.dma_semaphore, #tpu.memory_space<semaphore_mem>>, %arg16: memref<2x128xi32, #tpu.memory_space<vmem>>, %arg17: memref<128x128xf32, #tpu.memory_space<vmem>>, %arg18: memref<!tpu.dma_semaphore, #tpu.memory_space<semaphore_mem>>, %arg19: memref<!tpu.dma_semaphore, #tpu.memory_space<semaphore_mem>>, %arg20: memref<!tpu.dma_semaphore, #tpu.memory_space<semaphore_mem>>, %arg21: memref<10000x128xf32, #tpu.memory_space<vmem_shared>>) attributes {dimension_semantics = [#tpu.dimension_semantics<core_parallel>, #tpu.dimension_semantics<subcore_parallel>], iteration_bounds = array<i64: 2, 16>, scalar_prefetch = 0 : i64, scratch_operands = 16 : i64, tpu.core_type = #tpu.core_type<sc_vector_subcore>, window_params = [{transform_indices = #map}, {transform_indices = #map}, {transform_indices = #map}, {transform_indices = #map1}]} {
    %mul3A = arith.constant 16 : i32
    %mul3A_0 = arith.muli %arg0, %mul3A : i32
    %add3A = arith.addi %mul3A_0, %arg1 : i32
    %mul3A_1 = arith.constant 78 : i32
    %mul3A_2 = arith.muli %add3A, %mul3A_1 : i32
    %min3A = arith.constant 4 : i32
    %min3A_3 = arith.minsi %add3A, %min3A : i32
    %add3A_4 = arith.addi %mul3A_2, %min3A_3 : i32
    %mul3A_5 = arith.constant 128 : i32
    %mul3A_6 = arith.muli %add3A_4, %mul3A_5 : i32
    %add3A_7 = arith.constant 0 : i32
    %add3A_8 = arith.addi %mul3A_6, %add3A_7 : i32
    %dma_start3A = arith.constant 0 : i32
    %dma_start3A_9 = tpu.memref_slice %arg3[%dma_start3A, %add3A_8] : memref<2x320000xi32, #tpu.memory_space<hbm>> -> memref<2x128xi32, #tpu.memory_space<hbm>>
    %dma_start3A_10 = arith.constant 0 : i32
    %dma_start3A_11 = tpu.memref_slice %arg3[%dma_start3A_10, %add3A_8] : memref<2x320000xi32, #tpu.memory_space<hbm>> -> memref<2x128xi32, #tpu.memory_space<hbm>>
    tpu.enqueue_dma source(%dma_start3A_11 : memref<2x128xi32, #tpu.memory_space<hbm>>) target(%arg6 : memref<2x128xi32, #tpu.memory_space<vmem>>) target_semaphore(%arg8 : memref<!tpu.dma_semaphore, #tpu.memory_space<semaphore_mem>>)
    %add3A_12 = arith.constant 128 : i32
    %add3A_13 = arith.addi %mul3A_6, %add3A_12 : i32
    %dma_start3A_14 = arith.constant 0 : i32
    %dma_start3A_15 = tpu.memref_slice %arg3[%dma_start3A_14, %add3A_13] : memref<2x320000xi32, #tpu.memory_space<hbm>> -> memref<2x128xi32, #tpu.memory_space<hbm>>
    %dma_start3A_16 = arith.constant 0 : i32
    %dma_start3A_17 = tpu.memref_slice %arg3[%dma_start3A_16, %add3A_13] : memref<2x320000xi32, #tpu.memory_space<hbm>> -> memref<2x128xi32, #tpu.memory_space<hbm>>
    tpu.enqueue_dma source(%dma_start3A_17 : memref<2x128xi32, #tpu.memory_space<hbm>>) target(%arg11 : memref<2x128xi32, #tpu.memory_space<vmem>>) target_semaphore(%arg13 : memref<!tpu.dma_semaphore, #tpu.memory_space<semaphore_mem>>)
    %mul3A_18 = arith.constant 624 : i32
    %mul3A_19 = arith.muli %arg1, %mul3A_18 : i32
    %eq3A = arith.constant 0 : i32
    %eq3A_20 = arith.cmpi eq, %arg0, %eq3A : i32
    %convert_element_type3A = arith.extui %eq3A_20 : i1 to i32
    %cond3A = arith.constant 0 : i32
    %cond3A_21 = arith.cmpi ne, %convert_element_type3A, %cond3A : i32
    scf.if %cond3A_21 {
      "tpu.region"() ({
        %run_scoped3A = tpu.sem_alloc : memref<!tpu.dma_semaphore, #tpu.memory_space<semaphore_mem>>
        %dma_start3A_66 = arith.constant 0 : i32
        %dma_start3A_67 = tpu.memref_slice %arg21[%mul3A_19, %dma_start3A_66] : memref<10000x128xf32, #tpu.memory_space<vmem_shared>> -> memref<624x128xf32, #tpu.memory_space<vmem_shared>>
        %dma_start3A_68 = arith.constant 0 : i32
        %dma_start3A_69 = tpu.memref_slice %arg2[%mul3A_19, %dma_start3A_68] : memref<10000x128xf32, #tpu.memory_space<hbm>> -> memref<624x128xf32, #tpu.memory_space<hbm>>
        tpu.enqueue_dma source(%dma_start3A_69 : memref<624x128xf32, #tpu.memory_space<hbm>>) target(%dma_start3A_67 : memref<624x128xf32, #tpu.memory_space<vmem_shared>>) target_semaphore(%run_scoped3A : memref<!tpu.dma_semaphore, #tpu.memory_space<semaphore_mem>>)
        %dma_wait3A_70 = arith.constant 0 : i32
        %dma_wait3A_71 = tpu.memref_slice %arg21[%mul3A_19, %dma_wait3A_70] : memref<10000x128xf32, #tpu.memory_space<vmem_shared>> -> memref<624x128xf32, #tpu.memory_space<vmem_shared>>
        %dma_wait3A_72 = arith.constant 0 : i32
        %dma_wait3A_73 = tpu.memref_slice %arg2[%mul3A_19, %dma_wait3A_72] : memref<10000x128xf32, #tpu.memory_space<hbm>> -> memref<624x128xf32, #tpu.memory_space<hbm>>
        tpu.wait_dma2 semaphore(%run_scoped3A : memref<!tpu.dma_semaphore, #tpu.memory_space<semaphore_mem>>) src(%dma_wait3A_73 : memref<624x128xf32, #tpu.memory_space<hbm>>) dst(%dma_wait3A_71 : memref<624x128xf32, #tpu.memory_space<vmem_shared>>)
        tpu.yield
      }) : () -> ()
    } else {
    }
    %eq3A_22 = arith.constant 1 : i32
    %eq3A_23 = arith.cmpi eq, %arg0, %eq3A_22 : i32
    %convert_element_type3A_24 = arith.extui %eq3A_23 : i1 to i32
    %cond3A_25 = arith.constant 0 : i32
    %cond3A_26 = arith.cmpi ne, %convert_element_type3A_24, %cond3A_25 : i32
    scf.if %cond3A_26 {
      "tpu.region"() ({
        %run_scoped3A = tpu.sem_alloc : memref<!tpu.dma_semaphore, #tpu.memory_space<semaphore_mem>>
        %dma_start3A_66 = arith.constant 0 : i32
        %dma_start3A_67 = tpu.memref_slice %arg21[%mul3A_19, %dma_start3A_66] : memref<10000x128xf32, #tpu.memory_space<vmem_shared>> -> memref<624x128xf32, #tpu.memory_space<vmem_shared>>
        %dma_start3A_68 = arith.constant 0 : i32
        %dma_start3A_69 = tpu.memref_slice %arg4[%mul3A_19, %dma_start3A_68] : memref<10000x128xf32, #tpu.memory_space<hbm>> -> memref<624x128xf32, #tpu.memory_space<hbm>>
        tpu.enqueue_dma source(%dma_start3A_69 : memref<624x128xf32, #tpu.memory_space<hbm>>) target(%dma_start3A_67 : memref<624x128xf32, #tpu.memory_space<vmem_shared>>) target_semaphore(%run_scoped3A : memref<!tpu.dma_semaphore, #tpu.memory_space<semaphore_mem>>)
        %dma_wait3A_70 = arith.constant 0 : i32
        %dma_wait3A_71 = tpu.memref_slice %arg21[%mul3A_19, %dma_wait3A_70] : memref<10000x128xf32, #tpu.memory_space<vmem_shared>> -> memref<624x128xf32, #tpu.memory_space<vmem_shared>>
        %dma_wait3A_72 = arith.constant 0 : i32
        %dma_wait3A_73 = tpu.memref_slice %arg4[%mul3A_19, %dma_wait3A_72] : memref<10000x128xf32, #tpu.memory_space<hbm>> -> memref<624x128xf32, #tpu.memory_space<hbm>>
        tpu.wait_dma2 semaphore(%run_scoped3A : memref<!tpu.dma_semaphore, #tpu.memory_space<semaphore_mem>>) src(%dma_wait3A_73 : memref<624x128xf32, #tpu.memory_space<hbm>>) dst(%dma_wait3A_71 : memref<624x128xf32, #tpu.memory_space<vmem_shared>>)
        tpu.yield
      }) : () -> ()
    } else {
    }
    %eq3A_27 = arith.constant 0 : i32
    %eq3A_28 = arith.cmpi eq, %arg1, %eq3A_27 : i32
    %convert_element_type3A_29 = arith.extui %eq3A_28 : i1 to i32
    %cond3A_30 = arith.constant 0 : i32
    %cond3A_31 = arith.cmpi ne, %convert_element_type3A_29, %cond3A_30 : i32
    scf.if %cond3A_31 {
      %eq3A_66 = arith.constant 0 : i32
      %eq3A_67 = arith.cmpi eq, %arg0, %eq3A_66 : i32
      %convert_element_type3A_68 = arith.extui %eq3A_67 : i1 to i32
      %cond3A_69 = arith.constant 0 : i32
      %cond3A_70 = arith.cmpi ne, %convert_element_type3A_68, %cond3A_69 : i32
      scf.if %cond3A_70 {
        "tpu.region"() ({
          %run_scoped3A = tpu.sem_alloc : memref<!tpu.dma_semaphore, #tpu.memory_space<semaphore_mem>>
          %dma_start3A_76 = arith.constant 9984 : i32
          %dma_start3A_77 = arith.constant 0 : i32
          %dma_start3A_78 = tpu.memref_slice %arg21[%dma_start3A_76, %dma_start3A_77] : memref<10000x128xf32, #tpu.memory_space<vmem_shared>> -> memref<16x128xf32, #tpu.memory_space<vmem_shared>>
          %dma_start3A_79 = arith.constant 9984 : i32
          %dma_start3A_80 = arith.constant 0 : i32
          %dma_start3A_81 = tpu.memref_slice %arg2[%dma_start3A_79, %dma_start3A_80] : memref<10000x128xf32, #tpu.memory_space<hbm>> -> memref<16x128xf32, #tpu.memory_space<hbm>>
          tpu.enqueue_dma source(%dma_start3A_81 : memref<16x128xf32, #tpu.memory_space<hbm>>) target(%dma_start3A_78 : memref<16x128xf32, #tpu.memory_space<vmem_shared>>) target_semaphore(%run_scoped3A : memref<!tpu.dma_semaphore, #tpu.memory_space<semaphore_mem>>)
          %dma_wait3A_82 = arith.constant 9984 : i32
          %dma_wait3A_83 = arith.constant 0 : i32
          %dma_wait3A_84 = tpu.memref_slice %arg21[%dma_wait3A_82, %dma_wait3A_83] : memref<10000x128xf32, #tpu.memory_space<vmem_shared>> -> memref<16x128xf32, #tpu.memory_space<vmem_shared>>
          %dma_wait3A_85 = arith.constant 9984 : i32
          %dma_wait3A_86 = arith.constant 0 : i32
          %dma_wait3A_87 = tpu.memref_slice %arg2[%dma_wait3A_85, %dma_wait3A_86] : memref<10000x128xf32, #tpu.memory_space<hbm>> -> memref<16x128xf32, #tpu.memory_space<hbm>>
          tpu.wait_dma2 semaphore(%run_scoped3A : memref<!tpu.dma_semaphore, #tpu.memory_space<semaphore_mem>>) src(%dma_wait3A_87 : memref<16x128xf32, #tpu.memory_space<hbm>>) dst(%dma_wait3A_84 : memref<16x128xf32, #tpu.memory_space<vmem_shared>>)
          tpu.yield
        }) : () -> ()
      } else {
      }
      %eq3A_71 = arith.constant 1 : i32
      %eq3A_72 = arith.cmpi eq, %arg0, %eq3A_71 : i32
      %convert_element_type3A_73 = arith.extui %eq3A_72 : i1 to i32
      %cond3A_74 = arith.constant 0 : i32
      %cond3A_75 = arith.cmpi ne, %convert_element_type3A_73, %cond3A_74 : i32
      scf.if %cond3A_75 {
        "tpu.region"() ({
          %run_scoped3A = tpu.sem_alloc : memref<!tpu.dma_semaphore, #tpu.memory_space<semaphore_mem>>
          %dma_start3A_76 = arith.constant 9984 : i32
          %dma_start3A_77 = arith.constant 0 : i32
          %dma_start3A_78 = tpu.memref_slice %arg21[%dma_start3A_76, %dma_start3A_77] : memref<10000x128xf32, #tpu.memory_space<vmem_shared>> -> memref<16x128xf32, #tpu.memory_space<vmem_shared>>
          %dma_start3A_79 = arith.constant 9984 : i32
          %dma_start3A_80 = arith.constant 0 : i32
          %dma_start3A_81 = tpu.memref_slice %arg4[%dma_start3A_79, %dma_start3A_80] : memref<10000x128xf32, #tpu.memory_space<hbm>> -> memref<16x128xf32, #tpu.memory_space<hbm>>
          tpu.enqueue_dma source(%dma_start3A_81 : memref<16x128xf32, #tpu.memory_space<hbm>>) target(%dma_start3A_78 : memref<16x128xf32, #tpu.memory_space<vmem_shared>>) target_semaphore(%run_scoped3A : memref<!tpu.dma_semaphore, #tpu.memory_space<semaphore_mem>>)
          %dma_wait3A_82 = arith.constant 9984 : i32
          %dma_wait3A_83 = arith.constant 0 : i32
          %dma_wait3A_84 = tpu.memref_slice %arg21[%dma_wait3A_82, %dma_wait3A_83] : memref<10000x128xf32, #tpu.memory_space<vmem_shared>> -> memref<16x128xf32, #tpu.memory_space<vmem_shared>>
          %dma_wait3A_85 = arith.constant 9984 : i32
          %dma_wait3A_86 = arith.constant 0 : i32
          %dma_wait3A_87 = tpu.memref_slice %arg4[%dma_wait3A_85, %dma_wait3A_86] : memref<10000x128xf32, #tpu.memory_space<hbm>> -> memref<16x128xf32, #tpu.memory_space<hbm>>
          tpu.wait_dma2 semaphore(%run_scoped3A : memref<!tpu.dma_semaphore, #tpu.memory_space<semaphore_mem>>) src(%dma_wait3A_87 : memref<16x128xf32, #tpu.memory_space<hbm>>) dst(%dma_wait3A_84 : memref<16x128xf32, #tpu.memory_space<vmem_shared>>)
          tpu.yield
        }) : () -> ()
      } else {
      }
    } else {
    }
    %dma_wait3A = arith.constant 0 : i32
    %dma_wait3A_32 = arith.constant 0 : i32
    %dma_wait3A_33 = tpu.memref_slice %arg3[%dma_wait3A, %dma_wait3A_32] : memref<2x320000xi32, #tpu.memory_space<hbm>> -> memref<2x128xi32, #tpu.memory_space<hbm>>
    %dma_wait3A_34 = arith.constant 0 : i32
    %dma_wait3A_35 = arith.constant 0 : i32
    %dma_wait3A_36 = tpu.memref_slice %arg3[%dma_wait3A_34, %dma_wait3A_35] : memref<2x320000xi32, #tpu.memory_space<hbm>> -> memref<2x128xi32, #tpu.memory_space<hbm>>
    tpu.wait_dma2 semaphore(%arg8 : memref<!tpu.dma_semaphore, #tpu.memory_space<semaphore_mem>>) src(%dma_wait3A_36 : memref<2x128xi32, #tpu.memory_space<hbm>>) dst(%arg6 : memref<2x128xi32, #tpu.memory_space<vmem>>)
    %dma_start3A_37 = arith.constant 0 : i32
    %dma_start3A_38 = arith.constant 0 : i32
    %dma_start3A_39 = tpu.memref_slice %arg6[%dma_start3A_37, %dma_start3A_38] : memref<2x128xi32, #tpu.memory_space<vmem>> -> memref<1x128xi32, #tpu.memory_space<vmem>>
    %dma_start3A_40 = tpu.memref_squeeze %dma_start3A_39 : memref<1x128xi32, #tpu.memory_space<vmem>> -> memref<128xi32, #tpu.memory_space<vmem>>
    %dma_start3A_41 = arith.constant 0 : i32
    %dma_start3A_42 = arith.constant 0 : i32
    %dma_start3A_43 = tpu.memref_slice %arg2[%dma_start3A_41, %dma_start3A_42] : memref<10000x128xf32, #tpu.memory_space<hbm>> -> memref<10000x128xf32, #tpu.memory_space<hbm>>
    tpu.enqueue_indirect_dma source(%dma_start3A_43 : memref<10000x128xf32, #tpu.memory_space<hbm>>) target(%arg7 : memref<128x128xf32, #tpu.memory_space<vmem>>) offsets(%dma_start3A_40 : memref<128xi32, #tpu.memory_space<vmem>>) semaphore(%arg9 : memref<!tpu.dma_semaphore, #tpu.memory_space<semaphore_mem>>)
    %barrier3A = arith.constant 0 : index
    tpu.barrier barrier_id(%barrier3A)
    %scan3A = arith.constant 0 : i32
    %scan3A_44 = arith.constant 0 : i32
    %scan3A_45 = arith.constant 26 : i32
    %scan3A_46 = arith.addi %scan3A_44, %scan3A_45 : i32
    %scan3A_47 = arith.constant 1 : i32
    scf.for %scan3A_66 = %scan3A_44 to %scan3A_46 step %scan3A_47  : i32 {
      %mul3A_67 = arith.constant 3 : i32
      %mul3A_68 = arith.muli %scan3A_66, %mul3A_67 : i32
      %add3A_69 = arith.constant 0 : i32
      %add3A_70 = arith.addi %mul3A_68, %add3A_69 : i32
      %dma_wait3A_71 = arith.constant 0 : i32
      %dma_wait3A_72 = arith.constant 0 : i32
      %dma_wait3A_73 = tpu.memref_slice %arg6[%dma_wait3A_71, %dma_wait3A_72] : memref<2x128xi32, #tpu.memory_space<vmem>> -> memref<1x128xi32, #tpu.memory_space<vmem>>
      %dma_wait3A_74 = tpu.memref_squeeze %dma_wait3A_73 : memref<1x128xi32, #tpu.memory_space<vmem>> -> memref<128xi32, #tpu.memory_space<vmem>>
      %dma_wait3A_75 = arith.constant 0 : i32
      %dma_wait3A_76 = arith.constant 0 : i32
      %dma_wait3A_77 = tpu.memref_slice %arg2[%dma_wait3A_75, %dma_wait3A_76] : memref<10000x128xf32, #tpu.memory_space<hbm>> -> memref<10000x128xf32, #tpu.memory_space<hbm>>
      tpu.wait_indirect_dma semaphore(%arg9 : memref<!tpu.dma_semaphore, #tpu.memory_space<semaphore_mem>>) src(%dma_wait3A_77 : memref<10000x128xf32, #tpu.memory_space<hbm>>) dst(%arg7 : memref<128x128xf32, #tpu.memory_space<vmem>>)
      %dma_start3A_78 = arith.constant 1 : i32
      %dma_start3A_79 = arith.constant 0 : i32
      %dma_start3A_80 = tpu.memref_slice %arg6[%dma_start3A_78, %dma_start3A_79] : memref<2x128xi32, #tpu.memory_space<vmem>> -> memref<1x128xi32, #tpu.memory_space<vmem>>
      %dma_start3A_81 = tpu.memref_squeeze %dma_start3A_80 : memref<1x128xi32, #tpu.memory_space<vmem>> -> memref<128xi32, #tpu.memory_space<vmem>>
      %dma_start3A_82 = arith.constant 0 : i32
      %dma_start3A_83 = arith.constant 0 : i32
      %dma_start3A_84 = tpu.memref_slice %arg21[%dma_start3A_82, %dma_start3A_83] : memref<10000x128xf32, #tpu.memory_space<vmem_shared>> -> memref<10000x128xf32, #tpu.memory_space<vmem_shared>>
      tpu.enqueue_indirect_dma source(%arg7 : memref<128x128xf32, #tpu.memory_space<vmem>>) target(%dma_start3A_84 : memref<10000x128xf32, #tpu.memory_space<vmem_shared>>) offsets(%dma_start3A_81 : memref<128xi32, #tpu.memory_space<vmem>>) semaphore(%arg10 : memref<!tpu.dma_semaphore, #tpu.memory_space<semaphore_mem>>) {add = true}
      %ge3A = arith.constant 1 : i32
      %ge3A_85 = arith.cmpi sge, %add3A_70, %ge3A : i32
      %convert_element_type3A_86 = arith.extui %ge3A_85 : i1 to i32
      %cond3A_87 = arith.constant 0 : i32
      %cond3A_88 = arith.cmpi ne, %convert_element_type3A_86, %cond3A_87 : i32
      scf.if %cond3A_88 {
        %dma_wait3A_177 = arith.constant 1 : i32
        %dma_wait3A_178 = arith.constant 0 : i32
        %dma_wait3A_179 = tpu.memref_slice %arg16[%dma_wait3A_177, %dma_wait3A_178] : memref<2x128xi32, #tpu.memory_space<vmem>> -> memref<1x128xi32, #tpu.memory_space<vmem>>
        %dma_wait3A_180 = tpu.memref_squeeze %dma_wait3A_179 : memref<1x128xi32, #tpu.memory_space<vmem>> -> memref<128xi32, #tpu.memory_space<vmem>>
        %dma_wait3A_181 = arith.constant 0 : i32
        %dma_wait3A_182 = arith.constant 0 : i32
        %dma_wait3A_183 = tpu.memref_slice %arg21[%dma_wait3A_181, %dma_wait3A_182] : memref<10000x128xf32, #tpu.memory_space<vmem_shared>> -> memref<10000x128xf32, #tpu.memory_space<vmem_shared>>
        tpu.wait_indirect_dma semaphore(%arg20 : memref<!tpu.dma_semaphore, #tpu.memory_space<semaphore_mem>>) src(%arg17 : memref<128x128xf32, #tpu.memory_space<vmem>>) dst(%dma_wait3A_183 : memref<10000x128xf32, #tpu.memory_space<vmem_shared>>)
      } else {
      }
      %add3A_89 = arith.constant 1 : i32
      %add3A_90 = arith.addi %add3A_70, %add3A_89 : i32
      %lt3A_91 = arith.constant 78 : i32
      %lt3A_92 = arith.cmpi slt, %add3A_90, %lt3A_91 : i32
      %convert_element_type3A_93 = arith.extui %lt3A_92 : i1 to i32
      %cond3A_94 = arith.constant 0 : i32
      %cond3A_95 = arith.cmpi ne, %convert_element_type3A_93, %cond3A_94 : i32
      scf.if %cond3A_95 {
        %dma_wait3A_177 = arith.constant 0 : i32
        %dma_wait3A_178 = arith.constant 0 : i32
        %dma_wait3A_179 = tpu.memref_slice %arg3[%dma_wait3A_177, %dma_wait3A_178] : memref<2x320000xi32, #tpu.memory_space<hbm>> -> memref<2x128xi32, #tpu.memory_space<hbm>>
        %dma_wait3A_180 = arith.constant 0 : i32
        %dma_wait3A_181 = arith.constant 0 : i32
        %dma_wait3A_182 = tpu.memref_slice %arg3[%dma_wait3A_180, %dma_wait3A_181] : memref<2x320000xi32, #tpu.memory_space<hbm>> -> memref<2x128xi32, #tpu.memory_space<hbm>>
        tpu.wait_dma2 semaphore(%arg13 : memref<!tpu.dma_semaphore, #tpu.memory_space<semaphore_mem>>) src(%dma_wait3A_182 : memref<2x128xi32, #tpu.memory_space<hbm>>) dst(%arg11 : memref<2x128xi32, #tpu.memory_space<vmem>>)
        %dma_start3A_183 = arith.constant 0 : i32
        %dma_start3A_184 = arith.constant 0 : i32
        %dma_start3A_185 = tpu.memref_slice %arg11[%dma_start3A_183, %dma_start3A_184] : memref<2x128xi32, #tpu.memory_space<vmem>> -> memref<1x128xi32, #tpu.memory_space<vmem>>
        %dma_start3A_186 = tpu.memref_squeeze %dma_start3A_185 : memref<1x128xi32, #tpu.memory_space<vmem>> -> memref<128xi32, #tpu.memory_space<vmem>>
        %dma_start3A_187 = arith.constant 0 : i32
        %dma_start3A_188 = arith.constant 0 : i32
        %dma_start3A_189 = tpu.memref_slice %arg2[%dma_start3A_187, %dma_start3A_188] : memref<10000x128xf32, #tpu.memory_space<hbm>> -> memref<10000x128xf32, #tpu.memory_space<hbm>>
        tpu.enqueue_indirect_dma source(%dma_start3A_189 : memref<10000x128xf32, #tpu.memory_space<hbm>>) target(%arg12 : memref<128x128xf32, #tpu.memory_space<vmem>>) offsets(%dma_start3A_186 : memref<128xi32, #tpu.memory_space<vmem>>) semaphore(%arg14 : memref<!tpu.dma_semaphore, #tpu.memory_space<semaphore_mem>>)
      } else {
      }
      %add3A_96 = arith.constant 2 : i32
      %add3A_97 = arith.addi %add3A_70, %add3A_96 : i32
      %lt3A_98 = arith.constant 78 : i32
      %lt3A_99 = arith.cmpi slt, %add3A_97, %lt3A_98 : i32
      %convert_element_type3A_100 = arith.extui %lt3A_99 : i1 to i32
      %cond3A_101 = arith.constant 0 : i32
      %cond3A_102 = arith.cmpi ne, %convert_element_type3A_100, %cond3A_101 : i32
      scf.if %cond3A_102 {
        %add3A_177 = arith.constant 2 : i32
        %add3A_178 = arith.addi %add3A_70, %add3A_177 : i32
        %mul3A_179 = arith.constant 128 : i32
        %mul3A_180 = arith.muli %add3A_178, %mul3A_179 : i32
        %add3A_181 = arith.addi %mul3A_6, %mul3A_180 : i32
        %dma_start3A_182 = arith.constant 0 : i32
        %dma_start3A_183 = tpu.memref_slice %arg3[%dma_start3A_182, %add3A_181] : memref<2x320000xi32, #tpu.memory_space<hbm>> -> memref<2x128xi32, #tpu.memory_space<hbm>>
        %dma_start3A_184 = arith.constant 0 : i32
        %dma_start3A_185 = tpu.memref_slice %arg3[%dma_start3A_184, %add3A_181] : memref<2x320000xi32, #tpu.memory_space<hbm>> -> memref<2x128xi32, #tpu.memory_space<hbm>>
        tpu.enqueue_dma source(%dma_start3A_185 : memref<2x128xi32, #tpu.memory_space<hbm>>) target(%arg16 : memref<2x128xi32, #tpu.memory_space<vmem>>) target_semaphore(%arg18 : memref<!tpu.dma_semaphore, #tpu.memory_space<semaphore_mem>>)
      } else {
      }
      %mul3A_103 = arith.constant 3 : i32
      %mul3A_104 = arith.muli %scan3A_66, %mul3A_103 : i32
      %add3A_105 = arith.constant 1 : i32
      %add3A_106 = arith.addi %mul3A_104, %add3A_105 : i32
      %dma_wait3A_107 = arith.constant 0 : i32
      %dma_wait3A_108 = arith.constant 0 : i32
      %dma_wait3A_109 = tpu.memref_slice %arg11[%dma_wait3A_107, %dma_wait3A_108] : memref<2x128xi32, #tpu.memory_space<vmem>> -> memref<1x128xi32, #tpu.memory_space<vmem>>
      %dma_wait3A_110 = tpu.memref_squeeze %dma_wait3A_109 : memref<1x128xi32, #tpu.memory_space<vmem>> -> memref<128xi32, #tpu.memory_space<vmem>>
      %dma_wait3A_111 = arith.constant 0 : i32
      %dma_wait3A_112 = arith.constant 0 : i32
      %dma_wait3A_113 = tpu.memref_slice %arg2[%dma_wait3A_111, %dma_wait3A_112] : memref<10000x128xf32, #tpu.memory_space<hbm>> -> memref<10000x128xf32, #tpu.memory_space<hbm>>
      tpu.wait_indirect_dma semaphore(%arg14 : memref<!tpu.dma_semaphore, #tpu.memory_space<semaphore_mem>>) src(%dma_wait3A_113 : memref<10000x128xf32, #tpu.memory_space<hbm>>) dst(%arg12 : memref<128x128xf32, #tpu.memory_space<vmem>>)
      %dma_start3A_114 = arith.constant 1 : i32
      %dma_start3A_115 = arith.constant 0 : i32
      %dma_start3A_116 = tpu.memref_slice %arg11[%dma_start3A_114, %dma_start3A_115] : memref<2x128xi32, #tpu.memory_space<vmem>> -> memref<1x128xi32, #tpu.memory_space<vmem>>
      %dma_start3A_117 = tpu.memref_squeeze %dma_start3A_116 : memref<1x128xi32, #tpu.memory_space<vmem>> -> memref<128xi32, #tpu.memory_space<vmem>>
      %dma_start3A_118 = arith.constant 0 : i32
      %dma_start3A_119 = arith.constant 0 : i32
      %dma_start3A_120 = tpu.memref_slice %arg21[%dma_start3A_118, %dma_start3A_119] : memref<10000x128xf32, #tpu.memory_space<vmem_shared>> -> memref<10000x128xf32, #tpu.memory_space<vmem_shared>>
      tpu.enqueue_indirect_dma source(%arg12 : memref<128x128xf32, #tpu.memory_space<vmem>>) target(%dma_start3A_120 : memref<10000x128xf32, #tpu.memory_space<vmem_shared>>) offsets(%dma_start3A_117 : memref<128xi32, #tpu.memory_space<vmem>>) semaphore(%arg15 : memref<!tpu.dma_semaphore, #tpu.memory_space<semaphore_mem>>) {add = true}
      %ge3A_121 = arith.constant 1 : i32
      %ge3A_122 = arith.cmpi sge, %add3A_106, %ge3A_121 : i32
      %convert_element_type3A_123 = arith.extui %ge3A_122 : i1 to i32
      %cond3A_124 = arith.constant 0 : i32
      %cond3A_125 = arith.cmpi ne, %convert_element_type3A_123, %cond3A_124 : i32
      scf.if %cond3A_125 {
        %dma_wait3A_177 = arith.constant 1 : i32
        %dma_wait3A_178 = arith.constant 0 : i32
        %dma_wait3A_179 = tpu.memref_slice %arg6[%dma_wait3A_177, %dma_wait3A_178] : memref<2x128xi32, #tpu.memory_space<vmem>> -> memref<1x128xi32, #tpu.memory_space<vmem>>
        %dma_wait3A_180 = tpu.memref_squeeze %dma_wait3A_179 : memref<1x128xi32, #tpu.memory_space<vmem>> -> memref<128xi32, #tpu.memory_space<vmem>>
        %dma_wait3A_181 = arith.constant 0 : i32
        %dma_wait3A_182 = arith.constant 0 : i32
        %dma_wait3A_183 = tpu.memref_slice %arg21[%dma_wait3A_181, %dma_wait3A_182] : memref<10000x128xf32, #tpu.memory_space<vmem_shared>> -> memref<10000x128xf32, #tpu.memory_space<vmem_shared>>
        tpu.wait_indirect_dma semaphore(%arg10 : memref<!tpu.dma_semaphore, #tpu.memory_space<semaphore_mem>>) src(%arg7 : memref<128x128xf32, #tpu.memory_space<vmem>>) dst(%dma_wait3A_183 : memref<10000x128xf32, #tpu.memory_space<vmem_shared>>)
      } else {
      }
      %add3A_126 = arith.constant 1 : i32
      %add3A_127 = arith.addi %add3A_106, %add3A_126 : i32
      %lt3A_128 = arith.constant 78 : i32
      %lt3A_129 = arith.cmpi slt, %add3A_127, %lt3A_128 : i32
      %convert_element_type3A_130 = arith.extui %lt3A_129 : i1 to i32
      %cond3A_131 = arith.constant 0 : i32
      %cond3A_132 = arith.cmpi ne, %convert_element_type3A_130, %cond3A_131 : i32
      scf.if %cond3A_132 {
        %dma_wait3A_177 = arith.constant 0 : i32
        %dma_wait3A_178 = arith.constant 0 : i32
        %dma_wait3A_179 = tpu.memref_slice %arg3[%dma_wait3A_177, %dma_wait3A_178] : memref<2x320000xi32, #tpu.memory_space<hbm>> -> memref<2x128xi32, #tpu.memory_space<hbm>>
        %dma_wait3A_180 = arith.constant 0 : i32
        %dma_wait3A_181 = arith.constant 0 : i32
        %dma_wait3A_182 = tpu.memref_slice %arg3[%dma_wait3A_180, %dma_wait3A_181] : memref<2x320000xi32, #tpu.memory_space<hbm>> -> memref<2x128xi32, #tpu.memory_space<hbm>>
        tpu.wait_dma2 semaphore(%arg18 : memref<!tpu.dma_semaphore, #tpu.memory_space<semaphore_mem>>) src(%dma_wait3A_182 : memref<2x128xi32, #tpu.memory_space<hbm>>) dst(%arg16 : memref<2x128xi32, #tpu.memory_space<vmem>>)
        %dma_start3A_183 = arith.constant 0 : i32
        %dma_start3A_184 = arith.constant 0 : i32
        %dma_start3A_185 = tpu.memref_slice %arg16[%dma_start3A_183, %dma_start3A_184] : memref<2x128xi32, #tpu.memory_space<vmem>> -> memref<1x128xi32, #tpu.memory_space<vmem>>
        %dma_start3A_186 = tpu.memref_squeeze %dma_start3A_185 : memref<1x128xi32, #tpu.memory_space<vmem>> -> memref<128xi32, #tpu.memory_space<vmem>>
        %dma_start3A_187 = arith.constant 0 : i32
        %dma_start3A_188 = arith.constant 0 : i32
        %dma_start3A_189 = tpu.memref_slice %arg2[%dma_start3A_187, %dma_start3A_188] : memref<10000x128xf32, #tpu.memory_space<hbm>> -> memref<10000x128xf32, #tpu.memory_space<hbm>>
        tpu.enqueue_indirect_dma source(%dma_start3A_189 : memref<10000x128xf32, #tpu.memory_space<hbm>>) target(%arg17 : memref<128x128xf32, #tpu.memory_space<vmem>>) offsets(%dma_start3A_186 : memref<128xi32, #tpu.memory_space<vmem>>) semaphore(%arg19 : memref<!tpu.dma_semaphore, #tpu.memory_space<semaphore_mem>>)
      } else {
      }
      %add3A_133 = arith.constant 2 : i32
      %add3A_134 = arith.addi %add3A_106, %add3A_133 : i32
      %lt3A_135 = arith.constant 78 : i32
      %lt3A_136 = arith.cmpi slt, %add3A_134, %lt3A_135 : i32
      %convert_element_type3A_137 = arith.extui %lt3A_136 : i1 to i32
      %cond3A_138 = arith.constant 0 : i32
      %cond3A_139 = arith.cmpi ne, %convert_element_type3A_137, %cond3A_138 : i32
      scf.if %cond3A_139 {
        %add3A_177 = arith.constant 2 : i32
        %add3A_178 = arith.addi %add3A_106, %add3A_177 : i32
        %mul3A_179 = arith.constant 128 : i32
        %mul3A_180 = arith.muli %add3A_178, %mul3A_179 : i32
        %add3A_181 = arith.addi %mul3A_6, %mul3A_180 : i32
        %dma_start3A_182 = arith.constant 0 : i32
        %dma_start3A_183 = tpu.memref_slice %arg3[%dma_start3A_182, %add3A_181] : memref<2x320000xi32, #tpu.memory_space<hbm>> -> memref<2x128xi32, #tpu.memory_space<hbm>>
        %dma_start3A_184 = arith.constant 0 : i32
        %dma_start3A_185 = tpu.memref_slice %arg3[%dma_start3A_184, %add3A_181] : memref<2x320000xi32, #tpu.memory_space<hbm>> -> memref<2x128xi32, #tpu.memory_space<hbm>>
        tpu.enqueue_dma source(%dma_start3A_185 : memref<2x128xi32, #tpu.memory_space<hbm>>) target(%arg6 : memref<2x128xi32, #tpu.memory_space<vmem>>) target_semaphore(%arg8 : memref<!tpu.dma_semaphore, #tpu.memory_space<semaphore_mem>>)
      } else {
      }
      %mul3A_140 = arith.constant 3 : i32
      %mul3A_141 = arith.muli %scan3A_66, %mul3A_140 : i32
      %add3A_142 = arith.constant 2 : i32
      %add3A_143 = arith.addi %mul3A_141, %add3A_142 : i32
      %dma_wait3A_144 = arith.constant 0 : i32
      %dma_wait3A_145 = arith.constant 0 : i32
      %dma_wait3A_146 = tpu.memref_slice %arg16[%dma_wait3A_144, %dma_wait3A_145] : memref<2x128xi32, #tpu.memory_space<vmem>> -> memref<1x128xi32, #tpu.memory_space<vmem>>
      %dma_wait3A_147 = tpu.memref_squeeze %dma_wait3A_146 : memref<1x128xi32, #tpu.memory_space<vmem>> -> memref<128xi32, #tpu.memory_space<vmem>>
      %dma_wait3A_148 = arith.constant 0 : i32
      %dma_wait3A_149 = arith.constant 0 : i32
      %dma_wait3A_150 = tpu.memref_slice %arg2[%dma_wait3A_148, %dma_wait3A_149] : memref<10000x128xf32, #tpu.memory_space<hbm>> -> memref<10000x128xf32, #tpu.memory_space<hbm>>
      tpu.wait_indirect_dma semaphore(%arg19 : memref<!tpu.dma_semaphore, #tpu.memory_space<semaphore_mem>>) src(%dma_wait3A_150 : memref<10000x128xf32, #tpu.memory_space<hbm>>) dst(%arg17 : memref<128x128xf32, #tpu.memory_space<vmem>>)
      %dma_start3A_151 = arith.constant 1 : i32
      %dma_start3A_152 = arith.constant 0 : i32
      %dma_start3A_153 = tpu.memref_slice %arg16[%dma_start3A_151, %dma_start3A_152] : memref<2x128xi32, #tpu.memory_space<vmem>> -> memref<1x128xi32, #tpu.memory_space<vmem>>
      %dma_start3A_154 = tpu.memref_squeeze %dma_start3A_153 : memref<1x128xi32, #tpu.memory_space<vmem>> -> memref<128xi32, #tpu.memory_space<vmem>>
      %dma_start3A_155 = arith.constant 0 : i32
      %dma_start3A_156 = arith.constant 0 : i32
      %dma_start3A_157 = tpu.memref_slice %arg21[%dma_start3A_155, %dma_start3A_156] : memref<10000x128xf32, #tpu.memory_space<vmem_shared>> -> memref<10000x128xf32, #tpu.memory_space<vmem_shared>>
      tpu.enqueue_indirect_dma source(%arg17 : memref<128x128xf32, #tpu.memory_space<vmem>>) target(%dma_start3A_157 : memref<10000x128xf32, #tpu.memory_space<vmem_shared>>) offsets(%dma_start3A_154 : memref<128xi32, #tpu.memory_space<vmem>>) semaphore(%arg20 : memref<!tpu.dma_semaphore, #tpu.memory_space<semaphore_mem>>) {add = true}
      %ge3A_158 = arith.constant 1 : i32
      %ge3A_159 = arith.cmpi sge, %add3A_143, %ge3A_158 : i32
      %convert_element_type3A_160 = arith.extui %ge3A_159 : i1 to i32
      %cond3A_161 = arith.constant 0 : i32
      %cond3A_162 = arith.cmpi ne, %convert_element_type3A_160, %cond3A_161 : i32
      scf.if %cond3A_162 {
        %dma_wait3A_177 = arith.constant 1 : i32
        %dma_wait3A_178 = arith.constant 0 : i32
        %dma_wait3A_179 = tpu.memref_slice %arg11[%dma_wait3A_177, %dma_wait3A_178] : memref<2x128xi32, #tpu.memory_space<vmem>> -> memref<1x128xi32, #tpu.memory_space<vmem>>
        %dma_wait3A_180 = tpu.memref_squeeze %dma_wait3A_179 : memref<1x128xi32, #tpu.memory_space<vmem>> -> memref<128xi32, #tpu.memory_space<vmem>>
        %dma_wait3A_181 = arith.constant 0 : i32
        %dma_wait3A_182 = arith.constant 0 : i32
        %dma_wait3A_183 = tpu.memref_slice %arg21[%dma_wait3A_181, %dma_wait3A_182] : memref<10000x128xf32, #tpu.memory_space<vmem_shared>> -> memref<10000x128xf32, #tpu.memory_space<vmem_shared>>
        tpu.wait_indirect_dma semaphore(%arg15 : memref<!tpu.dma_semaphore, #tpu.memory_space<semaphore_mem>>) src(%arg12 : memref<128x128xf32, #tpu.memory_space<vmem>>) dst(%dma_wait3A_183 : memref<10000x128xf32, #tpu.memory_space<vmem_shared>>)
      } else {
      }
      %add3A_163 = arith.constant 1 : i32
      %add3A_164 = arith.addi %add3A_143, %add3A_163 : i32
      %lt3A_165 = arith.constant 78 : i32
      %lt3A_166 = arith.cmpi slt, %add3A_164, %lt3A_165 : i32
      %convert_element_type3A_167 = arith.extui %lt3A_166 : i1 to i32
      %cond3A_168 = arith.constant 0 : i32
      %cond3A_169 = arith.cmpi ne, %convert_element_type3A_167, %cond3A_168 : i32
      scf.if %cond3A_169 {
        %dma_wait3A_177 = arith.constant 0 : i32
        %dma_wait3A_178 = arith.constant 0 : i32
        %dma_wait3A_179 = tpu.memref_slice %arg3[%dma_wait3A_177, %dma_wait3A_178] : memref<2x320000xi32, #tpu.memory_space<hbm>> -> memref<2x128xi32, #tpu.memory_space<hbm>>
        %dma_wait3A_180 = arith.constant 0 : i32
        %dma_wait3A_181 = arith.constant 0 : i32
        %dma_wait3A_182 = tpu.memref_slice %arg3[%dma_wait3A_180, %dma_wait3A_181] : memref<2x320000xi32, #tpu.memory_space<hbm>> -> memref<2x128xi32, #tpu.memory_space<hbm>>
        tpu.wait_dma2 semaphore(%arg8 : memref<!tpu.dma_semaphore, #tpu.memory_space<semaphore_mem>>) src(%dma_wait3A_182 : memref<2x128xi32, #tpu.memory_space<hbm>>) dst(%arg6 : memref<2x128xi32, #tpu.memory_space<vmem>>)
        %dma_start3A_183 = arith.constant 0 : i32
        %dma_start3A_184 = arith.constant 0 : i32
        %dma_start3A_185 = tpu.memref_slice %arg6[%dma_start3A_183, %dma_start3A_184] : memref<2x128xi32, #tpu.memory_space<vmem>> -> memref<1x128xi32, #tpu.memory_space<vmem>>
        %dma_start3A_186 = tpu.memref_squeeze %dma_start3A_185 : memref<1x128xi32, #tpu.memory_space<vmem>> -> memref<128xi32, #tpu.memory_space<vmem>>
        %dma_start3A_187 = arith.constant 0 : i32
        %dma_start3A_188 = arith.constant 0 : i32
        %dma_start3A_189 = tpu.memref_slice %arg2[%dma_start3A_187, %dma_start3A_188] : memref<10000x128xf32, #tpu.memory_space<hbm>> -> memref<10000x128xf32, #tpu.memory_space<hbm>>
        tpu.enqueue_indirect_dma source(%dma_start3A_189 : memref<10000x128xf32, #tpu.memory_space<hbm>>) target(%arg7 : memref<128x128xf32, #tpu.memory_space<vmem>>) offsets(%dma_start3A_186 : memref<128xi32, #tpu.memory_space<vmem>>) semaphore(%arg9 : memref<!tpu.dma_semaphore, #tpu.memory_space<semaphore_mem>>)
      } else {
      }
      %add3A_170 = arith.constant 2 : i32
      %add3A_171 = arith.addi %add3A_143, %add3A_170 : i32
      %lt3A_172 = arith.constant 78 : i32
      %lt3A_173 = arith.cmpi slt, %add3A_171, %lt3A_172 : i32
      %convert_element_type3A_174 = arith.extui %lt3A_173 : i1 to i32
      %cond3A_175 = arith.constant 0 : i32
      %cond3A_176 = arith.cmpi ne, %convert_element_type3A_174, %cond3A_175 : i32
      scf.if %cond3A_176 {
        %add3A_177 = arith.constant 2 : i32
        %add3A_178 = arith.addi %add3A_143, %add3A_177 : i32
        %mul3A_179 = arith.constant 128 : i32
        %mul3A_180 = arith.muli %add3A_178, %mul3A_179 : i32
        %add3A_181 = arith.addi %mul3A_6, %mul3A_180 : i32
        %dma_start3A_182 = arith.constant 0 : i32
        %dma_start3A_183 = tpu.memref_slice %arg3[%dma_start3A_182, %add3A_181] : memref<2x320000xi32, #tpu.memory_space<hbm>> -> memref<2x128xi32, #tpu.memory_space<hbm>>
        %dma_start3A_184 = arith.constant 0 : i32
        %dma_start3A_185 = tpu.memref_slice %arg3[%dma_start3A_184, %add3A_181] : memref<2x320000xi32, #tpu.memory_space<hbm>> -> memref<2x128xi32, #tpu.memory_space<hbm>>
        tpu.enqueue_dma source(%dma_start3A_185 : memref<2x128xi32, #tpu.memory_space<hbm>>) target(%arg11 : memref<2x128xi32, #tpu.memory_space<vmem>>) target_semaphore(%arg13 : memref<!tpu.dma_semaphore, #tpu.memory_space<semaphore_mem>>)
      } else {
      }
    }
    %scan3A_48 = arith.constant 26 : i32
    %dma_wait3A_49 = arith.constant 1 : i32
    %dma_wait3A_50 = arith.constant 0 : i32
    %dma_wait3A_51 = tpu.memref_slice %arg16[%dma_wait3A_49, %dma_wait3A_50] : memref<2x128xi32, #tpu.memory_space<vmem>> -> memref<1x128xi32, #tpu.memory_space<vmem>>
    %dma_wait3A_52 = tpu.memref_squeeze %dma_wait3A_51 : memref<1x128xi32, #tpu.memory_space<vmem>> -> memref<128xi32, #tpu.memory_space<vmem>>
    %dma_wait3A_53 = arith.constant 0 : i32
    %dma_wait3A_54 = arith.constant 0 : i32
    %dma_wait3A_55 = tpu.memref_slice %arg21[%dma_wait3A_53, %dma_wait3A_54] : memref<10000x128xf32, #tpu.memory_space<vmem_shared>> -> memref<10000x128xf32, #tpu.memory_space<vmem_shared>>
    tpu.wait_indirect_dma semaphore(%arg20 : memref<!tpu.dma_semaphore, #tpu.memory_space<semaphore_mem>>) src(%arg17 : memref<128x128xf32, #tpu.memory_space<vmem>>) dst(%dma_wait3A_55 : memref<10000x128xf32, #tpu.memory_space<vmem_shared>>)
    %lt3A = arith.constant 4 : i32
    %lt3A_56 = arith.cmpi slt, %add3A, %lt3A : i32
    %convert_element_type3A_57 = arith.extui %lt3A_56 : i1 to i32
    %cond3A_58 = arith.constant 0 : i32
    %cond3A_59 = arith.cmpi ne, %convert_element_type3A_57, %cond3A_58 : i32
    scf.if %cond3A_59 {
      %add3A_66 = arith.constant 9984 : i32
      %add3A_67 = arith.addi %mul3A_6, %add3A_66 : i32
      %dma_start3A_68 = arith.constant 0 : i32
      %dma_start3A_69 = tpu.memref_slice %arg3[%dma_start3A_68, %add3A_67] : memref<2x320000xi32, #tpu.memory_space<hbm>> -> memref<2x128xi32, #tpu.memory_space<hbm>>
      %dma_start3A_70 = arith.constant 0 : i32
      %dma_start3A_71 = tpu.memref_slice %arg3[%dma_start3A_70, %add3A_67] : memref<2x320000xi32, #tpu.memory_space<hbm>> -> memref<2x128xi32, #tpu.memory_space<hbm>>
      tpu.enqueue_dma source(%dma_start3A_71 : memref<2x128xi32, #tpu.memory_space<hbm>>) target(%arg6 : memref<2x128xi32, #tpu.memory_space<vmem>>) target_semaphore(%arg8 : memref<!tpu.dma_semaphore, #tpu.memory_space<semaphore_mem>>)
      %dma_wait3A_72 = arith.constant 0 : i32
      %dma_wait3A_73 = arith.constant 0 : i32
      %dma_wait3A_74 = tpu.memref_slice %arg3[%dma_wait3A_72, %dma_wait3A_73] : memref<2x320000xi32, #tpu.memory_space<hbm>> -> memref<2x128xi32, #tpu.memory_space<hbm>>
      %dma_wait3A_75 = arith.constant 0 : i32
      %dma_wait3A_76 = arith.constant 0 : i32
      %dma_wait3A_77 = tpu.memref_slice %arg3[%dma_wait3A_75, %dma_wait3A_76] : memref<2x320000xi32, #tpu.memory_space<hbm>> -> memref<2x128xi32, #tpu.memory_space<hbm>>
      tpu.wait_dma2 semaphore(%arg8 : memref<!tpu.dma_semaphore, #tpu.memory_space<semaphore_mem>>) src(%dma_wait3A_77 : memref<2x128xi32, #tpu.memory_space<hbm>>) dst(%arg6 : memref<2x128xi32, #tpu.memory_space<vmem>>)
      %dma_start3A_78 = arith.constant 0 : i32
      %dma_start3A_79 = arith.constant 0 : i32
      %dma_start3A_80 = tpu.memref_slice %arg6[%dma_start3A_78, %dma_start3A_79] : memref<2x128xi32, #tpu.memory_space<vmem>> -> memref<1x128xi32, #tpu.memory_space<vmem>>
      %dma_start3A_81 = tpu.memref_squeeze %dma_start3A_80 : memref<1x128xi32, #tpu.memory_space<vmem>> -> memref<128xi32, #tpu.memory_space<vmem>>
      %dma_start3A_82 = arith.constant 0 : i32
      %dma_start3A_83 = arith.constant 0 : i32
      %dma_start3A_84 = tpu.memref_slice %arg2[%dma_start3A_82, %dma_start3A_83] : memref<10000x128xf32, #tpu.memory_space<hbm>> -> memref<10000x128xf32, #tpu.memory_space<hbm>>
      tpu.enqueue_indirect_dma source(%dma_start3A_84 : memref<10000x128xf32, #tpu.memory_space<hbm>>) target(%arg7 : memref<128x128xf32, #tpu.memory_space<vmem>>) offsets(%dma_start3A_81 : memref<128xi32, #tpu.memory_space<vmem>>) semaphore(%arg9 : memref<!tpu.dma_semaphore, #tpu.memory_space<semaphore_mem>>)
      %dma_wait3A_85 = arith.constant 0 : i32
      %dma_wait3A_86 = arith.constant 0 : i32
      %dma_wait3A_87 = tpu.memref_slice %arg6[%dma_wait3A_85, %dma_wait3A_86] : memref<2x128xi32, #tpu.memory_space<vmem>> -> memref<1x128xi32, #tpu.memory_space<vmem>>
      %dma_wait3A_88 = tpu.memref_squeeze %dma_wait3A_87 : memref<1x128xi32, #tpu.memory_space<vmem>> -> memref<128xi32, #tpu.memory_space<vmem>>
      %dma_wait3A_89 = arith.constant 0 : i32
      %dma_wait3A_90 = arith.constant 0 : i32
      %dma_wait3A_91 = tpu.memref_slice %arg2[%dma_wait3A_89, %dma_wait3A_90] : memref<10000x128xf32, #tpu.memory_space<hbm>> -> memref<10000x128xf32, #tpu.memory_space<hbm>>
      tpu.wait_indirect_dma semaphore(%arg9 : memref<!tpu.dma_semaphore, #tpu.memory_space<semaphore_mem>>) src(%dma_wait3A_91 : memref<10000x128xf32, #tpu.memory_space<hbm>>) dst(%arg7 : memref<128x128xf32, #tpu.memory_space<vmem>>)
      %dma_start3A_92 = arith.constant 1 : i32
      %dma_start3A_93 = arith.constant 0 : i32
      %dma_start3A_94 = tpu.memref_slice %arg6[%dma_start3A_92, %dma_start3A_93] : memref<2x128xi32, #tpu.memory_space<vmem>> -> memref<1x128xi32, #tpu.memory_space<vmem>>
      %dma_start3A_95 = tpu.memref_squeeze %dma_start3A_94 : memref<1x128xi32, #tpu.memory_space<vmem>> -> memref<128xi32, #tpu.memory_space<vmem>>
      %dma_start3A_96 = arith.constant 0 : i32
      %dma_start3A_97 = arith.constant 0 : i32
      %dma_start3A_98 = tpu.memref_slice %arg21[%dma_start3A_96, %dma_start3A_97] : memref<10000x128xf32, #tpu.memory_space<vmem_shared>> -> memref<10000x128xf32, #tpu.memory_space<vmem_shared>>
      tpu.enqueue_indirect_dma source(%arg7 : memref<128x128xf32, #tpu.memory_space<vmem>>) target(%dma_start3A_98 : memref<10000x128xf32, #tpu.memory_space<vmem_shared>>) offsets(%dma_start3A_95 : memref<128xi32, #tpu.memory_space<vmem>>) semaphore(%arg10 : memref<!tpu.dma_semaphore, #tpu.memory_space<semaphore_mem>>) {add = true}
      %dma_wait3A_99 = arith.constant 1 : i32
      %dma_wait3A_100 = arith.constant 0 : i32
      %dma_wait3A_101 = tpu.memref_slice %arg6[%dma_wait3A_99, %dma_wait3A_100] : memref<2x128xi32, #tpu.memory_space<vmem>> -> memref<1x128xi32, #tpu.memory_space<vmem>>
      %dma_wait3A_102 = tpu.memref_squeeze %dma_wait3A_101 : memref<1x128xi32, #tpu.memory_space<vmem>> -> memref<128xi32, #tpu.memory_space<vmem>>
      %dma_wait3A_103 = arith.constant 0 : i32
      %dma_wait3A_104 = arith.constant 0 : i32
      %dma_wait3A_105 = tpu.memref_slice %arg21[%dma_wait3A_103, %dma_wait3A_104] : memref<10000x128xf32, #tpu.memory_space<vmem_shared>> -> memref<10000x128xf32, #tpu.memory_space<vmem_shared>>
      tpu.wait_indirect_dma semaphore(%arg10 : memref<!tpu.dma_semaphore, #tpu.memory_space<semaphore_mem>>) src(%arg7 : memref<128x128xf32, #tpu.memory_space<vmem>>) dst(%dma_wait3A_105 : memref<10000x128xf32, #tpu.memory_space<vmem_shared>>)
    } else {
    }
    %barrier3A_60 = arith.constant 0 : index
    tpu.barrier barrier_id(%barrier3A_60)
    "tpu.region"() ({
      %run_scoped3A = tpu.sem_alloc : memref<!tpu.dma_semaphore, #tpu.memory_space<semaphore_mem>>
      %dma_start3A_66 = arith.constant 0 : i32
      %dma_start3A_67 = tpu.memref_slice %arg5[%arg0, %mul3A_19, %dma_start3A_66] : memref<2x10000x128xf32, #tpu.memory_space<hbm>> -> memref<1x624x128xf32, #tpu.memory_space<hbm>>
      %dma_start3A_68 = tpu.memref_squeeze %dma_start3A_67 : memref<1x624x128xf32, #tpu.memory_space<hbm>> -> memref<624x128xf32, #tpu.memory_space<hbm>>
      %dma_start3A_69 = arith.constant 0 : i32
      %dma_start3A_70 = tpu.memref_slice %arg21[%mul3A_19, %dma_start3A_69] : memref<10000x128xf32, #tpu.memory_space<vmem_shared>> -> memref<624x128xf32, #tpu.memory_space<vmem_shared>>
      tpu.enqueue_dma source(%dma_start3A_70 : memref<624x128xf32, #tpu.memory_space<vmem_shared>>) target(%dma_start3A_68 : memref<624x128xf32, #tpu.memory_space<hbm>>) target_semaphore(%run_scoped3A : memref<!tpu.dma_semaphore, #tpu.memory_space<semaphore_mem>>)
      %dma_wait3A_71 = arith.constant 0 : i32
      %dma_wait3A_72 = tpu.memref_slice %arg5[%arg0, %mul3A_19, %dma_wait3A_71] : memref<2x10000x128xf32, #tpu.memory_space<hbm>> -> memref<1x624x128xf32, #tpu.memory_space<hbm>>
      %dma_wait3A_73 = tpu.memref_squeeze %dma_wait3A_72 : memref<1x624x128xf32, #tpu.memory_space<hbm>> -> memref<624x128xf32, #tpu.memory_space<hbm>>
      %dma_wait3A_74 = arith.constant 0 : i32
      %dma_wait3A_75 = tpu.memref_slice %arg21[%mul3A_19, %dma_wait3A_74] : memref<10000x128xf32, #tpu.memory_space<vmem_shared>> -> memref<624x128xf32, #tpu.memory_space<vmem_shared>>
      tpu.wait_dma2 semaphore(%run_scoped3A : memref<!tpu.dma_semaphore, #tpu.memory_space<semaphore_mem>>) src(%dma_wait3A_75 : memref<624x128xf32, #tpu.memory_space<vmem_shared>>) dst(%dma_wait3A_73 : memref<624x128xf32, #tpu.memory_space<hbm>>)
      tpu.yield
    }) : () -> ()
    %eq3A_61 = arith.constant 0 : i32
    %eq3A_62 = arith.cmpi eq, %arg1, %eq3A_61 : i32
    %convert_element_type3A_63 = arith.extui %eq3A_62 : i1 to i32
    %cond3A_64 = arith.constant 0 : i32
    %cond3A_65 = arith.cmpi ne, %convert_element_type3A_63, %cond3A_64 : i32
    scf.if %cond3A_65 {
      "tpu.region"() ({
        %run_scoped3A = tpu.sem_alloc : memref<!tpu.dma_semaphore, #tpu.memory_space<semaphore_mem>>
        %dma_start3A_66 = arith.constant 9984 : i32
        %dma_start3A_67 = arith.constant 0 : i32
        %dma_start3A_68 = tpu.memref_slice %arg5[%arg0, %dma_start3A_66, %dma_start3A_67] : memref<2x10000x128xf32, #tpu.memory_space<hbm>> -> memref<1x16x128xf32, #tpu.memory_space<hbm>>
        %dma_start3A_69 = tpu.memref_squeeze %dma_start3A_68 : memref<1x16x128xf32, #tpu.memory_space<hbm>> -> memref<16x128xf32, #tpu.memory_space<hbm>>
        %dma_start3A_70 = arith.constant 9984 : i32
        %dma_start3A_71 = arith.constant 0 : i32
        %dma_start3A_72 = tpu.memref_slice %arg21[%dma_start3A_70, %dma_start3A_71] : memref<10000x128xf32, #tpu.memory_space<vmem_shared>> -> memref<16x128xf32, #tpu.memory_space<vmem_shared>>
        tpu.enqueue_dma source(%dma_start3A_72 : memref<16x128xf32, #tpu.memory_space<vmem_shared>>) target(%dma_start3A_69 : memref<16x128xf32, #tpu.memory_space<hbm>>) target_semaphore(%run_scoped3A : memref<!tpu.dma_semaphore, #tpu.memory_space<semaphore_mem>>)
        %dma_wait3A_73 = arith.constant 9984 : i32
        %dma_wait3A_74 = arith.constant 0 : i32
        %dma_wait3A_75 = tpu.memref_slice %arg5[%arg0, %dma_wait3A_73, %dma_wait3A_74] : memref<2x10000x128xf32, #tpu.memory_space<hbm>> -> memref<1x16x128xf32, #tpu.memory_space<hbm>>
        %dma_wait3A_76 = tpu.memref_squeeze %dma_wait3A_75 : memref<1x16x128xf32, #tpu.memory_space<hbm>> -> memref<16x128xf32, #tpu.memory_space<hbm>>
        %dma_wait3A_77 = arith.constant 9984 : i32
        %dma_wait3A_78 = arith.constant 0 : i32
        %dma_wait3A_79 = tpu.memref_slice %arg21[%dma_wait3A_77, %dma_wait3A_78] : memref<10000x128xf32, #tpu.memory_space<vmem_shared>> -> memref<16x128xf32, #tpu.memory_space<vmem_shared>>
        tpu.wait_dma2 semaphore(%run_scoped3A : memref<!tpu.dma_semaphore, #tpu.memory_space<semaphore_mem>>) src(%dma_wait3A_79 : memref<16x128xf32, #tpu.memory_space<vmem_shared>>) dst(%dma_wait3A_76 : memref<16x128xf32, #tpu.memory_space<hbm>>)
        tpu.yield
      }) : () -> ()
    } else {
    }
    return
  }
}

#map = affine_map<(d0, d1) -> (0, 0)>
#map1 = affine_map<(d0, d1) -> (0, 0, 0)>
module attributes {stable_mosaic.version = 14 : i64} {
  func.func @sc_agg(%arg0: i32, %arg1: i32, %arg2: memref<10000x128xf32, #tpu.memory_space<hbm>>, %arg3: memref<2x320000xi32, #tpu.memory_space<hbm>>, %arg4: memref<10000x128xf32, #tpu.memory_space<hbm>>, %arg5: memref<2x10000x128xf32, #tpu.memory_space<hbm>>, %arg6: memref<2x128xi32, #tpu.memory_space<vmem>>, %arg7: memref<128x128xf32, #tpu.memory_space<vmem>>, %arg8: memref<!tpu.dma_semaphore, #tpu.memory_space<semaphore_mem>>, %arg9: memref<!tpu.dma_semaphore, #tpu.memory_space<semaphore_mem>>, %arg10: memref<!tpu.dma_semaphore, #tpu.memory_space<semaphore_mem>>, %arg11: memref<2x128xi32, #tpu.memory_space<vmem>>, %arg12: memref<128x128xf32, #tpu.memory_space<vmem>>, %arg13: memref<!tpu.dma_semaphore, #tpu.memory_space<semaphore_mem>>, %arg14: memref<!tpu.dma_semaphore, #tpu.memory_space<semaphore_mem>>, %arg15: memref<!tpu.dma_semaphore, #tpu.memory_space<semaphore_mem>>, %arg16: memref<2x128xi32, #tpu.memory_space<vmem>>, %arg17: memref<128x128xf32, #tpu.memory_space<vmem>>, %arg18: memref<!tpu.dma_semaphore, #tpu.memory_space<semaphore_mem>>, %arg19: memref<!tpu.dma_semaphore, #tpu.memory_space<semaphore_mem>>, %arg20: memref<!tpu.dma_semaphore, #tpu.memory_space<semaphore_mem>>, %arg21: memref<10000x128xf32, #tpu.memory_space<vmem_shared>>) attributes {dimension_semantics = [#tpu.dimension_semantics<core_parallel>, #tpu.dimension_semantics<subcore_parallel>], iteration_bounds = array<i64: 2, 16>, scalar_prefetch = 0 : i64, scratch_operands = 16 : i64, tpu.core_type = #tpu.core_type<sc_vector_subcore>, window_params = [{transform_indices = #map}, {transform_indices = #map}, {transform_indices = #map}, {transform_indices = #map1}]} {
    %mul3A = arith.constant 16 : i32
    %mul3A_0 = arith.muli %arg0, %mul3A : i32
    %add3A = arith.addi %mul3A_0, %arg1 : i32
    %mul3A_1 = arith.constant 78 : i32
    %mul3A_2 = arith.muli %add3A, %mul3A_1 : i32
    %min3A = arith.constant 4 : i32
    %min3A_3 = arith.minsi %add3A, %min3A : i32
    %add3A_4 = arith.addi %mul3A_2, %min3A_3 : i32
    %mul3A_5 = arith.constant 128 : i32
    %mul3A_6 = arith.muli %add3A_4, %mul3A_5 : i32
    %add3A_7 = arith.constant 0 : i32
    %add3A_8 = arith.addi %mul3A_6, %add3A_7 : i32
    %dma_start3A = arith.constant 0 : i32
    %dma_start3A_9 = tpu.memref_slice %arg3[%dma_start3A, %add3A_8] : memref<2x320000xi32, #tpu.memory_space<hbm>> -> memref<2x128xi32, #tpu.memory_space<hbm>>
    %dma_start3A_10 = arith.constant 0 : i32
    %dma_start3A_11 = tpu.memref_slice %arg3[%dma_start3A_10, %add3A_8] : memref<2x320000xi32, #tpu.memory_space<hbm>> -> memref<2x128xi32, #tpu.memory_space<hbm>>
    tpu.enqueue_dma source(%dma_start3A_11 : memref<2x128xi32, #tpu.memory_space<hbm>>) target(%arg6 : memref<2x128xi32, #tpu.memory_space<vmem>>) target_semaphore(%arg8 : memref<!tpu.dma_semaphore, #tpu.memory_space<semaphore_mem>>)
    %add3A_12 = arith.constant 128 : i32
    %add3A_13 = arith.addi %mul3A_6, %add3A_12 : i32
    %dma_start3A_14 = arith.constant 0 : i32
    %dma_start3A_15 = tpu.memref_slice %arg3[%dma_start3A_14, %add3A_13] : memref<2x320000xi32, #tpu.memory_space<hbm>> -> memref<2x128xi32, #tpu.memory_space<hbm>>
    %dma_start3A_16 = arith.constant 0 : i32
    %dma_start3A_17 = tpu.memref_slice %arg3[%dma_start3A_16, %add3A_13] : memref<2x320000xi32, #tpu.memory_space<hbm>> -> memref<2x128xi32, #tpu.memory_space<hbm>>
    tpu.enqueue_dma source(%dma_start3A_17 : memref<2x128xi32, #tpu.memory_space<hbm>>) target(%arg11 : memref<2x128xi32, #tpu.memory_space<vmem>>) target_semaphore(%arg13 : memref<!tpu.dma_semaphore, #tpu.memory_space<semaphore_mem>>)
    %mul3A_18 = arith.constant 624 : i32
    %mul3A_19 = arith.muli %arg1, %mul3A_18 : i32
    %eq3A = arith.constant 0 : i32
    %eq3A_20 = arith.cmpi eq, %arg0, %eq3A : i32
    %convert_element_type3A = arith.extui %eq3A_20 : i1 to i32
    %cond3A = arith.constant 0 : i32
    %cond3A_21 = arith.cmpi ne, %convert_element_type3A, %cond3A : i32
    scf.if %cond3A_21 {
      "tpu.region"() ({
        %run_scoped3A = tpu.sem_alloc : memref<!tpu.dma_semaphore, #tpu.memory_space<semaphore_mem>>
        %dma_start3A_66 = arith.constant 0 : i32
        %dma_start3A_67 = tpu.memref_slice %arg21[%mul3A_19, %dma_start3A_66] : memref<10000x128xf32, #tpu.memory_space<vmem_shared>> -> memref<624x128xf32, #tpu.memory_space<vmem_shared>>
        %dma_start3A_68 = arith.constant 0 : i32
        %dma_start3A_69 = tpu.memref_slice %arg2[%mul3A_19, %dma_start3A_68] : memref<10000x128xf32, #tpu.memory_space<hbm>> -> memref<624x128xf32, #tpu.memory_space<hbm>>
        tpu.enqueue_dma source(%dma_start3A_69 : memref<624x128xf32, #tpu.memory_space<hbm>>) target(%dma_start3A_67 : memref<624x128xf32, #tpu.memory_space<vmem_shared>>) target_semaphore(%run_scoped3A : memref<!tpu.dma_semaphore, #tpu.memory_space<semaphore_mem>>)
        %dma_wait3A_70 = arith.constant 0 : i32
        %dma_wait3A_71 = tpu.memref_slice %arg21[%mul3A_19, %dma_wait3A_70] : memref<10000x128xf32, #tpu.memory_space<vmem_shared>> -> memref<624x128xf32, #tpu.memory_space<vmem_shared>>
        %dma_wait3A_72 = arith.constant 0 : i32
        %dma_wait3A_73 = tpu.memref_slice %arg2[%mul3A_19, %dma_wait3A_72] : memref<10000x128xf32, #tpu.memory_space<hbm>> -> memref<624x128xf32, #tpu.memory_space<hbm>>
        tpu.wait_dma2 semaphore(%run_scoped3A : memref<!tpu.dma_semaphore, #tpu.memory_space<semaphore_mem>>) src(%dma_wait3A_73 : memref<624x128xf32, #tpu.memory_space<hbm>>) dst(%dma_wait3A_71 : memref<624x128xf32, #tpu.memory_space<vmem_shared>>)
        tpu.yield
      }) : () -> ()
    } else {
    }
    %eq3A_22 = arith.constant 1 : i32
    %eq3A_23 = arith.cmpi eq, %arg0, %eq3A_22 : i32
    %convert_element_type3A_24 = arith.extui %eq3A_23 : i1 to i32
    %cond3A_25 = arith.constant 0 : i32
    %cond3A_26 = arith.cmpi ne, %convert_element_type3A_24, %cond3A_25 : i32
    scf.if %cond3A_26 {
      "tpu.region"() ({
        %run_scoped3A = tpu.sem_alloc : memref<!tpu.dma_semaphore, #tpu.memory_space<semaphore_mem>>
        %dma_start3A_66 = arith.constant 0 : i32
        %dma_start3A_67 = tpu.memref_slice %arg21[%mul3A_19, %dma_start3A_66] : memref<10000x128xf32, #tpu.memory_space<vmem_shared>> -> memref<624x128xf32, #tpu.memory_space<vmem_shared>>
        %dma_start3A_68 = arith.constant 0 : i32
        %dma_start3A_69 = tpu.memref_slice %arg4[%mul3A_19, %dma_start3A_68] : memref<10000x128xf32, #tpu.memory_space<hbm>> -> memref<624x128xf32, #tpu.memory_space<hbm>>
        tpu.enqueue_dma source(%dma_start3A_69 : memref<624x128xf32, #tpu.memory_space<hbm>>) target(%dma_start3A_67 : memref<624x128xf32, #tpu.memory_space<vmem_shared>>) target_semaphore(%run_scoped3A : memref<!tpu.dma_semaphore, #tpu.memory_space<semaphore_mem>>)
        %dma_wait3A_70 = arith.constant 0 : i32
        %dma_wait3A_71 = tpu.memref_slice %arg21[%mul3A_19, %dma_wait3A_70] : memref<10000x128xf32, #tpu.memory_space<vmem_shared>> -> memref<624x128xf32, #tpu.memory_space<vmem_shared>>
        %dma_wait3A_72 = arith.constant 0 : i32
        %dma_wait3A_73 = tpu.memref_slice %arg4[%mul3A_19, %dma_wait3A_72] : memref<10000x128xf32, #tpu.memory_space<hbm>> -> memref<624x128xf32, #tpu.memory_space<hbm>>
        tpu.wait_dma2 semaphore(%run_scoped3A : memref<!tpu.dma_semaphore, #tpu.memory_space<semaphore_mem>>) src(%dma_wait3A_73 : memref<624x128xf32, #tpu.memory_space<hbm>>) dst(%dma_wait3A_71 : memref<624x128xf32, #tpu.memory_space<vmem_shared>>)
        tpu.yield
      }) : () -> ()
    } else {
    }
    %eq3A_27 = arith.constant 0 : i32
    %eq3A_28 = arith.cmpi eq, %arg1, %eq3A_27 : i32
    %convert_element_type3A_29 = arith.extui %eq3A_28 : i1 to i32
    %cond3A_30 = arith.constant 0 : i32
    %cond3A_31 = arith.cmpi ne, %convert_element_type3A_29, %cond3A_30 : i32
    scf.if %cond3A_31 {
      %eq3A_66 = arith.constant 0 : i32
      %eq3A_67 = arith.cmpi eq, %arg0, %eq3A_66 : i32
      %convert_element_type3A_68 = arith.extui %eq3A_67 : i1 to i32
      %cond3A_69 = arith.constant 0 : i32
      %cond3A_70 = arith.cmpi ne, %convert_element_type3A_68, %cond3A_69 : i32
      scf.if %cond3A_70 {
        "tpu.region"() ({
          %run_scoped3A = tpu.sem_alloc : memref<!tpu.dma_semaphore, #tpu.memory_space<semaphore_mem>>
          %dma_start3A_76 = arith.constant 9984 : i32
          %dma_start3A_77 = arith.constant 0 : i32
          %dma_start3A_78 = tpu.memref_slice %arg21[%dma_start3A_76, %dma_start3A_77] : memref<10000x128xf32, #tpu.memory_space<vmem_shared>> -> memref<16x128xf32, #tpu.memory_space<vmem_shared>>
          %dma_start3A_79 = arith.constant 9984 : i32
          %dma_start3A_80 = arith.constant 0 : i32
          %dma_start3A_81 = tpu.memref_slice %arg2[%dma_start3A_79, %dma_start3A_80] : memref<10000x128xf32, #tpu.memory_space<hbm>> -> memref<16x128xf32, #tpu.memory_space<hbm>>
          tpu.enqueue_dma source(%dma_start3A_81 : memref<16x128xf32, #tpu.memory_space<hbm>>) target(%dma_start3A_78 : memref<16x128xf32, #tpu.memory_space<vmem_shared>>) target_semaphore(%run_scoped3A : memref<!tpu.dma_semaphore, #tpu.memory_space<semaphore_mem>>)
          %dma_wait3A_82 = arith.constant 9984 : i32
          %dma_wait3A_83 = arith.constant 0 : i32
          %dma_wait3A_84 = tpu.memref_slice %arg21[%dma_wait3A_82, %dma_wait3A_83] : memref<10000x128xf32, #tpu.memory_space<vmem_shared>> -> memref<16x128xf32, #tpu.memory_space<vmem_shared>>
          %dma_wait3A_85 = arith.constant 9984 : i32
          %dma_wait3A_86 = arith.constant 0 : i32
          %dma_wait3A_87 = tpu.memref_slice %arg2[%dma_wait3A_85, %dma_wait3A_86] : memref<10000x128xf32, #tpu.memory_space<hbm>> -> memref<16x128xf32, #tpu.memory_space<hbm>>
          tpu.wait_dma2 semaphore(%run_scoped3A : memref<!tpu.dma_semaphore, #tpu.memory_space<semaphore_mem>>) src(%dma_wait3A_87 : memref<16x128xf32, #tpu.memory_space<hbm>>) dst(%dma_wait3A_84 : memref<16x128xf32, #tpu.memory_space<vmem_shared>>)
          tpu.yield
        }) : () -> ()
      } else {
      }
      %eq3A_71 = arith.constant 1 : i32
      %eq3A_72 = arith.cmpi eq, %arg0, %eq3A_71 : i32
      %convert_element_type3A_73 = arith.extui %eq3A_72 : i1 to i32
      %cond3A_74 = arith.constant 0 : i32
      %cond3A_75 = arith.cmpi ne, %convert_element_type3A_73, %cond3A_74 : i32
      scf.if %cond3A_75 {
        "tpu.region"() ({
          %run_scoped3A = tpu.sem_alloc : memref<!tpu.dma_semaphore, #tpu.memory_space<semaphore_mem>>
          %dma_start3A_76 = arith.constant 9984 : i32
          %dma_start3A_77 = arith.constant 0 : i32
          %dma_start3A_78 = tpu.memref_slice %arg21[%dma_start3A_76, %dma_start3A_77] : memref<10000x128xf32, #tpu.memory_space<vmem_shared>> -> memref<16x128xf32, #tpu.memory_space<vmem_shared>>
          %dma_start3A_79 = arith.constant 9984 : i32
          %dma_start3A_80 = arith.constant 0 : i32
          %dma_start3A_81 = tpu.memref_slice %arg4[%dma_start3A_79, %dma_start3A_80] : memref<10000x128xf32, #tpu.memory_space<hbm>> -> memref<16x128xf32, #tpu.memory_space<hbm>>
          tpu.enqueue_dma source(%dma_start3A_81 : memref<16x128xf32, #tpu.memory_space<hbm>>) target(%dma_start3A_78 : memref<16x128xf32, #tpu.memory_space<vmem_shared>>) target_semaphore(%run_scoped3A : memref<!tpu.dma_semaphore, #tpu.memory_space<semaphore_mem>>)
          %dma_wait3A_82 = arith.constant 9984 : i32
          %dma_wait3A_83 = arith.constant 0 : i32
          %dma_wait3A_84 = tpu.memref_slice %arg21[%dma_wait3A_82, %dma_wait3A_83] : memref<10000x128xf32, #tpu.memory_space<vmem_shared>> -> memref<16x128xf32, #tpu.memory_space<vmem_shared>>
          %dma_wait3A_85 = arith.constant 9984 : i32
          %dma_wait3A_86 = arith.constant 0 : i32
          %dma_wait3A_87 = tpu.memref_slice %arg4[%dma_wait3A_85, %dma_wait3A_86] : memref<10000x128xf32, #tpu.memory_space<hbm>> -> memref<16x128xf32, #tpu.memory_space<hbm>>
          tpu.wait_dma2 semaphore(%run_scoped3A : memref<!tpu.dma_semaphore, #tpu.memory_space<semaphore_mem>>) src(%dma_wait3A_87 : memref<16x128xf32, #tpu.memory_space<hbm>>) dst(%dma_wait3A_84 : memref<16x128xf32, #tpu.memory_space<vmem_shared>>)
          tpu.yield
        }) : () -> ()
      } else {
      }
    } else {
    }
    %dma_wait3A = arith.constant 0 : i32
    %dma_wait3A_32 = arith.constant 0 : i32
    %dma_wait3A_33 = tpu.memref_slice %arg3[%dma_wait3A, %dma_wait3A_32] : memref<2x320000xi32, #tpu.memory_space<hbm>> -> memref<2x128xi32, #tpu.memory_space<hbm>>
    %dma_wait3A_34 = arith.constant 0 : i32
    %dma_wait3A_35 = arith.constant 0 : i32
    %dma_wait3A_36 = tpu.memref_slice %arg3[%dma_wait3A_34, %dma_wait3A_35] : memref<2x320000xi32, #tpu.memory_space<hbm>> -> memref<2x128xi32, #tpu.memory_space<hbm>>
    tpu.wait_dma2 semaphore(%arg8 : memref<!tpu.dma_semaphore, #tpu.memory_space<semaphore_mem>>) src(%dma_wait3A_36 : memref<2x128xi32, #tpu.memory_space<hbm>>) dst(%arg6 : memref<2x128xi32, #tpu.memory_space<vmem>>)
    %dma_start3A_37 = arith.constant 0 : i32
    %dma_start3A_38 = arith.constant 0 : i32
    %dma_start3A_39 = tpu.memref_slice %arg6[%dma_start3A_37, %dma_start3A_38] : memref<2x128xi32, #tpu.memory_space<vmem>> -> memref<1x128xi32, #tpu.memory_space<vmem>>
    %dma_start3A_40 = tpu.memref_squeeze %dma_start3A_39 : memref<1x128xi32, #tpu.memory_space<vmem>> -> memref<128xi32, #tpu.memory_space<vmem>>
    %dma_start3A_41 = arith.constant 0 : i32
    %dma_start3A_42 = arith.constant 0 : i32
    %dma_start3A_43 = tpu.memref_slice %arg2[%dma_start3A_41, %dma_start3A_42] : memref<10000x128xf32, #tpu.memory_space<hbm>> -> memref<10000x128xf32, #tpu.memory_space<hbm>>
    tpu.enqueue_indirect_dma source(%dma_start3A_43 : memref<10000x128xf32, #tpu.memory_space<hbm>>) target(%arg7 : memref<128x128xf32, #tpu.memory_space<vmem>>) offsets(%dma_start3A_40 : memref<128xi32, #tpu.memory_space<vmem>>) semaphore(%arg9 : memref<!tpu.dma_semaphore, #tpu.memory_space<semaphore_mem>>)
    %barrier3A = arith.constant 0 : index
    tpu.barrier barrier_id(%barrier3A)
    %scan3A = arith.constant 0 : i32
    %scan3A_44 = arith.constant 0 : i32
    %scan3A_45 = arith.constant 26 : i32
    %scan3A_46 = arith.addi %scan3A_44, %scan3A_45 : i32
    %scan3A_47 = arith.constant 1 : i32
    scf.for %scan3A_66 = %scan3A_44 to %scan3A_46 step %scan3A_47  : i32 {
      %mul3A_67 = arith.constant 3 : i32
      %mul3A_68 = arith.muli %scan3A_66, %mul3A_67 : i32
      %add3A_69 = arith.constant 0 : i32
      %add3A_70 = arith.addi %mul3A_68, %add3A_69 : i32
      %dma_wait3A_71 = arith.constant 0 : i32
      %dma_wait3A_72 = arith.constant 0 : i32
      %dma_wait3A_73 = tpu.memref_slice %arg6[%dma_wait3A_71, %dma_wait3A_72] : memref<2x128xi32, #tpu.memory_space<vmem>> -> memref<1x128xi32, #tpu.memory_space<vmem>>
      %dma_wait3A_74 = tpu.memref_squeeze %dma_wait3A_73 : memref<1x128xi32, #tpu.memory_space<vmem>> -> memref<128xi32, #tpu.memory_space<vmem>>
      %dma_wait3A_75 = arith.constant 0 : i32
      %dma_wait3A_76 = arith.constant 0 : i32
      %dma_wait3A_77 = tpu.memref_slice %arg2[%dma_wait3A_75, %dma_wait3A_76] : memref<10000x128xf32, #tpu.memory_space<hbm>> -> memref<10000x128xf32, #tpu.memory_space<hbm>>
      tpu.wait_indirect_dma semaphore(%arg9 : memref<!tpu.dma_semaphore, #tpu.memory_space<semaphore_mem>>) src(%dma_wait3A_77 : memref<10000x128xf32, #tpu.memory_space<hbm>>) dst(%arg7 : memref<128x128xf32, #tpu.memory_space<vmem>>)
      %dma_start3A_78 = arith.constant 1 : i32
      %dma_start3A_79 = arith.constant 0 : i32
      %dma_start3A_80 = tpu.memref_slice %arg6[%dma_start3A_78, %dma_start3A_79] : memref<2x128xi32, #tpu.memory_space<vmem>> -> memref<1x128xi32, #tpu.memory_space<vmem>>
      %dma_start3A_81 = tpu.memref_squeeze %dma_start3A_80 : memref<1x128xi32, #tpu.memory_space<vmem>> -> memref<128xi32, #tpu.memory_space<vmem>>
      %dma_start3A_82 = arith.constant 0 : i32
      %dma_start3A_83 = arith.constant 0 : i32
      %dma_start3A_84 = tpu.memref_slice %arg21[%dma_start3A_82, %dma_start3A_83] : memref<10000x128xf32, #tpu.memory_space<vmem_shared>> -> memref<10000x128xf32, #tpu.memory_space<vmem_shared>>
      tpu.enqueue_indirect_dma source(%arg7 : memref<128x128xf32, #tpu.memory_space<vmem>>) target(%dma_start3A_84 : memref<10000x128xf32, #tpu.memory_space<vmem_shared>>) offsets(%dma_start3A_81 : memref<128xi32, #tpu.memory_space<vmem>>) semaphore(%arg10 : memref<!tpu.dma_semaphore, #tpu.memory_space<semaphore_mem>>) {add = true}
      %ge3A = arith.constant 1 : i32
      %ge3A_85 = arith.cmpi sge, %add3A_70, %ge3A : i32
      %convert_element_type3A_86 = arith.extui %ge3A_85 : i1 to i32
      %cond3A_87 = arith.constant 0 : i32
      %cond3A_88 = arith.cmpi ne, %convert_element_type3A_86, %cond3A_87 : i32
      scf.if %cond3A_88 {
        %dma_wait3A_177 = arith.constant 1 : i32
        %dma_wait3A_178 = arith.constant 0 : i32
        %dma_wait3A_179 = tpu.memref_slice %arg16[%dma_wait3A_177, %dma_wait3A_178] : memref<2x128xi32, #tpu.memory_space<vmem>> -> memref<1x128xi32, #tpu.memory_space<vmem>>
        %dma_wait3A_180 = tpu.memref_squeeze %dma_wait3A_179 : memref<1x128xi32, #tpu.memory_space<vmem>> -> memref<128xi32, #tpu.memory_space<vmem>>
        %dma_wait3A_181 = arith.constant 0 : i32
        %dma_wait3A_182 = arith.constant 0 : i32
        %dma_wait3A_183 = tpu.memref_slice %arg21[%dma_wait3A_181, %dma_wait3A_182] : memref<10000x128xf32, #tpu.memory_space<vmem_shared>> -> memref<10000x128xf32, #tpu.memory_space<vmem_shared>>
        tpu.wait_indirect_dma semaphore(%arg20 : memref<!tpu.dma_semaphore, #tpu.memory_space<semaphore_mem>>) src(%arg17 : memref<128x128xf32, #tpu.memory_space<vmem>>) dst(%dma_wait3A_183 : memref<10000x128xf32, #tpu.memory_space<vmem_shared>>)
      } else {
      }
      %add3A_89 = arith.constant 1 : i32
      %add3A_90 = arith.addi %add3A_70, %add3A_89 : i32
      %lt3A_91 = arith.constant 78 : i32
      %lt3A_92 = arith.cmpi slt, %add3A_90, %lt3A_91 : i32
      %convert_element_type3A_93 = arith.extui %lt3A_92 : i1 to i32
      %cond3A_94 = arith.constant 0 : i32
      %cond3A_95 = arith.cmpi ne, %convert_element_type3A_93, %cond3A_94 : i32
      scf.if %cond3A_95 {
        %dma_wait3A_177 = arith.constant 0 : i32
        %dma_wait3A_178 = arith.constant 0 : i32
        %dma_wait3A_179 = tpu.memref_slice %arg3[%dma_wait3A_177, %dma_wait3A_178] : memref<2x320000xi32, #tpu.memory_space<hbm>> -> memref<2x128xi32, #tpu.memory_space<hbm>>
        %dma_wait3A_180 = arith.constant 0 : i32
        %dma_wait3A_181 = arith.constant 0 : i32
        %dma_wait3A_182 = tpu.memref_slice %arg3[%dma_wait3A_180, %dma_wait3A_181] : memref<2x320000xi32, #tpu.memory_space<hbm>> -> memref<2x128xi32, #tpu.memory_space<hbm>>
        tpu.wait_dma2 semaphore(%arg13 : memref<!tpu.dma_semaphore, #tpu.memory_space<semaphore_mem>>) src(%dma_wait3A_182 : memref<2x128xi32, #tpu.memory_space<hbm>>) dst(%arg11 : memref<2x128xi32, #tpu.memory_space<vmem>>)
        %dma_start3A_183 = arith.constant 0 : i32
        %dma_start3A_184 = arith.constant 0 : i32
        %dma_start3A_185 = tpu.memref_slice %arg11[%dma_start3A_183, %dma_start3A_184] : memref<2x128xi32, #tpu.memory_space<vmem>> -> memref<1x128xi32, #tpu.memory_space<vmem>>
        %dma_start3A_186 = tpu.memref_squeeze %dma_start3A_185 : memref<1x128xi32, #tpu.memory_space<vmem>> -> memref<128xi32, #tpu.memory_space<vmem>>
        %dma_start3A_187 = arith.constant 0 : i32
        %dma_start3A_188 = arith.constant 0 : i32
        %dma_start3A_189 = tpu.memref_slice %arg2[%dma_start3A_187, %dma_start3A_188] : memref<10000x128xf32, #tpu.memory_space<hbm>> -> memref<10000x128xf32, #tpu.memory_space<hbm>>
        tpu.enqueue_indirect_dma source(%dma_start3A_189 : memref<10000x128xf32, #tpu.memory_space<hbm>>) target(%arg12 : memref<128x128xf32, #tpu.memory_space<vmem>>) offsets(%dma_start3A_186 : memref<128xi32, #tpu.memory_space<vmem>>) semaphore(%arg14 : memref<!tpu.dma_semaphore, #tpu.memory_space<semaphore_mem>>)
      } else {
      }
      %add3A_96 = arith.constant 2 : i32
      %add3A_97 = arith.addi %add3A_70, %add3A_96 : i32
      %lt3A_98 = arith.constant 78 : i32
      %lt3A_99 = arith.cmpi slt, %add3A_97, %lt3A_98 : i32
      %convert_element_type3A_100 = arith.extui %lt3A_99 : i1 to i32
      %cond3A_101 = arith.constant 0 : i32
      %cond3A_102 = arith.cmpi ne, %convert_element_type3A_100, %cond3A_101 : i32
      scf.if %cond3A_102 {
        %add3A_177 = arith.constant 2 : i32
        %add3A_178 = arith.addi %add3A_70, %add3A_177 : i32
        %mul3A_179 = arith.constant 128 : i32
        %mul3A_180 = arith.muli %add3A_178, %mul3A_179 : i32
        %add3A_181 = arith.addi %mul3A_6, %mul3A_180 : i32
        %dma_start3A_182 = arith.constant 0 : i32
        %dma_start3A_183 = tpu.memref_slice %arg3[%dma_start3A_182, %add3A_181] : memref<2x320000xi32, #tpu.memory_space<hbm>> -> memref<2x128xi32, #tpu.memory_space<hbm>>
        %dma_start3A_184 = arith.constant 0 : i32
        %dma_start3A_185 = tpu.memref_slice %arg3[%dma_start3A_184, %add3A_181] : memref<2x320000xi32, #tpu.memory_space<hbm>> -> memref<2x128xi32, #tpu.memory_space<hbm>>
        tpu.enqueue_dma source(%dma_start3A_185 : memref<2x128xi32, #tpu.memory_space<hbm>>) target(%arg16 : memref<2x128xi32, #tpu.memory_space<vmem>>) target_semaphore(%arg18 : memref<!tpu.dma_semaphore, #tpu.memory_space<semaphore_mem>>)
      } else {
      }
      %mul3A_103 = arith.constant 3 : i32
      %mul3A_104 = arith.muli %scan3A_66, %mul3A_103 : i32
      %add3A_105 = arith.constant 1 : i32
      %add3A_106 = arith.addi %mul3A_104, %add3A_105 : i32
      %dma_wait3A_107 = arith.constant 0 : i32
      %dma_wait3A_108 = arith.constant 0 : i32
      %dma_wait3A_109 = tpu.memref_slice %arg11[%dma_wait3A_107, %dma_wait3A_108] : memref<2x128xi32, #tpu.memory_space<vmem>> -> memref<1x128xi32, #tpu.memory_space<vmem>>
      %dma_wait3A_110 = tpu.memref_squeeze %dma_wait3A_109 : memref<1x128xi32, #tpu.memory_space<vmem>> -> memref<128xi32, #tpu.memory_space<vmem>>
      %dma_wait3A_111 = arith.constant 0 : i32
      %dma_wait3A_112 = arith.constant 0 : i32
      %dma_wait3A_113 = tpu.memref_slice %arg2[%dma_wait3A_111, %dma_wait3A_112] : memref<10000x128xf32, #tpu.memory_space<hbm>> -> memref<10000x128xf32, #tpu.memory_space<hbm>>
      tpu.wait_indirect_dma semaphore(%arg14 : memref<!tpu.dma_semaphore, #tpu.memory_space<semaphore_mem>>) src(%dma_wait3A_113 : memref<10000x128xf32, #tpu.memory_space<hbm>>) dst(%arg12 : memref<128x128xf32, #tpu.memory_space<vmem>>)
      %dma_start3A_114 = arith.constant 1 : i32
      %dma_start3A_115 = arith.constant 0 : i32
      %dma_start3A_116 = tpu.memref_slice %arg11[%dma_start3A_114, %dma_start3A_115] : memref<2x128xi32, #tpu.memory_space<vmem>> -> memref<1x128xi32, #tpu.memory_space<vmem>>
      %dma_start3A_117 = tpu.memref_squeeze %dma_start3A_116 : memref<1x128xi32, #tpu.memory_space<vmem>> -> memref<128xi32, #tpu.memory_space<vmem>>
      %dma_start3A_118 = arith.constant 0 : i32
      %dma_start3A_119 = arith.constant 0 : i32
      %dma_start3A_120 = tpu.memref_slice %arg21[%dma_start3A_118, %dma_start3A_119] : memref<10000x128xf32, #tpu.memory_space<vmem_shared>> -> memref<10000x128xf32, #tpu.memory_space<vmem_shared>>
      tpu.enqueue_indirect_dma source(%arg12 : memref<128x128xf32, #tpu.memory_space<vmem>>) target(%dma_start3A_120 : memref<10000x128xf32, #tpu.memory_space<vmem_shared>>) offsets(%dma_start3A_117 : memref<128xi32, #tpu.memory_space<vmem>>) semaphore(%arg15 : memref<!tpu.dma_semaphore, #tpu.memory_space<semaphore_mem>>) {add = true}
      %ge3A_121 = arith.constant 1 : i32
      %ge3A_122 = arith.cmpi sge, %add3A_106, %ge3A_121 : i32
      %convert_element_type3A_123 = arith.extui %ge3A_122 : i1 to i32
      %cond3A_124 = arith.constant 0 : i32
      %cond3A_125 = arith.cmpi ne, %convert_element_type3A_123, %cond3A_124 : i32
      scf.if %cond3A_125 {
        %dma_wait3A_177 = arith.constant 1 : i32
        %dma_wait3A_178 = arith.constant 0 : i32
        %dma_wait3A_179 = tpu.memref_slice %arg6[%dma_wait3A_177, %dma_wait3A_178] : memref<2x128xi32, #tpu.memory_space<vmem>> -> memref<1x128xi32, #tpu.memory_space<vmem>>
        %dma_wait3A_180 = tpu.memref_squeeze %dma_wait3A_179 : memref<1x128xi32, #tpu.memory_space<vmem>> -> memref<128xi32, #tpu.memory_space<vmem>>
        %dma_wait3A_181 = arith.constant 0 : i32
        %dma_wait3A_182 = arith.constant 0 : i32
        %dma_wait3A_183 = tpu.memref_slice %arg21[%dma_wait3A_181, %dma_wait3A_182] : memref<10000x128xf32, #tpu.memory_space<vmem_shared>> -> memref<10000x128xf32, #tpu.memory_space<vmem_shared>>
        tpu.wait_indirect_dma semaphore(%arg10 : memref<!tpu.dma_semaphore, #tpu.memory_space<semaphore_mem>>) src(%arg7 : memref<128x128xf32, #tpu.memory_space<vmem>>) dst(%dma_wait3A_183 : memref<10000x128xf32, #tpu.memory_space<vmem_shared>>)
      } else {
      }
      %add3A_126 = arith.constant 1 : i32
      %add3A_127 = arith.addi %add3A_106, %add3A_126 : i32
      %lt3A_128 = arith.constant 78 : i32
      %lt3A_129 = arith.cmpi slt, %add3A_127, %lt3A_128 : i32
      %convert_element_type3A_130 = arith.extui %lt3A_129 : i1 to i32
      %cond3A_131 = arith.constant 0 : i32
      %cond3A_132 = arith.cmpi ne, %convert_element_type3A_130, %cond3A_131 : i32
      scf.if %cond3A_132 {
        %dma_wait3A_177 = arith.constant 0 : i32
        %dma_wait3A_178 = arith.constant 0 : i32
        %dma_wait3A_179 = tpu.memref_slice %arg3[%dma_wait3A_177, %dma_wait3A_178] : memref<2x320000xi32, #tpu.memory_space<hbm>> -> memref<2x128xi32, #tpu.memory_space<hbm>>
        %dma_wait3A_180 = arith.constant 0 : i32
        %dma_wait3A_181 = arith.constant 0 : i32
        %dma_wait3A_182 = tpu.memref_slice %arg3[%dma_wait3A_180, %dma_wait3A_181] : memref<2x320000xi32, #tpu.memory_space<hbm>> -> memref<2x128xi32, #tpu.memory_space<hbm>>
        tpu.wait_dma2 semaphore(%arg18 : memref<!tpu.dma_semaphore, #tpu.memory_space<semaphore_mem>>) src(%dma_wait3A_182 : memref<2x128xi32, #tpu.memory_space<hbm>>) dst(%arg16 : memref<2x128xi32, #tpu.memory_space<vmem>>)
        %dma_start3A_183 = arith.constant 0 : i32
        %dma_start3A_184 = arith.constant 0 : i32
        %dma_start3A_185 = tpu.memref_slice %arg16[%dma_start3A_183, %dma_start3A_184] : memref<2x128xi32, #tpu.memory_space<vmem>> -> memref<1x128xi32, #tpu.memory_space<vmem>>
        %dma_start3A_186 = tpu.memref_squeeze %dma_start3A_185 : memref<1x128xi32, #tpu.memory_space<vmem>> -> memref<128xi32, #tpu.memory_space<vmem>>
        %dma_start3A_187 = arith.constant 0 : i32
        %dma_start3A_188 = arith.constant 0 : i32
        %dma_start3A_189 = tpu.memref_slice %arg2[%dma_start3A_187, %dma_start3A_188] : memref<10000x128xf32, #tpu.memory_space<hbm>> -> memref<10000x128xf32, #tpu.memory_space<hbm>>
        tpu.enqueue_indirect_dma source(%dma_start3A_189 : memref<10000x128xf32, #tpu.memory_space<hbm>>) target(%arg17 : memref<128x128xf32, #tpu.memory_space<vmem>>) offsets(%dma_start3A_186 : memref<128xi32, #tpu.memory_space<vmem>>) semaphore(%arg19 : memref<!tpu.dma_semaphore, #tpu.memory_space<semaphore_mem>>)
      } else {
      }
      %add3A_133 = arith.constant 2 : i32
      %add3A_134 = arith.addi %add3A_106, %add3A_133 : i32
      %lt3A_135 = arith.constant 78 : i32
      %lt3A_136 = arith.cmpi slt, %add3A_134, %lt3A_135 : i32
      %convert_element_type3A_137 = arith.extui %lt3A_136 : i1 to i32
      %cond3A_138 = arith.constant 0 : i32
      %cond3A_139 = arith.cmpi ne, %convert_element_type3A_137, %cond3A_138 : i32
      scf.if %cond3A_139 {
        %add3A_177 = arith.constant 2 : i32
        %add3A_178 = arith.addi %add3A_106, %add3A_177 : i32
        %mul3A_179 = arith.constant 128 : i32
        %mul3A_180 = arith.muli %add3A_178, %mul3A_179 : i32
        %add3A_181 = arith.addi %mul3A_6, %mul3A_180 : i32
        %dma_start3A_182 = arith.constant 0 : i32
        %dma_start3A_183 = tpu.memref_slice %arg3[%dma_start3A_182, %add3A_181] : memref<2x320000xi32, #tpu.memory_space<hbm>> -> memref<2x128xi32, #tpu.memory_space<hbm>>
        %dma_start3A_184 = arith.constant 0 : i32
        %dma_start3A_185 = tpu.memref_slice %arg3[%dma_start3A_184, %add3A_181] : memref<2x320000xi32, #tpu.memory_space<hbm>> -> memref<2x128xi32, #tpu.memory_space<hbm>>
        tpu.enqueue_dma source(%dma_start3A_185 : memref<2x128xi32, #tpu.memory_space<hbm>>) target(%arg6 : memref<2x128xi32, #tpu.memory_space<vmem>>) target_semaphore(%arg8 : memref<!tpu.dma_semaphore, #tpu.memory_space<semaphore_mem>>)
      } else {
      }
      %mul3A_140 = arith.constant 3 : i32
      %mul3A_141 = arith.muli %scan3A_66, %mul3A_140 : i32
      %add3A_142 = arith.constant 2 : i32
      %add3A_143 = arith.addi %mul3A_141, %add3A_142 : i32
      %dma_wait3A_144 = arith.constant 0 : i32
      %dma_wait3A_145 = arith.constant 0 : i32
      %dma_wait3A_146 = tpu.memref_slice %arg16[%dma_wait3A_144, %dma_wait3A_145] : memref<2x128xi32, #tpu.memory_space<vmem>> -> memref<1x128xi32, #tpu.memory_space<vmem>>
      %dma_wait3A_147 = tpu.memref_squeeze %dma_wait3A_146 : memref<1x128xi32, #tpu.memory_space<vmem>> -> memref<128xi32, #tpu.memory_space<vmem>>
      %dma_wait3A_148 = arith.constant 0 : i32
      %dma_wait3A_149 = arith.constant 0 : i32
      %dma_wait3A_150 = tpu.memref_slice %arg2[%dma_wait3A_148, %dma_wait3A_149] : memref<10000x128xf32, #tpu.memory_space<hbm>> -> memref<10000x128xf32, #tpu.memory_space<hbm>>
      tpu.wait_indirect_dma semaphore(%arg19 : memref<!tpu.dma_semaphore, #tpu.memory_space<semaphore_mem>>) src(%dma_wait3A_150 : memref<10000x128xf32, #tpu.memory_space<hbm>>) dst(%arg17 : memref<128x128xf32, #tpu.memory_space<vmem>>)
      %dma_start3A_151 = arith.constant 1 : i32
      %dma_start3A_152 = arith.constant 0 : i32
      %dma_start3A_153 = tpu.memref_slice %arg16[%dma_start3A_151, %dma_start3A_152] : memref<2x128xi32, #tpu.memory_space<vmem>> -> memref<1x128xi32, #tpu.memory_space<vmem>>
      %dma_start3A_154 = tpu.memref_squeeze %dma_start3A_153 : memref<1x128xi32, #tpu.memory_space<vmem>> -> memref<128xi32, #tpu.memory_space<vmem>>
      %dma_start3A_155 = arith.constant 0 : i32
      %dma_start3A_156 = arith.constant 0 : i32
      %dma_start3A_157 = tpu.memref_slice %arg21[%dma_start3A_155, %dma_start3A_156] : memref<10000x128xf32, #tpu.memory_space<vmem_shared>> -> memref<10000x128xf32, #tpu.memory_space<vmem_shared>>
      tpu.enqueue_indirect_dma source(%arg17 : memref<128x128xf32, #tpu.memory_space<vmem>>) target(%dma_start3A_157 : memref<10000x128xf32, #tpu.memory_space<vmem_shared>>) offsets(%dma_start3A_154 : memref<128xi32, #tpu.memory_space<vmem>>) semaphore(%arg20 : memref<!tpu.dma_semaphore, #tpu.memory_space<semaphore_mem>>) {add = true}
      %ge3A_158 = arith.constant 1 : i32
      %ge3A_159 = arith.cmpi sge, %add3A_143, %ge3A_158 : i32
      %convert_element_type3A_160 = arith.extui %ge3A_159 : i1 to i32
      %cond3A_161 = arith.constant 0 : i32
      %cond3A_162 = arith.cmpi ne, %convert_element_type3A_160, %cond3A_161 : i32
      scf.if %cond3A_162 {
        %dma_wait3A_177 = arith.constant 1 : i32
        %dma_wait3A_178 = arith.constant 0 : i32
        %dma_wait3A_179 = tpu.memref_slice %arg11[%dma_wait3A_177, %dma_wait3A_178] : memref<2x128xi32, #tpu.memory_space<vmem>> -> memref<1x128xi32, #tpu.memory_space<vmem>>
        %dma_wait3A_180 = tpu.memref_squeeze %dma_wait3A_179 : memref<1x128xi32, #tpu.memory_space<vmem>> -> memref<128xi32, #tpu.memory_space<vmem>>
        %dma_wait3A_181 = arith.constant 0 : i32
        %dma_wait3A_182 = arith.constant 0 : i32
        %dma_wait3A_183 = tpu.memref_slice %arg21[%dma_wait3A_181, %dma_wait3A_182] : memref<10000x128xf32, #tpu.memory_space<vmem_shared>> -> memref<10000x128xf32, #tpu.memory_space<vmem_shared>>
        tpu.wait_indirect_dma semaphore(%arg15 : memref<!tpu.dma_semaphore, #tpu.memory_space<semaphore_mem>>) src(%arg12 : memref<128x128xf32, #tpu.memory_space<vmem>>) dst(%dma_wait3A_183 : memref<10000x128xf32, #tpu.memory_space<vmem_shared>>)
      } else {
      }
      %add3A_163 = arith.constant 1 : i32
      %add3A_164 = arith.addi %add3A_143, %add3A_163 : i32
      %lt3A_165 = arith.constant 78 : i32
      %lt3A_166 = arith.cmpi slt, %add3A_164, %lt3A_165 : i32
      %convert_element_type3A_167 = arith.extui %lt3A_166 : i1 to i32
      %cond3A_168 = arith.constant 0 : i32
      %cond3A_169 = arith.cmpi ne, %convert_element_type3A_167, %cond3A_168 : i32
      scf.if %cond3A_169 {
        %dma_wait3A_177 = arith.constant 0 : i32
        %dma_wait3A_178 = arith.constant 0 : i32
        %dma_wait3A_179 = tpu.memref_slice %arg3[%dma_wait3A_177, %dma_wait3A_178] : memref<2x320000xi32, #tpu.memory_space<hbm>> -> memref<2x128xi32, #tpu.memory_space<hbm>>
        %dma_wait3A_180 = arith.constant 0 : i32
        %dma_wait3A_181 = arith.constant 0 : i32
        %dma_wait3A_182 = tpu.memref_slice %arg3[%dma_wait3A_180, %dma_wait3A_181] : memref<2x320000xi32, #tpu.memory_space<hbm>> -> memref<2x128xi32, #tpu.memory_space<hbm>>
        tpu.wait_dma2 semaphore(%arg8 : memref<!tpu.dma_semaphore, #tpu.memory_space<semaphore_mem>>) src(%dma_wait3A_182 : memref<2x128xi32, #tpu.memory_space<hbm>>) dst(%arg6 : memref<2x128xi32, #tpu.memory_space<vmem>>)
        %dma_start3A_183 = arith.constant 0 : i32
        %dma_start3A_184 = arith.constant 0 : i32
        %dma_start3A_185 = tpu.memref_slice %arg6[%dma_start3A_183, %dma_start3A_184] : memref<2x128xi32, #tpu.memory_space<vmem>> -> memref<1x128xi32, #tpu.memory_space<vmem>>
        %dma_start3A_186 = tpu.memref_squeeze %dma_start3A_185 : memref<1x128xi32, #tpu.memory_space<vmem>> -> memref<128xi32, #tpu.memory_space<vmem>>
        %dma_start3A_187 = arith.constant 0 : i32
        %dma_start3A_188 = arith.constant 0 : i32
        %dma_start3A_189 = tpu.memref_slice %arg2[%dma_start3A_187, %dma_start3A_188] : memref<10000x128xf32, #tpu.memory_space<hbm>> -> memref<10000x128xf32, #tpu.memory_space<hbm>>
        tpu.enqueue_indirect_dma source(%dma_start3A_189 : memref<10000x128xf32, #tpu.memory_space<hbm>>) target(%arg7 : memref<128x128xf32, #tpu.memory_space<vmem>>) offsets(%dma_start3A_186 : memref<128xi32, #tpu.memory_space<vmem>>) semaphore(%arg9 : memref<!tpu.dma_semaphore, #tpu.memory_space<semaphore_mem>>)
      } else {
      }
      %add3A_170 = arith.constant 2 : i32
      %add3A_171 = arith.addi %add3A_143, %add3A_170 : i32
      %lt3A_172 = arith.constant 78 : i32
      %lt3A_173 = arith.cmpi slt, %add3A_171, %lt3A_172 : i32
      %convert_element_type3A_174 = arith.extui %lt3A_173 : i1 to i32
      %cond3A_175 = arith.constant 0 : i32
      %cond3A_176 = arith.cmpi ne, %convert_element_type3A_174, %cond3A_175 : i32
      scf.if %cond3A_176 {
        %add3A_177 = arith.constant 2 : i32
        %add3A_178 = arith.addi %add3A_143, %add3A_177 : i32
        %mul3A_179 = arith.constant 128 : i32
        %mul3A_180 = arith.muli %add3A_178, %mul3A_179 : i32
        %add3A_181 = arith.addi %mul3A_6, %mul3A_180 : i32
        %dma_start3A_182 = arith.constant 0 : i32
        %dma_start3A_183 = tpu.memref_slice %arg3[%dma_start3A_182, %add3A_181] : memref<2x320000xi32, #tpu.memory_space<hbm>> -> memref<2x128xi32, #tpu.memory_space<hbm>>
        %dma_start3A_184 = arith.constant 0 : i32
        %dma_start3A_185 = tpu.memref_slice %arg3[%dma_start3A_184, %add3A_181] : memref<2x320000xi32, #tpu.memory_space<hbm>> -> memref<2x128xi32, #tpu.memory_space<hbm>>
        tpu.enqueue_dma source(%dma_start3A_185 : memref<2x128xi32, #tpu.memory_space<hbm>>) target(%arg11 : memref<2x128xi32, #tpu.memory_space<vmem>>) target_semaphore(%arg13 : memref<!tpu.dma_semaphore, #tpu.memory_space<semaphore_mem>>)
      } else {
      }
    }
    %scan3A_48 = arith.constant 26 : i32
    %dma_wait3A_49 = arith.constant 1 : i32
    %dma_wait3A_50 = arith.constant 0 : i32
    %dma_wait3A_51 = tpu.memref_slice %arg16[%dma_wait3A_49, %dma_wait3A_50] : memref<2x128xi32, #tpu.memory_space<vmem>> -> memref<1x128xi32, #tpu.memory_space<vmem>>
    %dma_wait3A_52 = tpu.memref_squeeze %dma_wait3A_51 : memref<1x128xi32, #tpu.memory_space<vmem>> -> memref<128xi32, #tpu.memory_space<vmem>>
    %dma_wait3A_53 = arith.constant 0 : i32
    %dma_wait3A_54 = arith.constant 0 : i32
    %dma_wait3A_55 = tpu.memref_slice %arg21[%dma_wait3A_53, %dma_wait3A_54] : memref<10000x128xf32, #tpu.memory_space<vmem_shared>> -> memref<10000x128xf32, #tpu.memory_space<vmem_shared>>
    tpu.wait_indirect_dma semaphore(%arg20 : memref<!tpu.dma_semaphore, #tpu.memory_space<semaphore_mem>>) src(%arg17 : memref<128x128xf32, #tpu.memory_space<vmem>>) dst(%dma_wait3A_55 : memref<10000x128xf32, #tpu.memory_space<vmem_shared>>)
    %lt3A = arith.constant 4 : i32
    %lt3A_56 = arith.cmpi slt, %add3A, %lt3A : i32
    %convert_element_type3A_57 = arith.extui %lt3A_56 : i1 to i32
    %cond3A_58 = arith.constant 0 : i32
    %cond3A_59 = arith.cmpi ne, %convert_element_type3A_57, %cond3A_58 : i32
    scf.if %cond3A_59 {
      %add3A_66 = arith.constant 9984 : i32
      %add3A_67 = arith.addi %mul3A_6, %add3A_66 : i32
      %dma_start3A_68 = arith.constant 0 : i32
      %dma_start3A_69 = tpu.memref_slice %arg3[%dma_start3A_68, %add3A_67] : memref<2x320000xi32, #tpu.memory_space<hbm>> -> memref<2x128xi32, #tpu.memory_space<hbm>>
      %dma_start3A_70 = arith.constant 0 : i32
      %dma_start3A_71 = tpu.memref_slice %arg3[%dma_start3A_70, %add3A_67] : memref<2x320000xi32, #tpu.memory_space<hbm>> -> memref<2x128xi32, #tpu.memory_space<hbm>>
      tpu.enqueue_dma source(%dma_start3A_71 : memref<2x128xi32, #tpu.memory_space<hbm>>) target(%arg6 : memref<2x128xi32, #tpu.memory_space<vmem>>) target_semaphore(%arg8 : memref<!tpu.dma_semaphore, #tpu.memory_space<semaphore_mem>>)
      %dma_wait3A_72 = arith.constant 0 : i32
      %dma_wait3A_73 = arith.constant 0 : i32
      %dma_wait3A_74 = tpu.memref_slice %arg3[%dma_wait3A_72, %dma_wait3A_73] : memref<2x320000xi32, #tpu.memory_space<hbm>> -> memref<2x128xi32, #tpu.memory_space<hbm>>
      %dma_wait3A_75 = arith.constant 0 : i32
      %dma_wait3A_76 = arith.constant 0 : i32
      %dma_wait3A_77 = tpu.memref_slice %arg3[%dma_wait3A_75, %dma_wait3A_76] : memref<2x320000xi32, #tpu.memory_space<hbm>> -> memref<2x128xi32, #tpu.memory_space<hbm>>
      tpu.wait_dma2 semaphore(%arg8 : memref<!tpu.dma_semaphore, #tpu.memory_space<semaphore_mem>>) src(%dma_wait3A_77 : memref<2x128xi32, #tpu.memory_space<hbm>>) dst(%arg6 : memref<2x128xi32, #tpu.memory_space<vmem>>)
      %dma_start3A_78 = arith.constant 0 : i32
      %dma_start3A_79 = arith.constant 0 : i32
      %dma_start3A_80 = tpu.memref_slice %arg6[%dma_start3A_78, %dma_start3A_79] : memref<2x128xi32, #tpu.memory_space<vmem>> -> memref<1x128xi32, #tpu.memory_space<vmem>>
      %dma_start3A_81 = tpu.memref_squeeze %dma_start3A_80 : memref<1x128xi32, #tpu.memory_space<vmem>> -> memref<128xi32, #tpu.memory_space<vmem>>
      %dma_start3A_82 = arith.constant 0 : i32
      %dma_start3A_83 = arith.constant 0 : i32
      %dma_start3A_84 = tpu.memref_slice %arg2[%dma_start3A_82, %dma_start3A_83] : memref<10000x128xf32, #tpu.memory_space<hbm>> -> memref<10000x128xf32, #tpu.memory_space<hbm>>
      tpu.enqueue_indirect_dma source(%dma_start3A_84 : memref<10000x128xf32, #tpu.memory_space<hbm>>) target(%arg7 : memref<128x128xf32, #tpu.memory_space<vmem>>) offsets(%dma_start3A_81 : memref<128xi32, #tpu.memory_space<vmem>>) semaphore(%arg9 : memref<!tpu.dma_semaphore, #tpu.memory_space<semaphore_mem>>)
      %dma_wait3A_85 = arith.constant 0 : i32
      %dma_wait3A_86 = arith.constant 0 : i32
      %dma_wait3A_87 = tpu.memref_slice %arg6[%dma_wait3A_85, %dma_wait3A_86] : memref<2x128xi32, #tpu.memory_space<vmem>> -> memref<1x128xi32, #tpu.memory_space<vmem>>
      %dma_wait3A_88 = tpu.memref_squeeze %dma_wait3A_87 : memref<1x128xi32, #tpu.memory_space<vmem>> -> memref<128xi32, #tpu.memory_space<vmem>>
      %dma_wait3A_89 = arith.constant 0 : i32
      %dma_wait3A_90 = arith.constant 0 : i32
      %dma_wait3A_91 = tpu.memref_slice %arg2[%dma_wait3A_89, %dma_wait3A_90] : memref<10000x128xf32, #tpu.memory_space<hbm>> -> memref<10000x128xf32, #tpu.memory_space<hbm>>
      tpu.wait_indirect_dma semaphore(%arg9 : memref<!tpu.dma_semaphore, #tpu.memory_space<semaphore_mem>>) src(%dma_wait3A_91 : memref<10000x128xf32, #tpu.memory_space<hbm>>) dst(%arg7 : memref<128x128xf32, #tpu.memory_space<vmem>>)
      %dma_start3A_92 = arith.constant 1 : i32
      %dma_start3A_93 = arith.constant 0 : i32
      %dma_start3A_94 = tpu.memref_slice %arg6[%dma_start3A_92, %dma_start3A_93] : memref<2x128xi32, #tpu.memory_space<vmem>> -> memref<1x128xi32, #tpu.memory_space<vmem>>
      %dma_start3A_95 = tpu.memref_squeeze %dma_start3A_94 : memref<1x128xi32, #tpu.memory_space<vmem>> -> memref<128xi32, #tpu.memory_space<vmem>>
      %dma_start3A_96 = arith.constant 0 : i32
      %dma_start3A_97 = arith.constant 0 : i32
      %dma_start3A_98 = tpu.memref_slice %arg21[%dma_start3A_96, %dma_start3A_97] : memref<10000x128xf32, #tpu.memory_space<vmem_shared>> -> memref<10000x128xf32, #tpu.memory_space<vmem_shared>>
      tpu.enqueue_indirect_dma source(%arg7 : memref<128x128xf32, #tpu.memory_space<vmem>>) target(%dma_start3A_98 : memref<10000x128xf32, #tpu.memory_space<vmem_shared>>) offsets(%dma_start3A_95 : memref<128xi32, #tpu.memory_space<vmem>>) semaphore(%arg10 : memref<!tpu.dma_semaphore, #tpu.memory_space<semaphore_mem>>) {add = true}
      %dma_wait3A_99 = arith.constant 1 : i32
      %dma_wait3A_100 = arith.constant 0 : i32
      %dma_wait3A_101 = tpu.memref_slice %arg6[%dma_wait3A_99, %dma_wait3A_100] : memref<2x128xi32, #tpu.memory_space<vmem>> -> memref<1x128xi32, #tpu.memory_space<vmem>>
      %dma_wait3A_102 = tpu.memref_squeeze %dma_wait3A_101 : memref<1x128xi32, #tpu.memory_space<vmem>> -> memref<128xi32, #tpu.memory_space<vmem>>
      %dma_wait3A_103 = arith.constant 0 : i32
      %dma_wait3A_104 = arith.constant 0 : i32
      %dma_wait3A_105 = tpu.memref_slice %arg21[%dma_wait3A_103, %dma_wait3A_104] : memref<10000x128xf32, #tpu.memory_space<vmem_shared>> -> memref<10000x128xf32, #tpu.memory_space<vmem_shared>>
      tpu.wait_indirect_dma semaphore(%arg10 : memref<!tpu.dma_semaphore, #tpu.memory_space<semaphore_mem>>) src(%arg7 : memref<128x128xf32, #tpu.memory_space<vmem>>) dst(%dma_wait3A_105 : memref<10000x128xf32, #tpu.memory_space<vmem_shared>>)
    } else {
    }
    %barrier3A_60 = arith.constant 0 : index
    tpu.barrier barrier_id(%barrier3A_60)
    "tpu.region"() ({
      %run_scoped3A = tpu.sem_alloc : memref<!tpu.dma_semaphore, #tpu.memory_space<semaphore_mem>>
      %dma_start3A_66 = arith.constant 0 : i32
      %dma_start3A_67 = tpu.memref_slice %arg5[%arg0, %mul3A_19, %dma_start3A_66] : memref<2x10000x128xf32, #tpu.memory_space<hbm>> -> memref<1x624x128xf32, #tpu.memory_space<hbm>>
      %dma_start3A_68 = tpu.memref_squeeze %dma_start3A_67 : memref<1x624x128xf32, #tpu.memory_space<hbm>> -> memref<624x128xf32, #tpu.memory_space<hbm>>
      %dma_start3A_69 = arith.constant 0 : i32
      %dma_start3A_70 = tpu.memref_slice %arg21[%mul3A_19, %dma_start3A_69] : memref<10000x128xf32, #tpu.memory_space<vmem_shared>> -> memref<624x128xf32, #tpu.memory_space<vmem_shared>>
      tpu.enqueue_dma source(%dma_start3A_70 : memref<624x128xf32, #tpu.memory_space<vmem_shared>>) target(%dma_start3A_68 : memref<624x128xf32, #tpu.memory_space<hbm>>) target_semaphore(%run_scoped3A : memref<!tpu.dma_semaphore, #tpu.memory_space<semaphore_mem>>)
      %dma_wait3A_71 = arith.constant 0 : i32
      %dma_wait3A_72 = tpu.memref_slice %arg5[%arg0, %mul3A_19, %dma_wait3A_71] : memref<2x10000x128xf32, #tpu.memory_space<hbm>> -> memref<1x624x128xf32, #tpu.memory_space<hbm>>
      %dma_wait3A_73 = tpu.memref_squeeze %dma_wait3A_72 : memref<1x624x128xf32, #tpu.memory_space<hbm>> -> memref<624x128xf32, #tpu.memory_space<hbm>>
      %dma_wait3A_74 = arith.constant 0 : i32
      %dma_wait3A_75 = tpu.memref_slice %arg21[%mul3A_19, %dma_wait3A_74] : memref<10000x128xf32, #tpu.memory_space<vmem_shared>> -> memref<624x128xf32, #tpu.memory_space<vmem_shared>>
      tpu.wait_dma2 semaphore(%run_scoped3A : memref<!tpu.dma_semaphore, #tpu.memory_space<semaphore_mem>>) src(%dma_wait3A_75 : memref<624x128xf32, #tpu.memory_space<vmem_shared>>) dst(%dma_wait3A_73 : memref<624x128xf32, #tpu.memory_space<hbm>>)
      tpu.yield
    }) : () -> ()
    %eq3A_61 = arith.constant 0 : i32
    %eq3A_62 = arith.cmpi eq, %arg1, %eq3A_61 : i32
    %convert_element_type3A_63 = arith.extui %eq3A_62 : i1 to i32
    %cond3A_64 = arith.constant 0 : i32
    %cond3A_65 = arith.cmpi ne, %convert_element_type3A_63, %cond3A_64 : i32
    scf.if %cond3A_65 {
      "tpu.region"() ({
        %run_scoped3A = tpu.sem_alloc : memref<!tpu.dma_semaphore, #tpu.memory_space<semaphore_mem>>
        %dma_start3A_66 = arith.constant 9984 : i32
        %dma_start3A_67 = arith.constant 0 : i32
        %dma_start3A_68 = tpu.memref_slice %arg5[%arg0, %dma_start3A_66, %dma_start3A_67] : memref<2x10000x128xf32, #tpu.memory_space<hbm>> -> memref<1x16x128xf32, #tpu.memory_space<hbm>>
        %dma_start3A_69 = tpu.memref_squeeze %dma_start3A_68 : memref<1x16x128xf32, #tpu.memory_space<hbm>> -> memref<16x128xf32, #tpu.memory_space<hbm>>
        %dma_start3A_70 = arith.constant 9984 : i32
        %dma_start3A_71 = arith.constant 0 : i32
        %dma_start3A_72 = tpu.memref_slice %arg21[%dma_start3A_70, %dma_start3A_71] : memref<10000x128xf32, #tpu.memory_space<vmem_shared>> -> memref<16x128xf32, #tpu.memory_space<vmem_shared>>
        tpu.enqueue_dma source(%dma_start3A_72 : memref<16x128xf32, #tpu.memory_space<vmem_shared>>) target(%dma_start3A_69 : memref<16x128xf32, #tpu.memory_space<hbm>>) target_semaphore(%run_scoped3A : memref<!tpu.dma_semaphore, #tpu.memory_space<semaphore_mem>>)
        %dma_wait3A_73 = arith.constant 9984 : i32
        %dma_wait3A_74 = arith.constant 0 : i32
        %dma_wait3A_75 = tpu.memref_slice %arg5[%arg0, %dma_wait3A_73, %dma_wait3A_74] : memref<2x10000x128xf32, #tpu.memory_space<hbm>> -> memref<1x16x128xf32, #tpu.memory_space<hbm>>
        %dma_wait3A_76 = tpu.memref_squeeze %dma_wait3A_75 : memref<1x16x128xf32, #tpu.memory_space<hbm>> -> memref<16x128xf32, #tpu.memory_space<hbm>>
        %dma_wait3A_77 = arith.constant 9984 : i32
        %dma_wait3A_78 = arith.constant 0 : i32
        %dma_wait3A_79 = tpu.memref_slice %arg21[%dma_wait3A_77, %dma_wait3A_78] : memref<10000x128xf32, #tpu.memory_space<vmem_shared>> -> memref<16x128xf32, #tpu.memory_space<vmem_shared>>
        tpu.wait_dma2 semaphore(%run_scoped3A : memref<!tpu.dma_semaphore, #tpu.memory_space<semaphore_mem>>) src(%dma_wait3A_79 : memref<16x128xf32, #tpu.memory_space<vmem_shared>>) dst(%dma_wait3A_76 : memref<16x128xf32, #tpu.memory_space<hbm>>)
        tpu.yield
      }) : () -> ()
    } else {
    }
    return
  }
}

module attributes {stable_mosaic.version = 14 : i64} {
  func.func @body(%arg0: i32, %arg1: memref<2x1000x128xf32, #tpu.memory_space<vmem>>, %arg2: memref<1x1x1000xf32, #tpu.memory_space<vmem>>, %arg3: memref<128x128xf32, #tpu.memory_space<vmem>>, %arg4: memref<1x128xf32, #tpu.memory_space<vmem>>, %arg5: memref<1x128xf32, #tpu.memory_space<vmem>>, %arg6: memref<1x128xf32, #tpu.memory_space<vmem>>, %arg7: memref<128x128xf32, #tpu.memory_space<vmem>>, %arg8: memref<1x128xf32, #tpu.memory_space<vmem>>, %arg9: memref<1x128xf32, #tpu.memory_space<vmem>>, %arg10: memref<1x128xf32, #tpu.memory_space<vmem>>, %arg11: memref<1000x128xf32, #tpu.memory_space<vmem>>, %arg12: memref<128x128xf32, #tpu.memory_space<vmem>>) attributes {dimension_semantics = [#tpu.dimension_semantics<arbitrary>], iteration_bounds = array<i64: 10>, scalar_prefetch = 0 : i64, scratch_operands = 0 : i64, tpu.core_type = #tpu.core_type<tc>, window_params = [{transform_indices = @transform_0, window_bounds = array<i64: 2, 1000, 128>}, {transform_indices = @transform_1, window_bounds = array<i64: 1, 1, 1000>}, {pipeline_mode = #tpu.pipeline_mode<synchronous>, transform_indices = @transform_2, window_bounds = array<i64: 128, 128>}, {pipeline_mode = #tpu.pipeline_mode<synchronous>, transform_indices = @transform_3, window_bounds = array<i64: 1, 128>}, {pipeline_mode = #tpu.pipeline_mode<synchronous>, transform_indices = @transform_4, window_bounds = array<i64: 1, 128>}, {pipeline_mode = #tpu.pipeline_mode<synchronous>, transform_indices = @transform_5, window_bounds = array<i64: 1, 128>}, {pipeline_mode = #tpu.pipeline_mode<synchronous>, transform_indices = @transform_6, window_bounds = array<i64: 128, 128>}, {pipeline_mode = #tpu.pipeline_mode<synchronous>, transform_indices = @transform_7, window_bounds = array<i64: 1, 128>}, {pipeline_mode = #tpu.pipeline_mode<synchronous>, transform_indices = @transform_8, window_bounds = array<i64: 1, 128>}, {pipeline_mode = #tpu.pipeline_mode<synchronous>, transform_indices = @transform_9, window_bounds = array<i64: 1, 128>}, {transform_indices = @transform_10, window_bounds = array<i64: 1000, 128>}, {pipeline_mode = #tpu.pipeline_mode<synchronous>, transform_indices = @transform_11, window_bounds = array<i64: 128, 128>}]} {
    %get3A = arith.constant 0 : index
    %get3A_0 = arith.constant 0 : index
    %get3A_1 = arith.constant 0 : index
    %get3A_2 = vector.load %arg1[%get3A, %get3A_0, %get3A_1] : memref<2x1000x128xf32, #tpu.memory_space<vmem>>, vector<1x1000x128xf32>
    %get3A_3 = vector.shape_cast %get3A_2 : vector<1x1000x128xf32> to vector<1000x128xf32>
    %get3A_4 = arith.constant 1 : index
    %get3A_5 = arith.constant 0 : index
    %get3A_6 = arith.constant 0 : index
    %get3A_7 = vector.load %arg1[%get3A_4, %get3A_5, %get3A_6] : memref<2x1000x128xf32, #tpu.memory_space<vmem>>, vector<1x1000x128xf32>
    %get3A_8 = vector.shape_cast %get3A_7 : vector<1x1000x128xf32> to vector<1000x128xf32>
    %add3A = arith.addf %get3A_3, %get3A_8 : vector<1000x128xf32>
    %get3A_9 = arith.constant 0 : index
    %get3A_10 = arith.constant 0 : index
    %get3A_11 = vector.load %arg3[%get3A_9, %get3A_10] : memref<128x128xf32, #tpu.memory_space<vmem>>, vector<128x128xf32>
    %dot_general3A = arith.constant dense<0.000000e+00> : vector<1000x128xf32>
    %dot_general3A_12 = tpu.matmul %add3A, %get3A_11, %dot_general3A {dimension_numbers = #tpu.dot_dimension_numbers<[1], [0], [0], [1], [0, 0, 1, 1], [], []>, transpose_lhs_hint = false} : vector<1000x128xf32>, vector<128x128xf32>, vector<1000x128xf32> -> vector<1000x128xf32>
    %get3A_13 = arith.constant 0 : index
    %get3A_14 = arith.constant 0 : index
    %get3A_15 = vector.load %arg4[%get3A_13, %get3A_14] : memref<1x128xf32, #tpu.memory_space<vmem>>, vector<1x128xf32>
    %add3A_16 = vector.broadcast %get3A_15 : vector<1x128xf32> to vector<1000x128xf32>
    %add3A_17 = arith.addf %dot_general3A_12, %add3A_16 : vector<1000x128xf32>
    %get3A_18 = arith.constant 0 : index
    %get3A_19 = arith.constant 0 : index
    %get3A_20 = vector.load %arg5[%get3A_18, %get3A_19] : memref<1x128xf32, #tpu.memory_space<vmem>>, vector<1x128xf32>
    %mul3A = vector.broadcast %get3A_20 : vector<1x128xf32> to vector<1000x128xf32>
    %mul3A_21 = arith.mulf %add3A_17, %mul3A : vector<1000x128xf32>
    %get3A_22 = arith.constant 0 : index
    %get3A_23 = arith.constant 0 : index
    %get3A_24 = vector.load %arg6[%get3A_22, %get3A_23] : memref<1x128xf32, #tpu.memory_space<vmem>>, vector<1x128xf32>
    %add3A_25 = vector.broadcast %get3A_24 : vector<1x128xf32> to vector<1000x128xf32>
    %add3A_26 = arith.addf %mul3A_21, %add3A_25 : vector<1000x128xf32>
    %max3A = arith.constant 0.000000e+00 : f32
    %max3A_27 = vector.broadcast %max3A : f32 to vector<1000x128xf32>
    %max3A_28 = arith.maximumf %add3A_26, %max3A_27 : vector<1000x128xf32>
    %get3A_29 = arith.constant 0 : index
    %get3A_30 = arith.constant 0 : index
    %get3A_31 = vector.load %arg7[%get3A_29, %get3A_30] : memref<128x128xf32, #tpu.memory_space<vmem>>, vector<128x128xf32>
    %dot_general3A_32 = arith.constant dense<0.000000e+00> : vector<1000x128xf32>
    %dot_general3A_33 = tpu.matmul %max3A_28, %get3A_31, %dot_general3A_32 {dimension_numbers = #tpu.dot_dimension_numbers<[1], [0], [0], [1], [0, 0, 1, 1], [], []>, transpose_lhs_hint = false} : vector<1000x128xf32>, vector<128x128xf32>, vector<1000x128xf32> -> vector<1000x128xf32>
    %get3A_34 = arith.constant 0 : index
    %get3A_35 = arith.constant 0 : index
    %get3A_36 = vector.load %arg8[%get3A_34, %get3A_35] : memref<1x128xf32, #tpu.memory_space<vmem>>, vector<1x128xf32>
    %add3A_37 = vector.broadcast %get3A_36 : vector<1x128xf32> to vector<1000x128xf32>
    %add3A_38 = arith.addf %dot_general3A_33, %add3A_37 : vector<1000x128xf32>
    %get3A_39 = arith.constant 0 : index
    %get3A_40 = arith.constant 0 : index
    %get3A_41 = vector.load %arg9[%get3A_39, %get3A_40] : memref<1x128xf32, #tpu.memory_space<vmem>>, vector<1x128xf32>
    %mul3A_42 = vector.broadcast %get3A_41 : vector<1x128xf32> to vector<1000x128xf32>
    %mul3A_43 = arith.mulf %add3A_38, %mul3A_42 : vector<1000x128xf32>
    %get3A_44 = arith.constant 0 : index
    %get3A_45 = arith.constant 0 : index
    %get3A_46 = vector.load %arg10[%get3A_44, %get3A_45] : memref<1x128xf32, #tpu.memory_space<vmem>>, vector<1x128xf32>
    %add3A_47 = vector.broadcast %get3A_46 : vector<1x128xf32> to vector<1000x128xf32>
    %add3A_48 = arith.addf %mul3A_43, %add3A_47 : vector<1000x128xf32>
    %max3A_49 = arith.constant 0.000000e+00 : f32
    %max3A_50 = vector.broadcast %max3A_49 : f32 to vector<1000x128xf32>
    %max3A_51 = arith.maximumf %add3A_48, %max3A_50 : vector<1000x128xf32>
    %swap3A = arith.constant 0 : index
    %swap3A_52 = arith.constant 0 : index
    %swap3A_53 = vector.load %arg11[%swap3A, %swap3A_52] : memref<1000x128xf32, #tpu.memory_space<vmem>>, vector<1000x128xf32>
    tpu.vector_store %arg11[%swap3A, %swap3A_52], %max3A_51 {strides = array<i32>} : memref<1000x128xf32, #tpu.memory_space<vmem>>, vector<1000x128xf32>,
    %eq3A = arith.constant 0 : i32
    %eq3A_54 = arith.cmpi eq, %arg0, %eq3A : i32
    %convert_element_type3A = arith.extui %eq3A_54 : i1 to i32
    %cond3A = arith.constant 0 : i32
    %cond3A_55 = arith.cmpi ne, %convert_element_type3A, %cond3A : i32
    scf.if %cond3A_55 {
      %broadcast_in_dim3A_75 = arith.constant 0.000000e+00 : f32
      %broadcast_in_dim3A_76 = vector.broadcast %broadcast_in_dim3A_75 : f32 to vector<128x128xf32>
      %swap3A_77 = arith.constant 0 : index
      %swap3A_78 = arith.constant 0 : index
      %swap3A_79 = vector.load %arg12[%swap3A_77, %swap3A_78] : memref<128x128xf32, #tpu.memory_space<vmem>>, vector<128x128xf32>
      tpu.vector_store %arg12[%swap3A_77, %swap3A_78], %broadcast_in_dim3A_76 {strides = array<i32>} : memref<128x128xf32, #tpu.memory_space<vmem>>, vector<128x128xf32>,
    } else {
    }
    %iota3A = tpu.iota {dimensions = array<i32: 0>} : vector<128x1000xi32>
    %convert_element_type3A_56 = arith.sitofp %iota3A : vector<128x1000xi32> to vector<128x1000xf32>
    %get3A_57 = arith.constant 0 : index
    %get3A_58 = arith.constant 0 : index
    %get3A_59 = arith.constant 0 : index
    %get3A_60 = vector.load %arg2[%get3A_57, %get3A_58, %get3A_59] : memref<1x1x1000xf32, #tpu.memory_space<vmem>>, vector<1x1x1000xf32>
    %get3A_61 = vector.shape_cast %get3A_60 : vector<1x1x1000xf32> to vector<1x1000xf32>
    %eq3A_62 = vector.broadcast %get3A_61 : vector<1x1000xf32> to vector<128x1000xf32>
    %eq3A_63 = arith.cmpf oeq, %convert_element_type3A_56, %eq3A_62 : vector<128x1000xf32>
    %jit3A = arith.constant 1.000000e+00 : f32
    %jit3A_64 = arith.constant 0.000000e+00 : f32
    %broadcast_in_dim3A = vector.broadcast %jit3A : f32 to vector<128x1000xf32>
    %broadcast_in_dim3A_65 = vector.broadcast %jit3A_64 : f32 to vector<128x1000xf32>
    %select_n3A = arith.select %eq3A_63, %broadcast_in_dim3A, %broadcast_in_dim3A_65 : vector<128x1000xi1>, vector<128x1000xf32>
    %get3A_66 = arith.constant 0 : index
    %get3A_67 = arith.constant 0 : index
    %get3A_68 = vector.load %arg12[%get3A_66, %get3A_67] : memref<128x128xf32, #tpu.memory_space<vmem>>, vector<128x128xf32>
    %dot_general3A_69 = arith.constant dense<0.000000e+00> : vector<128x128xf32>
    %dot_general3A_70 = tpu.matmul %select_n3A, %max3A_51, %dot_general3A_69 {dimension_numbers = #tpu.dot_dimension_numbers<[1], [0], [0], [1], [0, 0, 1, 1], [], []>, precision = #tpu.contract_precision<fp32>, transpose_lhs_hint = false} : vector<128x1000xf32>, vector<1000x128xf32>, vector<128x128xf32> -> vector<128x128xf32>
    %add3A_71 = arith.addf %get3A_68, %dot_general3A_70 : vector<128x128xf32>
    %swap3A_72 = arith.constant 0 : index
    %swap3A_73 = arith.constant 0 : index
    %swap3A_74 = vector.load %arg12[%swap3A_72, %swap3A_73] : memref<128x128xf32, #tpu.memory_space<vmem>>, vector<128x128xf32>
    tpu.vector_store %arg12[%swap3A_72, %swap3A_73], %add3A_71 {strides = array<i32>} : memref<128x128xf32, #tpu.memory_space<vmem>>, vector<128x128xf32>,
    return
  }
  func.func @transform_0(%arg0: i32) -> (i32, i32, i32) {
    %c0_i32 = arith.constant 0 : i32
    %c0_i32_0 = arith.constant 0 : i32
    %c0_i32_1 = arith.constant 0 : i32
    return %c0_i32, %arg0, %c0_i32_0 : i32, i32, i32
  }
  func.func @transform_1(%arg0: i32) -> (i32, i32, i32) {
    %c0_i32 = arith.constant 0 : i32
    %c0_i32_0 = arith.constant 0 : i32
    %c0_i32_1 = arith.constant 0 : i32
    return %arg0, %c0_i32, %c0_i32_0 : i32, i32, i32
  }
  func.func @transform_2(%arg0: i32) -> (i32, i32) {
    %c0_i32 = arith.constant 0 : i32
    %c0_i32_0 = arith.constant 0 : i32
    %c0_i32_1 = arith.constant 0 : i32
    return %c0_i32, %c0_i32_0 : i32, i32
  }
  func.func @transform_3(%arg0: i32) -> (i32, i32) {
    %c0_i32 = arith.constant 0 : i32
    %c0_i32_0 = arith.constant 0 : i32
    %c0_i32_1 = arith.constant 0 : i32
    return %c0_i32, %c0_i32_0 : i32, i32
  }
  func.func @transform_4(%arg0: i32) -> (i32, i32) {
    %c0_i32 = arith.constant 0 : i32
    %c0_i32_0 = arith.constant 0 : i32
    %c0_i32_1 = arith.constant 0 : i32
    return %c0_i32, %c0_i32_0 : i32, i32
  }
  func.func @transform_5(%arg0: i32) -> (i32, i32) {
    %c0_i32 = arith.constant 0 : i32
    %c0_i32_0 = arith.constant 0 : i32
    %c0_i32_1 = arith.constant 0 : i32
    return %c0_i32, %c0_i32_0 : i32, i32
  }
  func.func @transform_6(%arg0: i32) -> (i32, i32) {
    %c0_i32 = arith.constant 0 : i32
    %c0_i32_0 = arith.constant 0 : i32
    %c0_i32_1 = arith.constant 0 : i32
    return %c0_i32, %c0_i32_0 : i32, i32
  }
  func.func @transform_7(%arg0: i32) -> (i32, i32) {
    %c0_i32 = arith.constant 0 : i32
    %c0_i32_0 = arith.constant 0 : i32
    %c0_i32_1 = arith.constant 0 : i32
    return %c0_i32, %c0_i32_0 : i32, i32
  }
  func.func @transform_8(%arg0: i32) -> (i32, i32) {
    %c0_i32 = arith.constant 0 : i32
    %c0_i32_0 = arith.constant 0 : i32
    %c0_i32_1 = arith.constant 0 : i32
    return %c0_i32, %c0_i32_0 : i32, i32
  }
  func.func @transform_9(%arg0: i32) -> (i32, i32) {
    %c0_i32 = arith.constant 0 : i32
    %c0_i32_0 = arith.constant 0 : i32
    %c0_i32_1 = arith.constant 0 : i32
    return %c0_i32, %c0_i32_0 : i32, i32
  }
  func.func @transform_10(%arg0: i32) -> (i32, i32) {
    %c0_i32 = arith.constant 0 : i32
    %c0_i32_0 = arith.constant 0 : i32
    return %arg0, %c0_i32 : i32, i32
  }
  func.func @transform_11(%arg0: i32) -> (i32, i32) {
    %c0_i32 = arith.constant 0 : i32
    %c0_i32_0 = arith.constant 0 : i32
    %c0_i32_1 = arith.constant 0 : i32
    return %c0_i32, %c0_i32_0 : i32, i32
  }
}

module attributes {stable_mosaic.version = 14 : i64} {
  func.func @body(%arg0: i32, %arg1: memref<2x1000x128xf32, #tpu.memory_space<vmem>>, %arg2: memref<1x1x1000xf32, #tpu.memory_space<vmem>>, %arg3: memref<128x128xf32, #tpu.memory_space<vmem>>, %arg4: memref<1x128xf32, #tpu.memory_space<vmem>>, %arg5: memref<1x128xf32, #tpu.memory_space<vmem>>, %arg6: memref<1x128xf32, #tpu.memory_space<vmem>>, %arg7: memref<128x128xf32, #tpu.memory_space<vmem>>, %arg8: memref<1x128xf32, #tpu.memory_space<vmem>>, %arg9: memref<1x128xf32, #tpu.memory_space<vmem>>, %arg10: memref<1x128xf32, #tpu.memory_space<vmem>>, %arg11: memref<1000x128xf32, #tpu.memory_space<vmem>>, %arg12: memref<128x128xf32, #tpu.memory_space<vmem>>) attributes {dimension_semantics = [#tpu.dimension_semantics<arbitrary>], iteration_bounds = array<i64: 10>, scalar_prefetch = 0 : i64, scratch_operands = 0 : i64, tpu.core_type = #tpu.core_type<tc>, window_params = [{transform_indices = @transform_0, window_bounds = array<i64: 2, 1000, 128>}, {transform_indices = @transform_1, window_bounds = array<i64: 1, 1, 1000>}, {pipeline_mode = #tpu.pipeline_mode<synchronous>, transform_indices = @transform_2, window_bounds = array<i64: 128, 128>}, {pipeline_mode = #tpu.pipeline_mode<synchronous>, transform_indices = @transform_3, window_bounds = array<i64: 1, 128>}, {pipeline_mode = #tpu.pipeline_mode<synchronous>, transform_indices = @transform_4, window_bounds = array<i64: 1, 128>}, {pipeline_mode = #tpu.pipeline_mode<synchronous>, transform_indices = @transform_5, window_bounds = array<i64: 1, 128>}, {pipeline_mode = #tpu.pipeline_mode<synchronous>, transform_indices = @transform_6, window_bounds = array<i64: 128, 128>}, {pipeline_mode = #tpu.pipeline_mode<synchronous>, transform_indices = @transform_7, window_bounds = array<i64: 1, 128>}, {pipeline_mode = #tpu.pipeline_mode<synchronous>, transform_indices = @transform_8, window_bounds = array<i64: 1, 128>}, {pipeline_mode = #tpu.pipeline_mode<synchronous>, transform_indices = @transform_9, window_bounds = array<i64: 1, 128>}, {transform_indices = @transform_10, window_bounds = array<i64: 1000, 128>}, {pipeline_mode = #tpu.pipeline_mode<synchronous>, transform_indices = @transform_11, window_bounds = array<i64: 128, 128>}]} {
    %get3A = arith.constant 0 : index
    %get3A_0 = arith.constant 0 : index
    %get3A_1 = arith.constant 0 : index
    %get3A_2 = vector.load %arg1[%get3A, %get3A_0, %get3A_1] : memref<2x1000x128xf32, #tpu.memory_space<vmem>>, vector<1x1000x128xf32>
    %get3A_3 = vector.shape_cast %get3A_2 : vector<1x1000x128xf32> to vector<1000x128xf32>
    %get3A_4 = arith.constant 1 : index
    %get3A_5 = arith.constant 0 : index
    %get3A_6 = arith.constant 0 : index
    %get3A_7 = vector.load %arg1[%get3A_4, %get3A_5, %get3A_6] : memref<2x1000x128xf32, #tpu.memory_space<vmem>>, vector<1x1000x128xf32>
    %get3A_8 = vector.shape_cast %get3A_7 : vector<1x1000x128xf32> to vector<1000x128xf32>
    %add3A = arith.addf %get3A_3, %get3A_8 : vector<1000x128xf32>
    %get3A_9 = arith.constant 0 : index
    %get3A_10 = arith.constant 0 : index
    %get3A_11 = vector.load %arg3[%get3A_9, %get3A_10] : memref<128x128xf32, #tpu.memory_space<vmem>>, vector<128x128xf32>
    %dot_general3A = arith.constant dense<0.000000e+00> : vector<1000x128xf32>
    %dot_general3A_12 = tpu.matmul %add3A, %get3A_11, %dot_general3A {dimension_numbers = #tpu.dot_dimension_numbers<[1], [0], [0], [1], [0, 0, 1, 1], [], []>, transpose_lhs_hint = false} : vector<1000x128xf32>, vector<128x128xf32>, vector<1000x128xf32> -> vector<1000x128xf32>
    %get3A_13 = arith.constant 0 : index
    %get3A_14 = arith.constant 0 : index
    %get3A_15 = vector.load %arg4[%get3A_13, %get3A_14] : memref<1x128xf32, #tpu.memory_space<vmem>>, vector<1x128xf32>
    %add3A_16 = vector.broadcast %get3A_15 : vector<1x128xf32> to vector<1000x128xf32>
    %add3A_17 = arith.addf %dot_general3A_12, %add3A_16 : vector<1000x128xf32>
    %get3A_18 = arith.constant 0 : index
    %get3A_19 = arith.constant 0 : index
    %get3A_20 = vector.load %arg5[%get3A_18, %get3A_19] : memref<1x128xf32, #tpu.memory_space<vmem>>, vector<1x128xf32>
    %mul3A = vector.broadcast %get3A_20 : vector<1x128xf32> to vector<1000x128xf32>
    %mul3A_21 = arith.mulf %add3A_17, %mul3A : vector<1000x128xf32>
    %get3A_22 = arith.constant 0 : index
    %get3A_23 = arith.constant 0 : index
    %get3A_24 = vector.load %arg6[%get3A_22, %get3A_23] : memref<1x128xf32, #tpu.memory_space<vmem>>, vector<1x128xf32>
    %add3A_25 = vector.broadcast %get3A_24 : vector<1x128xf32> to vector<1000x128xf32>
    %add3A_26 = arith.addf %mul3A_21, %add3A_25 : vector<1000x128xf32>
    %max3A = arith.constant 0.000000e+00 : f32
    %max3A_27 = vector.broadcast %max3A : f32 to vector<1000x128xf32>
    %max3A_28 = arith.maximumf %add3A_26, %max3A_27 : vector<1000x128xf32>
    %get3A_29 = arith.constant 0 : index
    %get3A_30 = arith.constant 0 : index
    %get3A_31 = vector.load %arg7[%get3A_29, %get3A_30] : memref<128x128xf32, #tpu.memory_space<vmem>>, vector<128x128xf32>
    %dot_general3A_32 = arith.constant dense<0.000000e+00> : vector<1000x128xf32>
    %dot_general3A_33 = tpu.matmul %max3A_28, %get3A_31, %dot_general3A_32 {dimension_numbers = #tpu.dot_dimension_numbers<[1], [0], [0], [1], [0, 0, 1, 1], [], []>, transpose_lhs_hint = false} : vector<1000x128xf32>, vector<128x128xf32>, vector<1000x128xf32> -> vector<1000x128xf32>
    %get3A_34 = arith.constant 0 : index
    %get3A_35 = arith.constant 0 : index
    %get3A_36 = vector.load %arg8[%get3A_34, %get3A_35] : memref<1x128xf32, #tpu.memory_space<vmem>>, vector<1x128xf32>
    %add3A_37 = vector.broadcast %get3A_36 : vector<1x128xf32> to vector<1000x128xf32>
    %add3A_38 = arith.addf %dot_general3A_33, %add3A_37 : vector<1000x128xf32>
    %get3A_39 = arith.constant 0 : index
    %get3A_40 = arith.constant 0 : index
    %get3A_41 = vector.load %arg9[%get3A_39, %get3A_40] : memref<1x128xf32, #tpu.memory_space<vmem>>, vector<1x128xf32>
    %mul3A_42 = vector.broadcast %get3A_41 : vector<1x128xf32> to vector<1000x128xf32>
    %mul3A_43 = arith.mulf %add3A_38, %mul3A_42 : vector<1000x128xf32>
    %get3A_44 = arith.constant 0 : index
    %get3A_45 = arith.constant 0 : index
    %get3A_46 = vector.load %arg10[%get3A_44, %get3A_45] : memref<1x128xf32, #tpu.memory_space<vmem>>, vector<1x128xf32>
    %add3A_47 = vector.broadcast %get3A_46 : vector<1x128xf32> to vector<1000x128xf32>
    %add3A_48 = arith.addf %mul3A_43, %add3A_47 : vector<1000x128xf32>
    %max3A_49 = arith.constant 0.000000e+00 : f32
    %max3A_50 = vector.broadcast %max3A_49 : f32 to vector<1000x128xf32>
    %max3A_51 = arith.maximumf %add3A_48, %max3A_50 : vector<1000x128xf32>
    %swap3A = arith.constant 0 : index
    %swap3A_52 = arith.constant 0 : index
    %swap3A_53 = vector.load %arg11[%swap3A, %swap3A_52] : memref<1000x128xf32, #tpu.memory_space<vmem>>, vector<1000x128xf32>
    tpu.vector_store %arg11[%swap3A, %swap3A_52], %max3A_51 {strides = array<i32>} : memref<1000x128xf32, #tpu.memory_space<vmem>>, vector<1000x128xf32>,
    %eq3A = arith.constant 0 : i32
    %eq3A_54 = arith.cmpi eq, %arg0, %eq3A : i32
    %convert_element_type3A = arith.extui %eq3A_54 : i1 to i32
    %cond3A = arith.constant 0 : i32
    %cond3A_55 = arith.cmpi ne, %convert_element_type3A, %cond3A : i32
    scf.if %cond3A_55 {
      %broadcast_in_dim3A_75 = arith.constant 0.000000e+00 : f32
      %broadcast_in_dim3A_76 = vector.broadcast %broadcast_in_dim3A_75 : f32 to vector<128x128xf32>
      %swap3A_77 = arith.constant 0 : index
      %swap3A_78 = arith.constant 0 : index
      %swap3A_79 = vector.load %arg12[%swap3A_77, %swap3A_78] : memref<128x128xf32, #tpu.memory_space<vmem>>, vector<128x128xf32>
      tpu.vector_store %arg12[%swap3A_77, %swap3A_78], %broadcast_in_dim3A_76 {strides = array<i32>} : memref<128x128xf32, #tpu.memory_space<vmem>>, vector<128x128xf32>,
    } else {
    }
    %iota3A = tpu.iota {dimensions = array<i32: 0>} : vector<128x1000xi32>
    %convert_element_type3A_56 = arith.sitofp %iota3A : vector<128x1000xi32> to vector<128x1000xf32>
    %get3A_57 = arith.constant 0 : index
    %get3A_58 = arith.constant 0 : index
    %get3A_59 = arith.constant 0 : index
    %get3A_60 = vector.load %arg2[%get3A_57, %get3A_58, %get3A_59] : memref<1x1x1000xf32, #tpu.memory_space<vmem>>, vector<1x1x1000xf32>
    %get3A_61 = vector.shape_cast %get3A_60 : vector<1x1x1000xf32> to vector<1x1000xf32>
    %eq3A_62 = vector.broadcast %get3A_61 : vector<1x1000xf32> to vector<128x1000xf32>
    %eq3A_63 = arith.cmpf oeq, %convert_element_type3A_56, %eq3A_62 : vector<128x1000xf32>
    %jit3A = arith.constant 1.000000e+00 : f32
    %jit3A_64 = arith.constant 0.000000e+00 : f32
    %broadcast_in_dim3A = vector.broadcast %jit3A : f32 to vector<128x1000xf32>
    %broadcast_in_dim3A_65 = vector.broadcast %jit3A_64 : f32 to vector<128x1000xf32>
    %select_n3A = arith.select %eq3A_63, %broadcast_in_dim3A, %broadcast_in_dim3A_65 : vector<128x1000xi1>, vector<128x1000xf32>
    %get3A_66 = arith.constant 0 : index
    %get3A_67 = arith.constant 0 : index
    %get3A_68 = vector.load %arg12[%get3A_66, %get3A_67] : memref<128x128xf32, #tpu.memory_space<vmem>>, vector<128x128xf32>
    %dot_general3A_69 = arith.constant dense<0.000000e+00> : vector<128x128xf32>
    %dot_general3A_70 = tpu.matmul %select_n3A, %max3A_51, %dot_general3A_69 {dimension_numbers = #tpu.dot_dimension_numbers<[1], [0], [0], [1], [0, 0, 1, 1], [], []>, precision = #tpu.contract_precision<fp32>, transpose_lhs_hint = false} : vector<128x1000xf32>, vector<1000x128xf32>, vector<128x128xf32> -> vector<128x128xf32>
    %add3A_71 = arith.addf %get3A_68, %dot_general3A_70 : vector<128x128xf32>
    %swap3A_72 = arith.constant 0 : index
    %swap3A_73 = arith.constant 0 : index
    %swap3A_74 = vector.load %arg12[%swap3A_72, %swap3A_73] : memref<128x128xf32, #tpu.memory_space<vmem>>, vector<128x128xf32>
    tpu.vector_store %arg12[%swap3A_72, %swap3A_73], %add3A_71 {strides = array<i32>} : memref<128x128xf32, #tpu.memory_space<vmem>>, vector<128x128xf32>,
    return
  }
  func.func @transform_0(%arg0: i32) -> (i32, i32, i32) {
    %c0_i32 = arith.constant 0 : i32
    %c0_i32_0 = arith.constant 0 : i32
    %c0_i32_1 = arith.constant 0 : i32
    return %c0_i32, %arg0, %c0_i32_0 : i32, i32, i32
  }
  func.func @transform_1(%arg0: i32) -> (i32, i32, i32) {
    %c0_i32 = arith.constant 0 : i32
    %c0_i32_0 = arith.constant 0 : i32
    %c0_i32_1 = arith.constant 0 : i32
    return %arg0, %c0_i32, %c0_i32_0 : i32, i32, i32
  }
  func.func @transform_2(%arg0: i32) -> (i32, i32) {
    %c0_i32 = arith.constant 0 : i32
    %c0_i32_0 = arith.constant 0 : i32
    %c0_i32_1 = arith.constant 0 : i32
    return %c0_i32, %c0_i32_0 : i32, i32
  }
  func.func @transform_3(%arg0: i32) -> (i32, i32) {
    %c0_i32 = arith.constant 0 : i32
    %c0_i32_0 = arith.constant 0 : i32
    %c0_i32_1 = arith.constant 0 : i32
    return %c0_i32, %c0_i32_0 : i32, i32
  }
  func.func @transform_4(%arg0: i32) -> (i32, i32) {
    %c0_i32 = arith.constant 0 : i32
    %c0_i32_0 = arith.constant 0 : i32
    %c0_i32_1 = arith.constant 0 : i32
    return %c0_i32, %c0_i32_0 : i32, i32
  }
  func.func @transform_5(%arg0: i32) -> (i32, i32) {
    %c0_i32 = arith.constant 0 : i32
    %c0_i32_0 = arith.constant 0 : i32
    %c0_i32_1 = arith.constant 0 : i32
    return %c0_i32, %c0_i32_0 : i32, i32
  }
  func.func @transform_6(%arg0: i32) -> (i32, i32) {
    %c0_i32 = arith.constant 0 : i32
    %c0_i32_0 = arith.constant 0 : i32
    %c0_i32_1 = arith.constant 0 : i32
    return %c0_i32, %c0_i32_0 : i32, i32
  }
  func.func @transform_7(%arg0: i32) -> (i32, i32) {
    %c0_i32 = arith.constant 0 : i32
    %c0_i32_0 = arith.constant 0 : i32
    %c0_i32_1 = arith.constant 0 : i32
    return %c0_i32, %c0_i32_0 : i32, i32
  }
  func.func @transform_8(%arg0: i32) -> (i32, i32) {
    %c0_i32 = arith.constant 0 : i32
    %c0_i32_0 = arith.constant 0 : i32
    %c0_i32_1 = arith.constant 0 : i32
    return %c0_i32, %c0_i32_0 : i32, i32
  }
  func.func @transform_9(%arg0: i32) -> (i32, i32) {
    %c0_i32 = arith.constant 0 : i32
    %c0_i32_0 = arith.constant 0 : i32
    %c0_i32_1 = arith.constant 0 : i32
    return %c0_i32, %c0_i32_0 : i32, i32
  }
  func.func @transform_10(%arg0: i32) -> (i32, i32) {
    %c0_i32 = arith.constant 0 : i32
    %c0_i32_0 = arith.constant 0 : i32
    return %arg0, %c0_i32 : i32, i32
  }
  func.func @transform_11(%arg0: i32) -> (i32, i32) {
    %c0_i32 = arith.constant 0 : i32
    %c0_i32_0 = arith.constant 0 : i32
    %c0_i32_1 = arith.constant 0 : i32
    return %c0_i32, %c0_i32_0 : i32, i32
  }
}

module attributes {stable_mosaic.version = 14 : i64} {
  func.func @body(%arg0: memref<128x128xf32, #tpu.memory_space<vmem>>, %arg1: memref<128x128xf32, #tpu.memory_space<vmem>>, %arg2: memref<128x128xf32, #tpu.memory_space<vmem>>, %arg3: memref<128x128xf32, #tpu.memory_space<vmem>>, %arg4: memref<1x128xf32, #tpu.memory_space<vmem>>, %arg5: memref<128x128xf32, #tpu.memory_space<vmem>>, %arg6: memref<1x128xf32, #tpu.memory_space<vmem>>, %arg7: memref<128x128xf32, #tpu.memory_space<vmem>>) attributes {dimension_semantics = [], scalar_prefetch = 0 : i64, scratch_operands = 0 : i64, tpu.core_type = #tpu.core_type<tc>} {
    %get3A = arith.constant 0 : index
    %get3A_0 = arith.constant 0 : index
    %get3A_1 = vector.load %arg0[%get3A, %get3A_0] : memref<128x128xf32, #tpu.memory_space<vmem>>, vector<128x128xf32>
    %get3A_2 = arith.constant 0 : index
    %get3A_3 = arith.constant 0 : index
    %get3A_4 = vector.load %arg1[%get3A_2, %get3A_3] : memref<128x128xf32, #tpu.memory_space<vmem>>, vector<128x128xf32>
    %add3A = arith.addf %get3A_1, %get3A_4 : vector<128x128xf32>
    %get3A_5 = arith.constant 0 : index
    %get3A_6 = arith.constant 0 : index
    %get3A_7 = vector.load %arg2[%get3A_5, %get3A_6] : memref<128x128xf32, #tpu.memory_space<vmem>>, vector<128x128xf32>
    %add3A_8 = arith.addf %add3A, %get3A_7 : vector<128x128xf32>
    %get3A_9 = arith.constant 0 : index
    %get3A_10 = arith.constant 0 : index
    %get3A_11 = vector.load %arg3[%get3A_9, %get3A_10] : memref<128x128xf32, #tpu.memory_space<vmem>>, vector<128x128xf32>
    %dot_general3A = arith.constant dense<0.000000e+00> : vector<128x128xf32>
    %dot_general3A_12 = tpu.matmul %add3A_8, %get3A_11, %dot_general3A {dimension_numbers = #tpu.dot_dimension_numbers<[1], [0], [0], [1], [0, 0, 1, 1], [], []>, transpose_lhs_hint = false} : vector<128x128xf32>, vector<128x128xf32>, vector<128x128xf32> -> vector<128x128xf32>
    %get3A_13 = arith.constant 0 : index
    %get3A_14 = arith.constant 0 : index
    %get3A_15 = vector.load %arg4[%get3A_13, %get3A_14] : memref<1x128xf32, #tpu.memory_space<vmem>>, vector<1x128xf32>
    %add3A_16 = vector.broadcast %get3A_15 : vector<1x128xf32> to vector<128x128xf32>
    %add3A_17 = arith.addf %dot_general3A_12, %add3A_16 : vector<128x128xf32>
    %max3A = arith.constant 0.000000e+00 : f32
    %max3A_18 = vector.broadcast %max3A : f32 to vector<128x128xf32>
    %max3A_19 = arith.maximumf %add3A_17, %max3A_18 : vector<128x128xf32>
    %get3A_20 = arith.constant 0 : index
    %get3A_21 = arith.constant 0 : index
    %get3A_22 = vector.load %arg5[%get3A_20, %get3A_21] : memref<128x128xf32, #tpu.memory_space<vmem>>, vector<128x128xf32>
    %dot_general3A_23 = arith.constant dense<0.000000e+00> : vector<128x128xf32>
    %dot_general3A_24 = tpu.matmul %max3A_19, %get3A_22, %dot_general3A_23 {dimension_numbers = #tpu.dot_dimension_numbers<[1], [0], [0], [1], [0, 0, 1, 1], [], []>, transpose_lhs_hint = false} : vector<128x128xf32>, vector<128x128xf32>, vector<128x128xf32> -> vector<128x128xf32>
    %get3A_25 = arith.constant 0 : index
    %get3A_26 = arith.constant 0 : index
    %get3A_27 = vector.load %arg6[%get3A_25, %get3A_26] : memref<1x128xf32, #tpu.memory_space<vmem>>, vector<1x128xf32>
    %add3A_28 = vector.broadcast %get3A_27 : vector<1x128xf32> to vector<128x128xf32>
    %add3A_29 = arith.addf %dot_general3A_24, %add3A_28 : vector<128x128xf32>
    %swap3A = arith.constant 0 : index
    %swap3A_30 = arith.constant 0 : index
    %swap3A_31 = vector.load %arg7[%swap3A, %swap3A_30] : memref<128x128xf32, #tpu.memory_space<vmem>>, vector<128x128xf32>
    tpu.vector_store %arg7[%swap3A, %swap3A_30], %add3A_29 {strides = array<i32>} : memref<128x128xf32, #tpu.memory_space<vmem>>, vector<128x128xf32>,
    return
  }
}

</mosaic_0001>

<sc_bundles>
// kernel: kernel.12.cloned.1.call-start
scs
__scs_entry_jumppad:
0x0: {  	(pc) =	sbr.rel $0x88, $3  }
0x1: {  	(tag) =	ssettag $0x0;
	lr =	simm.s32 $0x1  }
0x2: {  	[smem:$0x3F92] =	sst lr;
	_ =	strace $0xD0000000  }
0x3: {  	_ = 	snop  }
0x4: {  	_ = 	snop  }
0x5: {  	_ = 	snop  }
0x6: {  	_ = 	snop  }
0x7: {  	_ = 	snop  }
__scs_overlays_trampoline_lowered:
0x8: {  	[smem:$0x3FA1] =	sst s0  }
0x9: {  	[smem:$0x3FA2] =	sst s1  }
0xa: {  	[smem:$0x3FA3] =	sst s2  }
0xb: {  	[smem:$0x3FA4] =	sst s3  }
0xc: {  	[smem:$0x3FA5] =	sst s4  }
0xd: {  	[smem:$0x3FA6] =	sst s5  }
0xe: {  	[smem:$0x3FA7] =	sst s6  }
0xf: {  	[smem:$0x3FA8] =	sst s7  }
0x10: {  	[smem:$0x3FA9] =	sst s8  }
0x11: {  	[smem:$0x3FAA] =	sst s9;
	s0 =	simm.s32 @!p0 $0x0  }
0x12: {  	s1 =	sld [smem:$0x3F90];
	s0 =	simm.s32 @p0 $0x1  }
0x13: {  	[smem:$0x3FAB] =	sst s0;
	s0 =	simm.s32 @!p1 $0x0  }
0x14: {  	s2 =	sld [smem:$0x3F8F];
	s0 =	simm.s32 @p1 $0x1  }
0x15: {  	[smem:$0x3FAC] =	sst s0;
	s0 =	simm.s32 @!p2 $0x0  }
0x16: {  	s3 =	sld [smem:$0x3FDB];
	s0 =	simm.s32 @p2 $0x1  }
0x17: {  	s4 =	simm.s32 $0x1BF5;
	[smem:$0x3FAE] =	sst s0  }
0x18: {  	s0 =	sld [smem:$0x3F91];
	_ =	swait.ge [sflag:s4], $0x0  }
0x19: {  	s7 =	sld [smem:$0x3F92]  }
0x1a: {  	s8 =	sadd.s32 $0xFFFFE003, lr  }
0x1b: {  	s9 =	sadd.s32 $0xFFFFFEF7, lr;
	s5 =	simm.s32 $0xFFFFFFFF;
	p2 =	slt.u32 s8, $0xFFFFF086  }
0x1c: {  	p1 =	slt.u32 s9, $0xF7A;
	s5 =	simm.s32 @!p2 $0x0  }
0x1d: {  	s5 =	simm.s32 @p1 $0x1;
	p0 =	seq.s32 s7, s2  }
0x1e: {  	s7 =	smul.u32 @!p0 $0xF7A, s2;
	p2 =	seq.s32 @!p0 s5, $0x0  }
0x1f: {  	s9 =	smul.u32 $0xF7A, s1;
	s8 =	simm.s32 @!p0 $0x1BF5;
	p2 =	por !p2, p0  }
0x20: {  	[sflag:s8] =	ssyncset.s32 @!p0 $0xFFFFF086;
	s6 =	sadd.s32 @!p0 s3, s7;
	s7 =	simm.s32 @!p0 $0x108  }
0x21: {  	s3 =	sadd.s32 s3, s9;
	s6 =	sadd.s32 @!p0 $0x88, s6;
	s7 =	simm.s32 @p2 $0x1082  }
0x22: {  	[simem:s7], [sflag:s8] =	dma.local @!p0 [hbm:s6], $0xF7A  }
0x23: {  	s9 =	sor.u32 $0xD0000000, s2;
	s6 =	simm.s32 $0x108;
	_ =	swait.ge @!p0 [sflag:s8], $0x0  }
0x24: {  	s3 =	sadd.s32 $0x88, s3;
	s6 =	simm.s32 @!p1 $0x1082;
	[sflag:s4] =	ssyncset.s32 $0xFFFFF086  }
0x25: {  	[simem:s6], [sflag:s4] =	dma.local [hbm:s3], $0xF7A  }
0x26: {  	[smem:$0x3F92] =	sst s1;
	(tag) =	ssettag s2;
	_ =	strace s9  }
0x27: {  	s1 =	sld [smem:$0x3FA2]  }
0x28: {  	s2 =	sld [smem:$0x3FA3]  }
0x29: {  	s4 =	sld [smem:$0x3FA5]  }
0x2a: {  	p0 =	seq.s32 s5, $0x0;
	s5 =	sld [smem:$0x3FA6]  }
0x2b: {  	s6 =	sld [smem:$0x3FA7]  }
0x2c: {  	s7 =	sld [smem:$0x3FA8]  }
0x2d: {  	s3 =	simm.s32 $0x108;
	s8 =	sld [smem:$0x3FA9]  }
0x2e: {  	s3 =	simm.s32 @!p0 $0x1082;
	s9 =	sld [smem:$0x3FAA]  }
0x2f: {  	lr =	sadd.s32 s0, s3;
	s0 =	sld [smem:$0x3FA1]  }
0x30: {  	s3 =	sld [smem:$0x3FA4]  }
0x31: {  	[smem:$0x3FAD] =	sst s10  }
0x32: {  	s10 =	sld [smem:$0x3FAB];
	_ =	sdelay $0x3  }
0x33: {  	p0 =	seq.s32 s10, $0x1;
	s10 =	sld [smem:$0x3FAD];
	_ =	sdelay $0x3  }
0x34: {  	[smem:$0x3FAD] =	sst s10  }
0x35: {  	s10 =	sld [smem:$0x3FAC];
	_ =	sdelay $0x3  }
0x36: {  	p1 =	seq.s32 s10, $0x1;
	s10 =	sld [smem:$0x3FAD];
	_ =	sdelay $0x3  }
0x37: {  	[smem:$0x3FAD] =	sst s10  }
0x38: {  	s10 =	sld [smem:$0x3FAE]  }
0x39: {  	_ = 	snop;
	(pc) =	sbr.ind lr, $3  }
0x3a: {  	_ = 	snop  }
0x3b: {  	_ = 	snop  }
0x3c: {  	p2 =	seq.s32 s10, $0x1;
	s10 =	sld [smem:$0x3FAD]  }
0x3d: {  	_ =	shalt  }
0x3e: {  	_ =	shalt  }
0x3f: {  	_ =	shalt  }
0x40: {  	_ =	shalt  }
0x41: {  	_ =	shalt  }
0x42: {  	_ =	shalt  }
0x43: {  	_ =	shalt  }
0x44: {  	_ =	shalt  }
0x45: {  	_ =	shalt  }
0x46: {  	_ =	shalt  }
0x47: {  	_ =	shalt  }
0x48: {  	_ =	shalt  }
0x49: {  	_ =	shalt  }
0x4a: {  	_ =	shalt  }
0x4b: {  	_ =	shalt  }
0x4c: {  	_ =	shalt  }
0x4d: {  	_ =	shalt  }
0x4e: {  	_ =	shalt  }
0x4f: {  	_ =	shalt  }
0x50: {  	_ =	shalt  }
0x51: {  	_ =	shalt  }
0x52: {  	_ =	shalt  }
0x53: {  	_ =	shalt  }
0x54: {  	_ =	shalt  }
0x55: {  	_ =	shalt  }
0x56: {  	_ =	shalt  }
0x57: {  	_ =	shalt  }
0x58: {  	_ =	shalt  }
0x59: {  	_ =	shalt  }
0x5a: {  	_ =	shalt  }
0x5b: {  	_ =	shalt  }
0x5c: {  	_ =	shalt  }
0x5d: {  	_ =	shalt  }
0x5e: {  	_ =	shalt  }
0x5f: {  	_ =	shalt  }
0x60: {  	_ =	shalt  }
0x61: {  	_ =	shalt  }
0x62: {  	_ =	shalt  }
0x63: {  	_ =	shalt  }
0x64: {  	_ =	shalt  }
0x65: {  	_ =	shalt  }
0x66: {  	_ =	shalt  }
0x67: {  	_ =	shalt  }
0x68: {  	_ =	shalt  }
0x69: {  	_ =	shalt  }
0x6a: {  	_ =	shalt  }
0x6b: {  	_ =	shalt  }
0x6c: {  	_ =	shalt  }
0x6d: {  	_ =	shalt  }
0x6e: {  	_ =	shalt  }
0x6f: {  	_ =	shalt  }
0x70: {  	_ =	shalt  }
0x71: {  	_ =	shalt  }
0x72: {  	_ =	shalt  }
0x73: {  	_ =	shalt  }
0x74: {  	_ =	shalt  }
0x75: {  	_ =	shalt  }
0x76: {  	_ =	shalt  }
0x77: {  	_ =	shalt  }
0x78: {  	_ =	shalt  }
0x79: {  	_ =	shalt  }
0x7a: {  	_ =	shalt  }
0x7b: {  	_ =	shalt  }
0x7c: {  	_ =	shalt  }
0x7d: {  	_ =	shalt  }
0x7e: {  	_ =	shalt  }
0x7f: {  	_ =	shalt  }
0x80: {  	_ =	shalt  }
0x81: {  	_ =	shalt  }
0x82: {  	_ =	shalt  }
0x83: {  	_ =	shalt  }
0x84: {  	_ =	shalt  }
0x85: {  	_ =	shalt  }
0x86: {  	_ =	shalt  }
0x87: {  	_ =	shalt  }
.Lfunc_end0:
.L_simem_size_0:
called_computation.1_lowered:
.L_overlay_start_0:
0x88: {  	s2 =	sld [smem:$0x3FD9]  }
0x89: {  	s3 =	sld [smem:$0x3FFE];
	_ =	sdelay $0x1  }
0x8a: {  	s1 =	srdreg.scid  }
0x8b: {  	s0 =	sand.u32 $0x1, s1  }
0x8c: {  	s17 =	sshll.u32 s0, $0xA;
	s2 =	sadd.s32 s3, s2  }
0x8d: {  	s2 =	sadd.s32 s2, s17  }
0x8e: {  	[smem:$0x3FB9] =	sst s2  }
0x8f: {  	_ = 	snop  }
0x90: {  	s2 =	sld [smem:$0x3FC8];
	(tm) =	ssettm $0x1  }
0x91: {  	s18 =	sld [smem:$0x3FFB];
	_ =	sdelay $0x3  }
0x92: {  	_ =	strace s18  }
0x93: {  	s3 =	sld [smem:$0x3FFC];
	_ =	sdelay $0x3  }
0x94: {  	_ =	strace s3  }
0x95: {  	s3 =	sld [smem:$0x3FFD];
	_ =	sdelay $0x3  }
0x96: {  	_ =	strace s3  }
0x97: {  	_ =	strace $0x8FFFFFFF  }
0x98: {  	s19 =	sld [smem:$0x3FDB];
	_ =	sdelay $0x1  }
0x99: {  	s4 =	simm.s32 $_scs_section_size  }
0x9a: {  	s5 =	simm.s32 $_size__tile_overlayer_lowered;
	s6 =	simm.s32 $_tile_overlayer_lowered  }
0x9b: {  	s22 =	simm.s32 $0x1BFF;
	s21 =	sshll.u32 s6, $0x1;
	s3 =	sadd.s32 s4, s19  }
0x9c: {  	s7 =	simm.s32 $0x0;
	s20 =	sshll.u32 s5, $0x1;
	s5 =	sadd.s32 s21, s3  }
0x9d: {  	[timem:s7], [sflag:s22] =	dma.local [hbm:s5], s20  }
0x9e: {  	_ =	swait.ge [sflag:s22], s20  }
0x9f: {  	s4 =	ssub.s32 $0x0, s20;
	[sflag:s22] =	ssyncset.done $0x0  }
0xa0: {  	[sflag:s22] =	ssyncadd.s32 s4;
	_ =	sdelay $0x1  }
0xa1: {  	s23 =	simm.s32 $0x1B8B  }
0xa2: {  	_ =	swait.ge [sflag:s23], $0x1  }
0xa3: {  	[sflag:s23] =	ssyncset.done $0x0  }
0xa4: {  	s25 =	simm.s32 $0x1B8E;
	s24 =	sld [smem:$0x3FFE];
	[sflag:s23] =	ssyncadd.s32 $0xFFFFFFFF  }
0xa5: {  	s26 =	simm.s32 $execute0_lowered;
	[smem:$0x3FD2] =	sst s25  }
0xa6: {  	s5 =	sshll.u32 s26, $0x1;
	_ =	strace $0x80000049;
	[dreg:$0x1] =	wrdreg $0xFFFFFFFF  }
0xa7: {  	s28 =	simm.s32 $_size_execute0_lowered;
	s3 =	sadd.s32 s3, s5;
	[dreg:$0x0] =	wrdreg $0x0  }
0xa8: {  	s5 =	sshll.u32 s28, $0x1;
	[dreg:$0x2] =	wrdreg s3  }
0xa9: {  	[dreg:$0x3] =	wrdreg s5  }
0xaa: {  	[dreg:$0x4] =	wrdreg $0xC0  }
0xab: {  	_ =	task [dreg:s7], $0x5FFFF  }
0xac: {  	[dreg:$0x1] =	wrdreg $0xFFFFFFFF  }
0xad: {  	[dreg:$0x0] =	wrdreg $0x60  }
0xae: {  	[dreg:$0x2] =	wrdreg s24  }
0xaf: {  	[dreg:$0x3] =	wrdreg s2  }
0xb0: {  	[dreg:$0x4] =	wrdreg $0xC3000  }
0xb1: {  	[dreg:$0x5] =	wrdreg $0x9  }
0xb2: {  	_ =	task.clear_ibuf [dreg:s7], $0x6FFFF;
	_ =	strace $0x90000049  }
0xb3: {  	s29 =	simm.s32 $0x9;
	_ =	strace $0x8000004B  }
0xb4: {  	_ =	swait.ge [sflag:s29], $0x1  }
0xb5: {  	[sflag:s29] =	ssyncadd.s32 $0xFFFFFFFF  }
0xb6: {  	_ =	strace $0x9000004B  }
0xb7: {  	_ =	sfence  }
0xb8: {  	s30 =	sld [smem:$0x0];
	_ =	sdelay $0x2  }
0xb9: {  	s31 =	sshll.u32 s1, $0xD;
	s1 =	sshrl.u32 s1, $0x2  }
0xba: {  	s3 =	sand.u32 $0x4000, s31;
	s1 =	sadd.s32 s1, s30  }
0xbb: {  	s0 =	sor.u32 s3, s0;
	s1 =	sshll.u32 s1, $0x11  }
0xbc: {  	s0 =	sor.u32 s1, s0  }
0xbd: {  	s0 =	sadd.s32 $0x8F2B, s0  }
0xbe: {  	[sflag:s0] =	ssyncadd.remote.s32 $0x1  }
0xbf: {  	_ =	sfence.sel $0xFFFF  }
0xc0: {  	[dreg:$0x0] =	wrdreg $0xFFFFFFFF;
	(pc) =	sbr.abs _section_cstart, $3  }
0xc1: {  	[dreg:$0x1] =	wrdreg $0xFFFFFFFF  }
0xc2: {  	_ =	task.clear_ibuf [dreg:s7], $0x2FFFF;
	_ =	strace $0x9FFFFFFF  }
0xc3: {  	(tm) =	ssettm $0x7FFFFFFF  }
tec
execute0_lowered:
.L_overlay_start_1:
0x0: {  	(tag) =	ssettag $0x1  }
0x1: {  	s0 =	rddreg [dreg:$0x0]  }
0x2: {  	s3 =	rddreg [dreg:$0x1]  }
0x3: {  	s1 =	rddreg [dreg:$0x2]  }
0x4: {  	s2 =	srdreg.scid;
	s16 =	stileid.u32  }
0x5: {  	s28 =	simm.s32 $0x100;
	s29 =	simm.s32 $0x2;
	s10 =	smul.u32 $0x4E000, s16  }
0x6: {  	s30 =	simm.s32 $0x4;
	s31 =	simm.s32 $0x4200;
	s12 =	smul.u32 $0x2700, s16  }
0x7: {  	s5 =	sand.u32 $0x1, s2;
	s2 =	simm.s32 $0x0;
	s26 =	smul.u32 $0x13800, s16  }
0x8: {  	s14 =	sadd.s32 $0x3800, s0;
	s21 =	smul.u32 $0x4E, s16;
	p2 =	seq.s32 s16, $0x0  }
0x9: {  	p1 =	sne.s32 s16, $0x0;
	s4 =	sshll.u32 s5, $0x4;
	s25 =	smul.u32 $0x138800, s5  }
0xa: {  	[smem:$0x7FF] =	sst s2;
	s9 =	ssub.s32 $0x2, s5;
	s19 =	smul.u32 $0x4E0, s5  }
0xb: {  	p0 =	sne.s32 s5, $0x0;
	s5 =	simm.s32 $0x3;
	s6 =	sor.u32 s16, s4  }
0xc: {  	_ =	strace $0x8000004A;
	s4 =	sadd.s32 $0x2AA00, s0;
	s0 =	sadd.s32 $0x51C00, s0  }
0xd: {  	s11 =	sshrl.u32 s9, $0x1;
	s10 =	sshrl.u32 s10, $0x2;
	[dreg:$0x4] =	wrdreg s14  }
0xe: {  	s14 =	sadd.s32 s14, s12;
	s7 =	smul.u32 $0x4E, s6;
	s8 =	smin.u32 s6, $0x4  }
0xf: {  	s9 =	ssub.s32 s9, s11;
	s10 =	sadd.s32 s10, s1;
	[dreg:$0x8] =	wrdreg s14  }
0x10: {  	s12 =	sadd.s32 s4, s12;
	s18 =	sadd.s32 s26, s25;
	s11 =	sshrl.u32 s25, $0x3  }
0x11: {  	s24 =	sadd.s32 s21, s19;
	p3 =	sgt.u32 s6, $0x3;
	[dreg:$0x7] =	wrdreg s10  }
0x12: {  	s6 =	simm.s32 $0x9;
	s10 =	sadd.s32 $0x138000, s1;
	[dreg:$0x9] =	wrdreg s12  }
0x13: {  	s12 =	sshrl.u32 s18, $0x3;
	s11 =	sadd.s32 s0, s11;
	s9 =	smax.u32 s9, $0x1  }
0x14: {  	s7 =	sadd.s32 s8, s7;
	s0 =	sadd.s32 s0, s12;
	s22 =	sadd.s32 $0x27000, s11  }
0x15: {  	[dreg:$0xd] =	wrdreg s9;
	s9 =	simm.s32 $0x4180;
	s11 =	simm.s32 $0x7  }
0x16: {  	s12 =	simm.s32 $0x6;
	s7 =	sshll.u32 s7, $0x5;
	[dreg:$0xb] =	wrdreg s0  }
0x17: {  	[dreg:$0xc] =	wrdreg s22;
	s22 =	simm.s32 $0x4100;
	s15 =	sadd.s32 s3, s7  }
0x18: {  	s20 =	sadd.s32 $0x40, s7;
	s25 =	sadd.s32 $0x60, s7;
	s7 =	sadd.s32 $0x80, s7  }
0x19: {  	s13 =	sadd.s32 $0x20, s15;
	[dreg:$0x5] =	wrdreg s15;
	s17 =	sadd.s32 $0x9C0, s15  }
0x1a: {  	s23 =	sand.u32 $0x1FFFFFE0, s20;
	s26 =	sand.u32 $0x1FFFFFE0, s25;
	[dreg:$0x6] =	wrdreg s13  }
0x1b: {  	s7 =	sand.u32 $0x1FFFFFE0, s7;
	s25 =	simm.s32 $0x1;
	[dreg:$0xa] =	wrdreg s17  }
0x1c: {  	s0 =	sadd.s32 s3, s23;
	s7 =	sadd.s32 s3, s7;
	s23 =	simm.s32 $0xA  }
0x1d: {  	s13 =	simm.s32 $0x0;
	[dreg:$0xe] =	wrdreg s0;
	s0 =	sadd.s32 s8, s24  }
.Ltmp0:
0x1e: {  	s8 =	sadd.s32 s3, s26;
	[dreg:$0x10] =	wrdreg s7;
	(pc) =	sbr.rel .LBB2_1-.Ltmp0, $4  }
0x1f: {  	s26 =	simm.s32 $0x80;
	s24 =	simm.s32 $0x5;
	s0 =	sshll.u32 s0, $0x5  }
0x20: {  	s7 =	simm.s32 $0x8;
	[dreg:$0xf] =	wrdreg s8;
	s0 =	sadd.s32 s3, s0  }
0x21: {  	s8 =	simm.s32 $0x8280;
	s3 =	simm.s32 $0x8300;
	s19 =	sadd.s32 $0xE0, s0  }
0x22: {  	s20 =	sadd.s32 $0xC0, s0;
	s21 =	sadd.s32 $0xA0, s0;
	s0 =	simm.s32 $0x8200  }
.LBB2_8:
0x23: {  	_ =	swait.ge [sflag:s7], $0x4000  }
0x24: {  	[sflag:s7] =	ssyncset.done $0x0  }
0x25: {  	[sflag:s7] =	ssyncadd.s32 $0xFFFFC000  }
0x26: {  	[spmem:s1] =	stream.indirect.scatter.add.f32 [tilespmem:s3], [sflag:$0x9], $0x80, s8, s26, $0xb8;
	[tilespmem:$0x1FB80] =	vst v63  }
0x27: {  	_ =	swait.ge [sflag:s12], $0x4000  }
0x28: {  	[sflag:s12] =	ssyncset.done $0x0  }
0x29: {  	[sflag:s12] =	ssyncadd.s32 $0xFFFFC000  }
0x2a: {  	_ =	swait.ge [sflag:s6], $0x4000  }
0x2b: {  	[sflag:s6] =	ssyncset.done $0x0  }
0x2c: {  	s16 =	simm.s32 @!p3 $0x0;
	s17 =	rddreg [dreg:$0xa];
	[sflag:s6] =	ssyncadd.s32 $0xFFFFC000  }
0x2d: {  	[tilespmem:s16], [sflag:$0x1] =	stream.linear.gather @!p3 [hbm4b:s17+s16], $0x100, $0x38;
	[tilespmem:$0x1FB80] =	vst v63  }
0x2e: {  	s17 =	simm.s32 @!p3 $0x1  }
0x2f: {  	_ =	swait.ge @!p3 [sflag:s17], $0x100  }
0x30: {  	[sflag:s17] =	ssyncset.done @!p3 $0x0  }
0x31: {  	s18 =	simm.s32 @!p3 $0x100;
	[sflag:s17] =	ssyncadd.s32 @!p3 $0xFFFFFF00;
	s17 =	simm.s32 @!p3 $0x80  }
0x32: {  	[tilespmem:s18], [sflag:$0x2] =	stream.indirect.gather @!p3 [hbm4b:s4+s17], $0x80, s16, s17, $0xb8;
	[tilespmem:$0x1FB80] =	vst v63  }
0x33: {  	s16 =	simm.s32 @!p3 $0x2  }
0x34: {  	_ =	swait.ge @!p3 [sflag:s16], $0x4000  }
0x35: {  	[sflag:s16] =	ssyncset.done @!p3 $0x0  }
0x36: {  	[sflag:s16] =	ssyncadd.s32 @!p3 $0xFFFFC000;
	s16 =	simm.s32 @!p3 $0x3  }
0x37: {  	[spmem:s1] =	stream.indirect.scatter.add.f32 @!p3 [tilespmem:s18], [sflag:$0x3], $0x80, s17, s17, $0xb8;
	[tilespmem:$0x1FB80] =	vst v63  }
0x38: {  	_ =	swait.ge @!p3 [sflag:s16], $0x4000  }
0x39: {  	[sflag:s16] =	ssyncset.done @!p3 $0x0  }
0x3a: {  	[sflag:s16] =	ssyncadd.s32 @!p3 $0xFFFFC000  }
0x3b: {  	[bflag:$0x0] =	sbarrier.arrive $0xFFFF  }
0x3c: {  	s17 =	rddreg [dreg:$0xb]  }
0x3d: {  	[hbm:s17], [sflag:s14] =	dma.local [spmem:s15], $0x2700  }
0x3e: {  	_ =	swait.ge [sflag:s23], $0x2700  }
0x3f: {  	[sflag:s23] =	ssyncset.done $0x0  }
0x40: {  	s15 =	sshrl.u32 @p4 s10, $0x3;
	s16 =	rddreg [dreg:$0xc];
	[sflag:s23] =	ssyncadd.s32 $0xFFFFD900  }
0x41: {  	[hbm:s16], [sflag:s14] =	dma.local @p4 [spmem:s15], $0x100  }
0x42: {  	s14 =	simm.s32 @p4 $0xA  }
0x43: {  	_ =	swait.ge @p4 [sflag:s14], $0x100  }
0x44: {  	s13 =	sadd.s32 $0x1, s13;
	s18 =	rddreg [dreg:$0xd]  }
0x45: {  	p5 =	sne.s32 s13, s18  }
.Ltmp1:
0x46: {  	_ = 	snop;
	(pc) =	sbr.rel @!p5 .LBB2_9-.Ltmp1, $3  }
0x47: {  	_ =	sdelay $0x1  }
0x48: {  	[sflag:s14] =	ssyncset.done @p4 $0x0  }
0x49: {  	[sflag:s14] =	ssyncadd.s32 @p4 $0xFFFFFF00  }
.LBB2_1:
0x4a: {  	s14 =	rddreg [dreg:$0x5]  }
.Ltmp2:
0x4b: {  	s18 =	stileid.u32;
	(pc) =	sbr.rel @p0 .LBB2_3-.Ltmp2, $4  }
0x4c: {  	[tilespmem:s2], [sflag:$0x1] =	stream.linear.gather [hbm4b:s14+s2], $0x100, $0x38;
	[tilespmem:$0x1FB80] =	vst v63  }
0x4d: {  	s15 =	rddreg [dreg:$0x7];
	s14 =	sshll.u32 s18, $0x6  }
0x4e: {  	s17 =	rddreg [dreg:$0x6];
	s15 =	sshrl.u32 s15, $0x3;
	s14 =	sor.u32 $0x1C0A, s14  }
0x4f: {  	[tilespmem:s22], [sflag:$0x4] =	stream.linear.gather [hbm4b:s17+s2], $0x100, $0x38;
	[tilespmem:$0x1FB80] =	vst v63  }
0x50: {  	s16 =	rddreg [dreg:$0x9]  }
0x51: {  	[spmem:s15], [sflag:s14] =	dma.local [hbm:s16], $0x2700  }
.Ltmp3:
0x52: {  	_ = 	snop;
	(pc) =	sbr.rel @!p2 .LBB2_5-.Ltmp3, $4  }
.Ltmp4:
0x53: {  	_ = 	snop;
	(pc) =	sbr.rel @p2 .LBB2_4-.Ltmp4, $4  }
0x54: {  	_ =	swait.ge [sflag:s23], $0x2700  }
0x55: {  	[sflag:s23] =	ssyncset.done $0x0  }
0x56: {  	p4 =	por $0x0, $0x0;
	s16 =	smov.u32 s4;
	[sflag:s23] =	ssyncadd.s32 $0xFFFFD900  }
0x57: {  	_ = 	snop  }
.LBB2_3:
.Ltmp5:
0x58: {  	s16 =	rddreg [dreg:$0x8];
	(pc) =	sbr.rel @p1 .LBB2_5-.Ltmp5, $4  }
0x59: {  	[spmem:s15], [sflag:s14] =	dma.local [hbm:s16], $0x2700  }
0x5a: {  	_ =	swait.ge [sflag:s23], $0x2700  }
0x5b: {  	[sflag:s23] =	ssyncset.done $0x0  }
0x5c: {  	p4 =	por $0x0, $0x0;
	s16 =	rddreg [dreg:$0x4];
	[sflag:s23] =	ssyncadd.s32 $0xFFFFD900  }
.LBB2_4:
0x5d: {  	s16 =	sadd.s32 $0x27000, s16;
	s17 =	sshrl.u32 s10, $0x3;
	s18 =	simm.s32 $0x1C0A  }
0x5e: {  	[spmem:s17], [sflag:s18] =	dma.local [hbm:s16], $0x100  }
0x5f: {  	_ =	swait.ge [sflag:s23], $0x100  }
0x60: {  	[sflag:s23] =	ssyncset.done $0x0  }
0x61: {  	p4 =	por $0x1, $0x1;
	[sflag:s23] =	ssyncadd.s32 $0xFFFFFF00  }
.LBB2_5:
0x62: {  	_ =	swait.ge [sflag:s25], $0x100  }
0x63: {  	[sflag:s25] =	ssyncset.done $0x0  }
0x64: {  	s16 =	simm.s32 $0x0;
	[sflag:s25] =	ssyncadd.s32 $0xFFFFFF00  }
0x65: {  	[tilespmem:s28], [sflag:$0x2] =	stream.indirect.gather [hbm4b:s4+s26], $0x80, s16, s26, $0xb8;
	[tilespmem:$0x1FB80] =	vst v63  }
0x66: {  	[bflag:$0x0] =	sbarrier.arrive $0xFFFF  }
0x67: {  	_ =	swait.ge [sflag:s29], $0x4000  }
0x68: {  	[sflag:s29] =	ssyncset.done $0x0  }
0x69: {  	[sflag:s29] =	ssyncadd.s32 $0xFFFFC000  }
0x6a: {  	[spmem:s1] =	stream.indirect.scatter.add.f32 [tilespmem:s28], [sflag:$0x3], $0x80, s26, s26, $0xb8;
	[tilespmem:$0x1FB80] =	vst v63  }
0x6b: {  	_ =	swait.ge [sflag:s30], $0x100  }
0x6c: {  	[sflag:s30] =	ssyncset.done $0x0  }
0x6d: {  	[sflag:s30] =	ssyncadd.s32 $0xFFFFFF00  }
0x6e: {  	[tilespmem:s31], [sflag:$0x5] =	stream.indirect.gather [hbm4b:s4+s26], $0x80, s22, s26, $0xb8;
	[tilespmem:$0x1FB80] =	vst v63  }
0x6f: {  	s17 =	rddreg [dreg:$0xe]  }
0x70: {  	[tilespmem:s0], [sflag:$0x7] =	stream.linear.gather [hbm4b:s17+s16], $0x100, $0x38;
	[tilespmem:$0x1FB80] =	vst v63  }
0x71: {  	_ =	swait.ge [sflag:s24], $0x4000  }
0x72: {  	[sflag:s24] =	ssyncset.done $0x0  }
0x73: {  	[sflag:s24] =	ssyncadd.s32 $0xFFFFC000  }
0x74: {  	[spmem:s1] =	stream.indirect.scatter.add.f32 [tilespmem:s31], [sflag:$0x6], $0x80, s9, s26, $0xb8;
	[tilespmem:$0x1FB80] =	vst v63  }
0x75: {  	_ =	swait.ge [sflag:s5], $0x4000  }
0x76: {  	[sflag:s5] =	ssyncset.done $0x0  }
0x77: {  	[sflag:s5] =	ssyncadd.s32 $0xFFFFC000  }
0x78: {  	_ =	swait.ge [sflag:s11], $0x100  }
0x79: {  	[sflag:s11] =	ssyncset.done $0x0  }
0x7a: {  	[sflag:s11] =	ssyncadd.s32 $0xFFFFFF00  }
0x7b: {  	[tilespmem:s3], [sflag:$0x8] =	stream.indirect.gather [hbm4b:s4+s26], $0x80, s0, s26, $0xb8;
	[tilespmem:$0x1FB80] =	vst v63  }
0x7c: {  	s18 =	rddreg [dreg:$0xf]  }
0x7d: {  	[tilespmem:s16], [sflag:$0x1] =	stream.linear.gather [hbm4b:s18+s16], $0x100, $0x38;
	[tilespmem:$0x1FB80] =	vst v63  }
0x7e: {  	_ =	swait.ge [sflag:s7], $0x4000  }
0x7f: {  	[sflag:s7] =	ssyncset.done $0x0  }
0x80: {  	[sflag:s7] =	ssyncadd.s32 $0xFFFFC000  }
0x81: {  	[spmem:s1] =	stream.indirect.scatter.add.f32 [tilespmem:s3], [sflag:$0x9], $0x80, s8, s26, $0xb8;
	[tilespmem:$0x1FB80] =	vst v63  }
0x82: {  	_ =	swait.ge [sflag:s12], $0x4000  }
0x83: {  	[sflag:s12] =	ssyncset.done $0x0  }
0x84: {  	[sflag:s12] =	ssyncadd.s32 $0xFFFFC000  }
0x85: {  	_ =	swait.ge [sflag:s25], $0x100  }
0x86: {  	[sflag:s25] =	ssyncset.done $0x0  }
0x87: {  	[sflag:s25] =	ssyncadd.s32 $0xFFFFFF00  }
0x88: {  	[tilespmem:s28], [sflag:$0x2] =	stream.indirect.gather [hbm4b:s4+s26], $0x80, s16, s26, $0xb8;
	[tilespmem:$0x1FB80] =	vst v63  }
0x89: {  	s18 =	rddreg [dreg:$0x10]  }
0x8a: {  	[tilespmem:s22], [sflag:$0x4] =	stream.linear.gather [hbm4b:s18+s16], $0x100, $0x38;
	[tilespmem:$0x1FB80] =	vst v63  }
.LBB2_6:
0x8b: {  	_ =	swait.ge [sflag:s29], $0x4000  }
0x8c: {  	[sflag:s29] =	ssyncset.done $0x0  }
0x8d: {  	[sflag:s29] =	ssyncadd.s32 $0xFFFFC000  }
0x8e: {  	[spmem:s1] =	stream.indirect.scatter.add.f32 [tilespmem:s28], [sflag:$0x3], $0x80, s26, s26, $0xb8;
	[tilespmem:$0x1FB80] =	vst v63  }
0x8f: {  	_ =	swait.ge [sflag:s6], $0x4000  }
0x90: {  	[sflag:s6] =	ssyncset.done $0x0  }
0x91: {  	[sflag:s6] =	ssyncadd.s32 $0xFFFFC000  }
0x92: {  	_ =	swait.ge [sflag:s30], $0x100  }
0x93: {  	[sflag:s30] =	ssyncset.done $0x0  }
0x94: {  	[sflag:s30] =	ssyncadd.s32 $0xFFFFFF00  }
0x95: {  	[tilespmem:s31], [sflag:$0x5] =	stream.indirect.gather [hbm4b:s4+s26], $0x80, s22, s26, $0xb8;
	[tilespmem:$0x1FB80] =	vst v63  }
0x96: {  	s17 =	sadd.s32 s16, s21  }
0x97: {  	[tilespmem:s0], [sflag:$0x7] =	stream.linear.gather [hbm4b:s17+s2], $0x100, $0x38;
	[tilespmem:$0x1FB80] =	vst v63  }
0x98: {  	_ =	swait.ge [sflag:s24], $0x4000  }
0x99: {  	[sflag:s24] =	ssyncset.done $0x0  }
0x9a: {  	[sflag:s24] =	ssyncadd.s32 $0xFFFFC000  }
0x9b: {  	[spmem:s1] =	stream.indirect.scatter.add.f32 [tilespmem:s31], [sflag:$0x6], $0x80, s9, s26, $0xb8;
	[tilespmem:$0x1FB80] =	vst v63  }
0x9c: {  	_ =	swait.ge [sflag:s5], $0x4000  }
0x9d: {  	p5 =	seq.s32 s16, $0x900;
	[sflag:s5] =	ssyncset.done $0x0  }
.Ltmp6:
0x9e: {  	[sflag:s5] =	ssyncadd.s32 $0xFFFFC000;
	(pc) =	sbr.rel @p5 .LBB2_8-.Ltmp6, $4  }
0x9f: {  	_ =	swait.ge [sflag:s11], $0x100  }
0xa0: {  	[sflag:s11] =	ssyncset.done $0x0  }
0xa1: {  	[sflag:s11] =	ssyncadd.s32 $0xFFFFFF00  }
0xa2: {  	[tilespmem:s3], [sflag:$0x8] =	stream.indirect.gather [hbm4b:s4+s26], $0x80, s0, s26, $0xb8;
	[tilespmem:$0x1FB80] =	vst v63  }
0xa3: {  	s17 =	sadd.s32 s16, s20  }
0xa4: {  	[tilespmem:s2], [sflag:$0x1] =	stream.linear.gather [hbm4b:s17+s2], $0x100, $0x38;
	[tilespmem:$0x1FB80] =	vst v63  }
0xa5: {  	_ =	swait.ge [sflag:s7], $0x4000  }
0xa6: {  	[sflag:s7] =	ssyncset.done $0x0  }
0xa7: {  	[sflag:s7] =	ssyncadd.s32 $0xFFFFC000  }
0xa8: {  	[spmem:s1] =	stream.indirect.scatter.add.f32 [tilespmem:s3], [sflag:$0x9], $0x80, s8, s26, $0xb8;
	[tilespmem:$0x1FB80] =	vst v63  }
0xa9: {  	_ =	swait.ge [sflag:s12], $0x4000  }
0xaa: {  	[sflag:s12] =	ssyncset.done $0x0  }
0xab: {  	[sflag:s12] =	ssyncadd.s32 $0xFFFFC000  }
0xac: {  	_ =	swait.ge [sflag:s25], $0x100  }
.Ltmp7:
0xad: {  	[sflag:s25] =	ssyncset.done $0x0;
	(pc) =	sbr.rel .LBB2_6-.Ltmp7, $4  }
0xae: {  	[sflag:s25] =	ssyncadd.s32 $0xFFFFFF00  }
0xaf: {  	[tilespmem:s28], [sflag:$0x2] =	stream.indirect.gather [hbm4b:s4+s26], $0x80, s2, s26, $0xb8;
	[tilespmem:$0x1FB80] =	vst v63  }
0xb0: {  	s18 =	sadd.s32 s16, s19;
	s16 =	sadd.s32 $0x60, s16  }
0xb1: {  	[tilespmem:s22], [sflag:$0x4] =	stream.linear.gather [hbm4b:s18+s2], $0x100, $0x38;
	[tilespmem:$0x1FB80] =	vst v63  }
.LBB2_9:
0xb2: {  	_ =	sfence.sel $0x180000  }
0xb3: {  	[bflag:$0x0] =	sbarrier.arrive $0xFFFF  }
0xb4: {  	_ =	strace $0x9000004A  }
0xb5: {  	[bflag:$0x2] =	sbarrier.arrive $0xFFFF  }
0xb6: {  	s0 =	rddreg [dreg:$0x3]  }
0xb7: {  	s0 =	sadd.s32 @!p1 $0x100000, s0  }
0xb8: {  	[sflag:s0] =	ssyncadd.tile.s32 @!p1 $0x1;
	_ =	shalt  }
.Lfunc_end2:
_tile_overlayer_lowered:
.L_overlay_start_2:
0xb9: {  	(tag) =	ssettag $0x2  }
0xba: {  	s0 =	rddreg [dreg:$0x0];
	s2 =	stileid.u32  }
0xbb: {  	s1 =	rddreg [dreg:$0x1];
	p0 =	sne.s32 s2, $0x0  }
0xbc: {  	s3 =	rddreg [dreg:$0x2];
	[bflag:$0x3] =	sbarrier.arrive $0xFFFF;
	s2 =	simm.s32 @!p0 $0x1C0A  }
0xbd: {  	[timem:s3], [sflag:s2] =	dma.local @!p0 [hbm:s0], s1  }
0xbe: {  	s0 =	simm.s32 @!p0 $0xA  }
0xbf: {  	_ =	swait.ge @!p0 [sflag:s0], s1  }
0xc0: {  	s1 =	ssub.s32 @!p0 $0x0, s1;
	[sflag:s0] =	ssyncset.done @!p0 $0x0  }
0xc1: {  	[sflag:s0] =	ssyncadd.s32 @!p0 s1  }
0xc2: {  	[bflag:$0x3] =	sbarrier.arrive $0xFFFF  }
0xc3: {  	_ =	shalt  }

// kernel: kernel.15.cloned.1.call-start
scs
__scs_entry_jumppad:
0x0: {  	(pc) =	sbr.rel $0x88, $3  }
0x1: {  	(tag) =	ssettag $0x0;
	lr =	simm.s32 $0x1  }
0x2: {  	[smem:$0x3F92] =	sst lr;
	_ =	strace $0xD0000000  }
0x3: {  	_ = 	snop  }
0x4: {  	_ = 	snop  }
0x5: {  	_ = 	snop  }
0x6: {  	_ = 	snop  }
0x7: {  	_ = 	snop  }
__scs_overlays_trampoline_lowered:
0x8: {  	[smem:$0x3FA1] =	sst s0  }
0x9: {  	[smem:$0x3FA2] =	sst s1  }
0xa: {  	[smem:$0x3FA3] =	sst s2  }
0xb: {  	[smem:$0x3FA4] =	sst s3  }
0xc: {  	[smem:$0x3FA5] =	sst s4  }
0xd: {  	[smem:$0x3FA6] =	sst s5  }
0xe: {  	[smem:$0x3FA7] =	sst s6  }
0xf: {  	[smem:$0x3FA8] =	sst s7  }
0x10: {  	[smem:$0x3FA9] =	sst s8  }
0x11: {  	[smem:$0x3FAA] =	sst s9;
	s0 =	simm.s32 @!p0 $0x0  }
0x12: {  	s1 =	sld [smem:$0x3F90];
	s0 =	simm.s32 @p0 $0x1  }
0x13: {  	[smem:$0x3FAB] =	sst s0;
	s0 =	simm.s32 @!p1 $0x0  }
0x14: {  	s2 =	sld [smem:$0x3F8F];
	s0 =	simm.s32 @p1 $0x1  }
0x15: {  	[smem:$0x3FAC] =	sst s0;
	s0 =	simm.s32 @!p2 $0x0  }
0x16: {  	s3 =	sld [smem:$0x3FDB];
	s0 =	simm.s32 @p2 $0x1  }
0x17: {  	s4 =	simm.s32 $0x1BF5;
	[smem:$0x3FAE] =	sst s0  }
0x18: {  	s0 =	sld [smem:$0x3F91];
	_ =	swait.ge [sflag:s4], $0x0  }
0x19: {  	s7 =	sld [smem:$0x3F92]  }
0x1a: {  	s8 =	sadd.s32 $0xFFFFE003, lr  }
0x1b: {  	s9 =	sadd.s32 $0xFFFFFEF7, lr;
	s5 =	simm.s32 $0xFFFFFFFF;
	p2 =	slt.u32 s8, $0xFFFFF086  }
0x1c: {  	p1 =	slt.u32 s9, $0xF7A;
	s5 =	simm.s32 @!p2 $0x0  }
0x1d: {  	s5 =	simm.s32 @p1 $0x1;
	p0 =	seq.s32 s7, s2  }
0x1e: {  	s7 =	smul.u32 @!p0 $0xF7A, s2;
	p2 =	seq.s32 @!p0 s5, $0x0  }
0x1f: {  	s9 =	smul.u32 $0xF7A, s1;
	s8 =	simm.s32 @!p0 $0x1BF5;
	p2 =	por !p2, p0  }
0x20: {  	[sflag:s8] =	ssyncset.s32 @!p0 $0xFFFFF086;
	s6 =	sadd.s32 @!p0 s3, s7;
	s7 =	simm.s32 @!p0 $0x108  }
0x21: {  	s3 =	sadd.s32 s3, s9;
	s6 =	sadd.s32 @!p0 $0x88, s6;
	s7 =	simm.s32 @p2 $0x1082  }
0x22: {  	[simem:s7], [sflag:s8] =	dma.local @!p0 [hbm:s6], $0xF7A  }
0x23: {  	s9 =	sor.u32 $0xD0000000, s2;
	s6 =	simm.s32 $0x108;
	_ =	swait.ge @!p0 [sflag:s8], $0x0  }
0x24: {  	s3 =	sadd.s32 $0x88, s3;
	s6 =	simm.s32 @!p1 $0x1082;
	[sflag:s4] =	ssyncset.s32 $0xFFFFF086  }
0x25: {  	[simem:s6], [sflag:s4] =	dma.local [hbm:s3], $0xF7A  }
0x26: {  	[smem:$0x3F92] =	sst s1;
	(tag) =	ssettag s2;
	_ =	strace s9  }
0x27: {  	s1 =	sld [smem:$0x3FA2]  }
0x28: {  	s2 =	sld [smem:$0x3FA3]  }
0x29: {  	s4 =	sld [smem:$0x3FA5]  }
0x2a: {  	p0 =	seq.s32 s5, $0x0;
	s5 =	sld [smem:$0x3FA6]  }
0x2b: {  	s6 =	sld [smem:$0x3FA7]  }
0x2c: {  	s7 =	sld [smem:$0x3FA8]  }
0x2d: {  	s3 =	simm.s32 $0x108;
	s8 =	sld [smem:$0x3FA9]  }
0x2e: {  	s3 =	simm.s32 @!p0 $0x1082;
	s9 =	sld [smem:$0x3FAA]  }
0x2f: {  	lr =	sadd.s32 s0, s3;
	s0 =	sld [smem:$0x3FA1]  }
0x30: {  	s3 =	sld [smem:$0x3FA4]  }
0x31: {  	[smem:$0x3FAD] =	sst s10  }
0x32: {  	s10 =	sld [smem:$0x3FAB];
	_ =	sdelay $0x3  }
0x33: {  	p0 =	seq.s32 s10, $0x1;
	s10 =	sld [smem:$0x3FAD];
	_ =	sdelay $0x3  }
0x34: {  	[smem:$0x3FAD] =	sst s10  }
0x35: {  	s10 =	sld [smem:$0x3FAC];
	_ =	sdelay $0x3  }
0x36: {  	p1 =	seq.s32 s10, $0x1;
	s10 =	sld [smem:$0x3FAD];
	_ =	sdelay $0x3  }
0x37: {  	[smem:$0x3FAD] =	sst s10  }
0x38: {  	s10 =	sld [smem:$0x3FAE]  }
0x39: {  	_ = 	snop;
	(pc) =	sbr.ind lr, $3  }
0x3a: {  	_ = 	snop  }
0x3b: {  	_ = 	snop  }
0x3c: {  	p2 =	seq.s32 s10, $0x1;
	s10 =	sld [smem:$0x3FAD]  }
0x3d: {  	_ =	shalt  }
0x3e: {  	_ =	shalt  }
0x3f: {  	_ =	shalt  }
0x40: {  	_ =	shalt  }
0x41: {  	_ =	shalt  }
0x42: {  	_ =	shalt  }
0x43: {  	_ =	shalt  }
0x44: {  	_ =	shalt  }
0x45: {  	_ =	shalt  }
0x46: {  	_ =	shalt  }
0x47: {  	_ =	shalt  }
0x48: {  	_ =	shalt  }
0x49: {  	_ =	shalt  }
0x4a: {  	_ =	shalt  }
0x4b: {  	_ =	shalt  }
0x4c: {  	_ =	shalt  }
0x4d: {  	_ =	shalt  }
0x4e: {  	_ =	shalt  }
0x4f: {  	_ =	shalt  }
0x50: {  	_ =	shalt  }
0x51: {  	_ =	shalt  }
0x52: {  	_ =	shalt  }
0x53: {  	_ =	shalt  }
0x54: {  	_ =	shalt  }
0x55: {  	_ =	shalt  }
0x56: {  	_ =	shalt  }
0x57: {  	_ =	shalt  }
0x58: {  	_ =	shalt  }
0x59: {  	_ =	shalt  }
0x5a: {  	_ =	shalt  }
0x5b: {  	_ =	shalt  }
0x5c: {  	_ =	shalt  }
0x5d: {  	_ =	shalt  }
0x5e: {  	_ =	shalt  }
0x5f: {  	_ =	shalt  }
0x60: {  	_ =	shalt  }
0x61: {  	_ =	shalt  }
0x62: {  	_ =	shalt  }
0x63: {  	_ =	shalt  }
0x64: {  	_ =	shalt  }
0x65: {  	_ =	shalt  }
0x66: {  	_ =	shalt  }
0x67: {  	_ =	shalt  }
0x68: {  	_ =	shalt  }
0x69: {  	_ =	shalt  }
0x6a: {  	_ =	shalt  }
0x6b: {  	_ =	shalt  }
0x6c: {  	_ =	shalt  }
0x6d: {  	_ =	shalt  }
0x6e: {  	_ =	shalt  }
0x6f: {  	_ =	shalt  }
0x70: {  	_ =	shalt  }
0x71: {  	_ =	shalt  }
0x72: {  	_ =	shalt  }
0x73: {  	_ =	shalt  }
0x74: {  	_ =	shalt  }
0x75: {  	_ =	shalt  }
0x76: {  	_ =	shalt  }
0x77: {  	_ =	shalt  }
0x78: {  	_ =	shalt  }
0x79: {  	_ =	shalt  }
0x7a: {  	_ =	shalt  }
0x7b: {  	_ =	shalt  }
0x7c: {  	_ =	shalt  }
0x7d: {  	_ =	shalt  }
0x7e: {  	_ =	shalt  }
0x7f: {  	_ =	shalt  }
0x80: {  	_ =	shalt  }
0x81: {  	_ =	shalt  }
0x82: {  	_ =	shalt  }
0x83: {  	_ =	shalt  }
0x84: {  	_ =	shalt  }
0x85: {  	_ =	shalt  }
0x86: {  	_ =	shalt  }
0x87: {  	_ =	shalt  }
.Lfunc_end0:
.L_simem_size_0:
called_computation.2_lowered:
.L_overlay_start_0:
0x88: {  	s2 =	sld [smem:$0x3FD9]  }
0x89: {  	s3 =	sld [smem:$0x3FFE];
	_ =	sdelay $0x1  }
0x8a: {  	s1 =	srdreg.scid  }
0x8b: {  	s0 =	sand.u32 $0x1, s1  }
0x8c: {  	s17 =	sshll.u32 s0, $0xA;
	s2 =	sadd.s32 s3, s2  }
0x8d: {  	s2 =	sadd.s32 s2, s17  }
0x8e: {  	[smem:$0x3FB9] =	sst s2  }
0x8f: {  	_ = 	snop  }
0x90: {  	s2 =	sld [smem:$0x3FC8];
	(tm) =	ssettm $0x1  }
0x91: {  	s18 =	sld [smem:$0x3FFB];
	_ =	sdelay $0x3  }
0x92: {  	_ =	strace s18  }
0x93: {  	s3 =	sld [smem:$0x3FFC];
	_ =	sdelay $0x3  }
0x94: {  	_ =	strace s3  }
0x95: {  	s3 =	sld [smem:$0x3FFD];
	_ =	sdelay $0x3  }
0x96: {  	_ =	strace s3  }
0x97: {  	_ =	strace $0x8FFFFFFF  }
0x98: {  	s19 =	sld [smem:$0x3FDB];
	_ =	sdelay $0x1  }
0x99: {  	s4 =	simm.s32 $_scs_section_size  }
0x9a: {  	s5 =	simm.s32 $_size__tile_overlayer_lowered;
	s6 =	simm.s32 $_tile_overlayer_lowered  }
0x9b: {  	s22 =	simm.s32 $0x1BFF;
	s21 =	sshll.u32 s6, $0x1;
	s3 =	sadd.s32 s4, s19  }
0x9c: {  	s7 =	simm.s32 $0x0;
	s20 =	sshll.u32 s5, $0x1;
	s5 =	sadd.s32 s21, s3  }
0x9d: {  	[timem:s7], [sflag:s22] =	dma.local [hbm:s5], s20  }
0x9e: {  	_ =	swait.ge [sflag:s22], s20  }
0x9f: {  	s4 =	ssub.s32 $0x0, s20;
	[sflag:s22] =	ssyncset.done $0x0  }
0xa0: {  	[sflag:s22] =	ssyncadd.s32 s4;
	_ =	sdelay $0x1  }
0xa1: {  	s23 =	simm.s32 $0x1B8B  }
0xa2: {  	_ =	swait.ge [sflag:s23], $0x1  }
0xa3: {  	[sflag:s23] =	ssyncset.done $0x0  }
0xa4: {  	s25 =	simm.s32 $0x1B8E;
	s24 =	sld [smem:$0x3FFE];
	[sflag:s23] =	ssyncadd.s32 $0xFFFFFFFF  }
0xa5: {  	s26 =	simm.s32 $execute0_lowered;
	[smem:$0x3FD2] =	sst s25  }
0xa6: {  	s5 =	sshll.u32 s26, $0x1;
	_ =	strace $0x8000004C;
	[dreg:$0x1] =	wrdreg $0xFFFFFFFF  }
0xa7: {  	s28 =	simm.s32 $_size_execute0_lowered;
	s3 =	sadd.s32 s3, s5;
	[dreg:$0x0] =	wrdreg $0x0  }
0xa8: {  	s5 =	sshll.u32 s28, $0x1;
	[dreg:$0x2] =	wrdreg s3  }
0xa9: {  	[dreg:$0x3] =	wrdreg s5  }
0xaa: {  	[dreg:$0x4] =	wrdreg $0xC0  }
0xab: {  	_ =	task [dreg:s7], $0x5FFFF  }
0xac: {  	[dreg:$0x1] =	wrdreg $0xFFFFFFFF  }
0xad: {  	[dreg:$0x0] =	wrdreg $0x60  }
0xae: {  	[dreg:$0x2] =	wrdreg s24  }
0xaf: {  	[dreg:$0x3] =	wrdreg s2  }
0xb0: {  	[dreg:$0x4] =	wrdreg $0xC3000  }
0xb1: {  	[dreg:$0x5] =	wrdreg $0x9  }
0xb2: {  	_ =	task.clear_ibuf [dreg:s7], $0x6FFFF;
	_ =	strace $0x9000004C  }
0xb3: {  	s29 =	simm.s32 $0x9;
	_ =	strace $0x8000004E  }
0xb4: {  	_ =	swait.ge [sflag:s29], $0x1  }
0xb5: {  	[sflag:s29] =	ssyncadd.s32 $0xFFFFFFFF  }
0xb6: {  	_ =	strace $0x9000004E  }
0xb7: {  	_ =	sfence  }
0xb8: {  	s30 =	sld [smem:$0x0];
	_ =	sdelay $0x2  }
0xb9: {  	s31 =	sshll.u32 s1, $0xD;
	s1 =	sshrl.u32 s1, $0x2  }
0xba: {  	s3 =	sand.u32 $0x4000, s31;
	s1 =	sadd.s32 s1, s30  }
0xbb: {  	s0 =	sor.u32 s3, s0;
	s1 =	sshll.u32 s1, $0x11  }
0xbc: {  	s0 =	sor.u32 s1, s0  }
0xbd: {  	s0 =	sadd.s32 $0x8F2B, s0  }
0xbe: {  	[sflag:s0] =	ssyncadd.remote.s32 $0x1  }
0xbf: {  	_ =	sfence.sel $0xFFFF  }
0xc0: {  	[dreg:$0x0] =	wrdreg $0xFFFFFFFF;
	(pc) =	sbr.abs _section_cstart, $3  }
0xc1: {  	[dreg:$0x1] =	wrdreg $0xFFFFFFFF  }
0xc2: {  	_ =	task.clear_ibuf [dreg:s7], $0x2FFFF;
	_ =	strace $0x9FFFFFFF  }
0xc3: {  	(tm) =	ssettm $0x7FFFFFFF  }
tec
execute0_lowered:
.L_overlay_start_1:
0x0: {  	(tag) =	ssettag $0x1  }
0x1: {  	s0 =	rddreg [dreg:$0x0]  }
0x2: {  	s3 =	rddreg [dreg:$0x1]  }
0x3: {  	s1 =	rddreg [dreg:$0x2]  }
0x4: {  	s2 =	srdreg.scid;
	s16 =	stileid.u32  }
0x5: {  	s28 =	simm.s32 $0x100;
	s29 =	simm.s32 $0x2;
	s10 =	smul.u32 $0x4E000, s16  }
0x6: {  	s30 =	simm.s32 $0x4;
	s31 =	simm.s32 $0x4200;
	s12 =	smul.u32 $0x2700, s16  }
0x7: {  	s5 =	sand.u32 $0x1, s2;
	s2 =	simm.s32 $0x0;
	s26 =	smul.u32 $0x13800, s16  }
0x8: {  	s14 =	sadd.s32 $0x3800, s0;
	s21 =	smul.u32 $0x4E, s16;
	p2 =	seq.s32 s16, $0x0  }
0x9: {  	p1 =	sne.s32 s16, $0x0;
	s4 =	sshll.u32 s5, $0x4;
	s25 =	smul.u32 $0x138800, s5  }
0xa: {  	[smem:$0x7FF] =	sst s2;
	s9 =	ssub.s32 $0x2, s5;
	s19 =	smul.u32 $0x4E0, s5  }
0xb: {  	p0 =	sne.s32 s5, $0x0;
	s5 =	simm.s32 $0x3;
	s6 =	sor.u32 s16, s4  }
0xc: {  	_ =	strace $0x8000004D;
	s4 =	sadd.s32 $0x2AA00, s0;
	s0 =	sadd.s32 $0x51C00, s0  }
0xd: {  	s11 =	sshrl.u32 s9, $0x1;
	s10 =	sshrl.u32 s10, $0x2;
	[dreg:$0x4] =	wrdreg s14  }
0xe: {  	s14 =	sadd.s32 s14, s12;
	s7 =	smul.u32 $0x4E, s6;
	s8 =	smin.u32 s6, $0x4  }
0xf: {  	s9 =	ssub.s32 s9, s11;
	s10 =	sadd.s32 s10, s1;
	[dreg:$0x8] =	wrdreg s14  }
0x10: {  	s12 =	sadd.s32 s4, s12;
	s18 =	sadd.s32 s26, s25;
	s11 =	sshrl.u32 s25, $0x3  }
0x11: {  	s24 =	sadd.s32 s21, s19;
	p3 =	sgt.u32 s6, $0x3;
	[dreg:$0x7] =	wrdreg s10  }
0x12: {  	s6 =	simm.s32 $0x9;
	s10 =	sadd.s32 $0x138000, s1;
	[dreg:$0x9] =	wrdreg s12  }
0x13: {  	s12 =	sshrl.u32 s18, $0x3;
	s11 =	sadd.s32 s0, s11;
	s9 =	smax.u32 s9, $0x1  }
0x14: {  	s7 =	sadd.s32 s8, s7;
	s0 =	sadd.s32 s0, s12;
	s22 =	sadd.s32 $0x27000, s11  }
0x15: {  	[dreg:$0xd] =	wrdreg s9;
	s9 =	simm.s32 $0x4180;
	s11 =	simm.s32 $0x7  }
0x16: {  	s12 =	simm.s32 $0x6;
	s7 =	sshll.u32 s7, $0x5;
	[dreg:$0xb] =	wrdreg s0  }
0x17: {  	[dreg:$0xc] =	wrdreg s22;
	s22 =	simm.s32 $0x4100;
	s15 =	sadd.s32 s3, s7  }
0x18: {  	s20 =	sadd.s32 $0x40, s7;
	s25 =	sadd.s32 $0x60, s7;
	s7 =	sadd.s32 $0x80, s7  }
0x19: {  	s13 =	sadd.s32 $0x20, s15;
	[dreg:$0x5] =	wrdreg s15;
	s17 =	sadd.s32 $0x9C0, s15  }
0x1a: {  	s23 =	sand.u32 $0x1FFFFFE0, s20;
	s26 =	sand.u32 $0x1FFFFFE0, s25;
	[dreg:$0x6] =	wrdreg s13  }
0x1b: {  	s7 =	sand.u32 $0x1FFFFFE0, s7;
	s25 =	simm.s32 $0x1;
	[dreg:$0xa] =	wrdreg s17  }
0x1c: {  	s0 =	sadd.s32 s3, s23;
	s7 =	sadd.s32 s3, s7;
	s23 =	simm.s32 $0xA  }
0x1d: {  	s13 =	simm.s32 $0x0;
	[dreg:$0xe] =	wrdreg s0;
	s0 =	sadd.s32 s8, s24  }
.Ltmp0:
0x1e: {  	s8 =	sadd.s32 s3, s26;
	[dreg:$0x10] =	wrdreg s7;
	(pc) =	sbr.rel .LBB2_1-.Ltmp0, $4  }
0x1f: {  	s26 =	simm.s32 $0x80;
	s24 =	simm.s32 $0x5;
	s0 =	sshll.u32 s0, $0x5  }
0x20: {  	s7 =	simm.s32 $0x8;
	[dreg:$0xf] =	wrdreg s8;
	s0 =	sadd.s32 s3, s0  }
0x21: {  	s8 =	simm.s32 $0x8280;
	s3 =	simm.s32 $0x8300;
	s19 =	sadd.s32 $0xE0, s0  }
0x22: {  	s20 =	sadd.s32 $0xC0, s0;
	s21 =	sadd.s32 $0xA0, s0;
	s0 =	simm.s32 $0x8200  }
.LBB2_8:
0x23: {  	_ =	swait.ge [sflag:s7], $0x4000  }
0x24: {  	[sflag:s7] =	ssyncset.done $0x0  }
0x25: {  	[sflag:s7] =	ssyncadd.s32 $0xFFFFC000  }
0x26: {  	[spmem:s1] =	stream.indirect.scatter.add.f32 [tilespmem:s3], [sflag:$0x9], $0x80, s8, s26, $0xb8;
	[tilespmem:$0x1FB80] =	vst v63  }
0x27: {  	_ =	swait.ge [sflag:s12], $0x4000  }
0x28: {  	[sflag:s12] =	ssyncset.done $0x0  }
0x29: {  	[sflag:s12] =	ssyncadd.s32 $0xFFFFC000  }
0x2a: {  	_ =	swait.ge [sflag:s6], $0x4000  }
0x2b: {  	[sflag:s6] =	ssyncset.done $0x0  }
0x2c: {  	s16 =	simm.s32 @!p3 $0x0;
	s17 =	rddreg [dreg:$0xa];
	[sflag:s6] =	ssyncadd.s32 $0xFFFFC000  }
0x2d: {  	[tilespmem:s16], [sflag:$0x1] =	stream.linear.gather @!p3 [hbm4b:s17+s16], $0x100, $0x38;
	[tilespmem:$0x1FB80] =	vst v63  }
0x2e: {  	s17 =	simm.s32 @!p3 $0x1  }
0x2f: {  	_ =	swait.ge @!p3 [sflag:s17], $0x100  }
0x30: {  	[sflag:s17] =	ssyncset.done @!p3 $0x0  }
0x31: {  	s18 =	simm.s32 @!p3 $0x100;
	[sflag:s17] =	ssyncadd.s32 @!p3 $0xFFFFFF00;
	s17 =	simm.s32 @!p3 $0x80  }
0x32: {  	[tilespmem:s18], [sflag:$0x2] =	stream.indirect.gather @!p3 [hbm4b:s4+s17], $0x80, s16, s17, $0xb8;
	[tilespmem:$0x1FB80] =	vst v63  }
0x33: {  	s16 =	simm.s32 @!p3 $0x2  }
0x34: {  	_ =	swait.ge @!p3 [sflag:s16], $0x4000  }
0x35: {  	[sflag:s16] =	ssyncset.done @!p3 $0x0  }
0x36: {  	[sflag:s16] =	ssyncadd.s32 @!p3 $0xFFFFC000;
	s16 =	simm.s32 @!p3 $0x3  }
0x37: {  	[spmem:s1] =	stream.indirect.scatter.add.f32 @!p3 [tilespmem:s18], [sflag:$0x3], $0x80, s17, s17, $0xb8;
	[tilespmem:$0x1FB80] =	vst v63  }
0x38: {  	_ =	swait.ge @!p3 [sflag:s16], $0x4000  }
0x39: {  	[sflag:s16] =	ssyncset.done @!p3 $0x0  }
0x3a: {  	[sflag:s16] =	ssyncadd.s32 @!p3 $0xFFFFC000  }
0x3b: {  	[bflag:$0x0] =	sbarrier.arrive $0xFFFF  }
0x3c: {  	s17 =	rddreg [dreg:$0xb]  }
0x3d: {  	[hbm:s17], [sflag:s14] =	dma.local [spmem:s15], $0x2700  }
0x3e: {  	_ =	swait.ge [sflag:s23], $0x2700  }
0x3f: {  	[sflag:s23] =	ssyncset.done $0x0  }
0x40: {  	s15 =	sshrl.u32 @p4 s10, $0x3;
	s16 =	rddreg [dreg:$0xc];
	[sflag:s23] =	ssyncadd.s32 $0xFFFFD900  }
0x41: {  	[hbm:s16], [sflag:s14] =	dma.local @p4 [spmem:s15], $0x100  }
0x42: {  	s14 =	simm.s32 @p4 $0xA  }
0x43: {  	_ =	swait.ge @p4 [sflag:s14], $0x100  }
0x44: {  	s13 =	sadd.s32 $0x1, s13;
	s18 =	rddreg [dreg:$0xd]  }
0x45: {  	p5 =	sne.s32 s13, s18  }
.Ltmp1:
0x46: {  	_ = 	snop;
	(pc) =	sbr.rel @!p5 .LBB2_9-.Ltmp1, $3  }
0x47: {  	_ =	sdelay $0x1  }
0x48: {  	[sflag:s14] =	ssyncset.done @p4 $0x0  }
0x49: {  	[sflag:s14] =	ssyncadd.s32 @p4 $0xFFFFFF00  }
.LBB2_1:
0x4a: {  	s14 =	rddreg [dreg:$0x5]  }
.Ltmp2:
0x4b: {  	s18 =	stileid.u32;
	(pc) =	sbr.rel @p0 .LBB2_3-.Ltmp2, $4  }
0x4c: {  	[tilespmem:s2], [sflag:$0x1] =	stream.linear.gather [hbm4b:s14+s2], $0x100, $0x38;
	[tilespmem:$0x1FB80] =	vst v63  }
0x4d: {  	s15 =	rddreg [dreg:$0x7];
	s14 =	sshll.u32 s18, $0x6  }
0x4e: {  	s17 =	rddreg [dreg:$0x6];
	s15 =	sshrl.u32 s15, $0x3;
	s14 =	sor.u32 $0x1C0A, s14  }
0x4f: {  	[tilespmem:s22], [sflag:$0x4] =	stream.linear.gather [hbm4b:s17+s2], $0x100, $0x38;
	[tilespmem:$0x1FB80] =	vst v63  }
0x50: {  	s16 =	rddreg [dreg:$0x9]  }
0x51: {  	[spmem:s15], [sflag:s14] =	dma.local [hbm:s16], $0x2700  }
.Ltmp3:
0x52: {  	_ = 	snop;
	(pc) =	sbr.rel @!p2 .LBB2_5-.Ltmp3, $4  }
.Ltmp4:
0x53: {  	_ = 	snop;
	(pc) =	sbr.rel @p2 .LBB2_4-.Ltmp4, $4  }
0x54: {  	_ =	swait.ge [sflag:s23], $0x2700  }
0x55: {  	[sflag:s23] =	ssyncset.done $0x0  }
0x56: {  	p4 =	por $0x0, $0x0;
	s16 =	smov.u32 s4;
	[sflag:s23] =	ssyncadd.s32 $0xFFFFD900  }
0x57: {  	_ = 	snop  }
.LBB2_3:
.Ltmp5:
0x58: {  	s16 =	rddreg [dreg:$0x8];
	(pc) =	sbr.rel @p1 .LBB2_5-.Ltmp5, $4  }
0x59: {  	[spmem:s15], [sflag:s14] =	dma.local [hbm:s16], $0x2700  }
0x5a: {  	_ =	swait.ge [sflag:s23], $0x2700  }
0x5b: {  	[sflag:s23] =	ssyncset.done $0x0  }
0x5c: {  	p4 =	por $0x0, $0x0;
	s16 =	rddreg [dreg:$0x4];
	[sflag:s23] =	ssyncadd.s32 $0xFFFFD900  }
.LBB2_4:
0x5d: {  	s16 =	sadd.s32 $0x27000, s16;
	s17 =	sshrl.u32 s10, $0x3;
	s18 =	simm.s32 $0x1C0A  }
0x5e: {  	[spmem:s17], [sflag:s18] =	dma.local [hbm:s16], $0x100  }
0x5f: {  	_ =	swait.ge [sflag:s23], $0x100  }
0x60: {  	[sflag:s23] =	ssyncset.done $0x0  }
0x61: {  	p4 =	por $0x1, $0x1;
	[sflag:s23] =	ssyncadd.s32 $0xFFFFFF00  }
.LBB2_5:
0x62: {  	_ =	swait.ge [sflag:s25], $0x100  }
0x63: {  	[sflag:s25] =	ssyncset.done $0x0  }
0x64: {  	s16 =	simm.s32 $0x0;
	[sflag:s25] =	ssyncadd.s32 $0xFFFFFF00  }
0x65: {  	[tilespmem:s28], [sflag:$0x2] =	stream.indirect.gather [hbm4b:s4+s26], $0x80, s16, s26, $0xb8;
	[tilespmem:$0x1FB80] =	vst v63  }
0x66: {  	[bflag:$0x0] =	sbarrier.arrive $0xFFFF  }
0x67: {  	_ =	swait.ge [sflag:s29], $0x4000  }
0x68: {  	[sflag:s29] =	ssyncset.done $0x0  }
0x69: {  	[sflag:s29] =	ssyncadd.s32 $0xFFFFC000  }
0x6a: {  	[spmem:s1] =	stream.indirect.scatter.add.f32 [tilespmem:s28], [sflag:$0x3], $0x80, s26, s26, $0xb8;
	[tilespmem:$0x1FB80] =	vst v63  }
0x6b: {  	_ =	swait.ge [sflag:s30], $0x100  }
0x6c: {  	[sflag:s30] =	ssyncset.done $0x0  }
0x6d: {  	[sflag:s30] =	ssyncadd.s32 $0xFFFFFF00  }
0x6e: {  	[tilespmem:s31], [sflag:$0x5] =	stream.indirect.gather [hbm4b:s4+s26], $0x80, s22, s26, $0xb8;
	[tilespmem:$0x1FB80] =	vst v63  }
0x6f: {  	s17 =	rddreg [dreg:$0xe]  }
0x70: {  	[tilespmem:s0], [sflag:$0x7] =	stream.linear.gather [hbm4b:s17+s16], $0x100, $0x38;
	[tilespmem:$0x1FB80] =	vst v63  }
0x71: {  	_ =	swait.ge [sflag:s24], $0x4000  }
0x72: {  	[sflag:s24] =	ssyncset.done $0x0  }
0x73: {  	[sflag:s24] =	ssyncadd.s32 $0xFFFFC000  }
0x74: {  	[spmem:s1] =	stream.indirect.scatter.add.f32 [tilespmem:s31], [sflag:$0x6], $0x80, s9, s26, $0xb8;
	[tilespmem:$0x1FB80] =	vst v63  }
0x75: {  	_ =	swait.ge [sflag:s5], $0x4000  }
0x76: {  	[sflag:s5] =	ssyncset.done $0x0  }
0x77: {  	[sflag:s5] =	ssyncadd.s32 $0xFFFFC000  }
0x78: {  	_ =	swait.ge [sflag:s11], $0x100  }
0x79: {  	[sflag:s11] =	ssyncset.done $0x0  }
0x7a: {  	[sflag:s11] =	ssyncadd.s32 $0xFFFFFF00  }
0x7b: {  	[tilespmem:s3], [sflag:$0x8] =	stream.indirect.gather [hbm4b:s4+s26], $0x80, s0, s26, $0xb8;
	[tilespmem:$0x1FB80] =	vst v63  }
0x7c: {  	s18 =	rddreg [dreg:$0xf]  }
0x7d: {  	[tilespmem:s16], [sflag:$0x1] =	stream.linear.gather [hbm4b:s18+s16], $0x100, $0x38;
	[tilespmem:$0x1FB80] =	vst v63  }
0x7e: {  	_ =	swait.ge [sflag:s7], $0x4000  }
0x7f: {  	[sflag:s7] =	ssyncset.done $0x0  }
0x80: {  	[sflag:s7] =	ssyncadd.s32 $0xFFFFC000  }
0x81: {  	[spmem:s1] =	stream.indirect.scatter.add.f32 [tilespmem:s3], [sflag:$0x9], $0x80, s8, s26, $0xb8;
	[tilespmem:$0x1FB80] =	vst v63  }
0x82: {  	_ =	swait.ge [sflag:s12], $0x4000  }
0x83: {  	[sflag:s12] =	ssyncset.done $0x0  }
0x84: {  	[sflag:s12] =	ssyncadd.s32 $0xFFFFC000  }
0x85: {  	_ =	swait.ge [sflag:s25], $0x100  }
0x86: {  	[sflag:s25] =	ssyncset.done $0x0  }
0x87: {  	[sflag:s25] =	ssyncadd.s32 $0xFFFFFF00  }
0x88: {  	[tilespmem:s28], [sflag:$0x2] =	stream.indirect.gather [hbm4b:s4+s26], $0x80, s16, s26, $0xb8;
	[tilespmem:$0x1FB80] =	vst v63  }
0x89: {  	s18 =	rddreg [dreg:$0x10]  }
0x8a: {  	[tilespmem:s22], [sflag:$0x4] =	stream.linear.gather [hbm4b:s18+s16], $0x100, $0x38;
	[tilespmem:$0x1FB80] =	vst v63  }
.LBB2_6:
0x8b: {  	_ =	swait.ge [sflag:s29], $0x4000  }
0x8c: {  	[sflag:s29] =	ssyncset.done $0x0  }
0x8d: {  	[sflag:s29] =	ssyncadd.s32 $0xFFFFC000  }
0x8e: {  	[spmem:s1] =	stream.indirect.scatter.add.f32 [tilespmem:s28], [sflag:$0x3], $0x80, s26, s26, $0xb8;
	[tilespmem:$0x1FB80] =	vst v63  }
0x8f: {  	_ =	swait.ge [sflag:s6], $0x4000  }
0x90: {  	[sflag:s6] =	ssyncset.done $0x0  }
0x91: {  	[sflag:s6] =	ssyncadd.s32 $0xFFFFC000  }
0x92: {  	_ =	swait.ge [sflag:s30], $0x100  }
0x93: {  	[sflag:s30] =	ssyncset.done $0x0  }
0x94: {  	[sflag:s30] =	ssyncadd.s32 $0xFFFFFF00  }
0x95: {  	[tilespmem:s31], [sflag:$0x5] =	stream.indirect.gather [hbm4b:s4+s26], $0x80, s22, s26, $0xb8;
	[tilespmem:$0x1FB80] =	vst v63  }
0x96: {  	s17 =	sadd.s32 s16, s21  }
0x97: {  	[tilespmem:s0], [sflag:$0x7] =	stream.linear.gather [hbm4b:s17+s2], $0x100, $0x38;
	[tilespmem:$0x1FB80] =	vst v63  }
0x98: {  	_ =	swait.ge [sflag:s24], $0x4000  }
0x99: {  	[sflag:s24] =	ssyncset.done $0x0  }
0x9a: {  	[sflag:s24] =	ssyncadd.s32 $0xFFFFC000  }
0x9b: {  	[spmem:s1] =	stream.indirect.scatter.add.f32 [tilespmem:s31], [sflag:$0x6], $0x80, s9, s26, $0xb8;
	[tilespmem:$0x1FB80] =	vst v63  }
0x9c: {  	_ =	swait.ge [sflag:s5], $0x4000  }
0x9d: {  	p5 =	seq.s32 s16, $0x900;
	[sflag:s5] =	ssyncset.done $0x0  }
.Ltmp6:
0x9e: {  	[sflag:s5] =	ssyncadd.s32 $0xFFFFC000;
	(pc) =	sbr.rel @p5 .LBB2_8-.Ltmp6, $4  }
0x9f: {  	_ =	swait.ge [sflag:s11], $0x100  }
0xa0: {  	[sflag:s11] =	ssyncset.done $0x0  }
0xa1: {  	[sflag:s11] =	ssyncadd.s32 $0xFFFFFF00  }
0xa2: {  	[tilespmem:s3], [sflag:$0x8] =	stream.indirect.gather [hbm4b:s4+s26], $0x80, s0, s26, $0xb8;
	[tilespmem:$0x1FB80] =	vst v63  }
0xa3: {  	s17 =	sadd.s32 s16, s20  }
0xa4: {  	[tilespmem:s2], [sflag:$0x1] =	stream.linear.gather [hbm4b:s17+s2], $0x100, $0x38;
	[tilespmem:$0x1FB80] =	vst v63  }
0xa5: {  	_ =	swait.ge [sflag:s7], $0x4000  }
0xa6: {  	[sflag:s7] =	ssyncset.done $0x0  }
0xa7: {  	[sflag:s7] =	ssyncadd.s32 $0xFFFFC000  }
0xa8: {  	[spmem:s1] =	stream.indirect.scatter.add.f32 [tilespmem:s3], [sflag:$0x9], $0x80, s8, s26, $0xb8;
	[tilespmem:$0x1FB80] =	vst v63  }
0xa9: {  	_ =	swait.ge [sflag:s12], $0x4000  }
0xaa: {  	[sflag:s12] =	ssyncset.done $0x0  }
0xab: {  	[sflag:s12] =	ssyncadd.s32 $0xFFFFC000  }
0xac: {  	_ =	swait.ge [sflag:s25], $0x100  }
.Ltmp7:
0xad: {  	[sflag:s25] =	ssyncset.done $0x0;
	(pc) =	sbr.rel .LBB2_6-.Ltmp7, $4  }
0xae: {  	[sflag:s25] =	ssyncadd.s32 $0xFFFFFF00  }
0xaf: {  	[tilespmem:s28], [sflag:$0x2] =	stream.indirect.gather [hbm4b:s4+s26], $0x80, s2, s26, $0xb8;
	[tilespmem:$0x1FB80] =	vst v63  }
0xb0: {  	s18 =	sadd.s32 s16, s19;
	s16 =	sadd.s32 $0x60, s16  }
0xb1: {  	[tilespmem:s22], [sflag:$0x4] =	stream.linear.gather [hbm4b:s18+s2], $0x100, $0x38;
	[tilespmem:$0x1FB80] =	vst v63  }
.LBB2_9:
0xb2: {  	_ =	sfence.sel $0x180000  }
0xb3: {  	[bflag:$0x0] =	sbarrier.arrive $0xFFFF  }
0xb4: {  	_ =	strace $0x9000004D  }
0xb5: {  	[bflag:$0x2] =	sbarrier.arrive $0xFFFF  }
0xb6: {  	s0 =	rddreg [dreg:$0x3]  }
0xb7: {  	s0 =	sadd.s32 @!p1 $0x100000, s0  }
0xb8: {  	[sflag:s0] =	ssyncadd.tile.s32 @!p1 $0x1;
	_ =	shalt  }
.Lfunc_end2:
_tile_overlayer_lowered:
.L_overlay_start_2:
0xb9: {  	(tag) =	ssettag $0x2  }
0xba: {  	s0 =	rddreg [dreg:$0x0];
	s2 =	stileid.u32  }
0xbb: {  	s1 =	rddreg [dreg:$0x1];
	p0 =	sne.s32 s2, $0x0  }
0xbc: {  	s3 =	rddreg [dreg:$0x2];
	[bflag:$0x3] =	sbarrier.arrive $0xFFFF;
	s2 =	simm.s32 @!p0 $0x1C0A  }
0xbd: {  	[timem:s3], [sflag:s2] =	dma.local @!p0 [hbm:s0], s1  }
0xbe: {  	s0 =	simm.s32 @!p0 $0xA  }
0xbf: {  	_ =	swait.ge @!p0 [sflag:s0], s1  }
0xc0: {  	s1 =	ssub.s32 @!p0 $0x0, s1;
	[sflag:s0] =	ssyncset.done @!p0 $0x0  }
0xc1: {  	[sflag:s0] =	ssyncadd.s32 @!p0 s1  }
0xc2: {  	[bflag:$0x3] =	sbarrier.arrive $0xFFFF  }
0xc3: {  	_ =	shalt  }

// kernel: kernel.9.cloned.1.call-start
scs
__scs_entry_jumppad:
0x0: {  	(pc) =	sbr.rel $0x88, $3  }
0x1: {  	(tag) =	ssettag $0x0;
	lr =	simm.s32 $0x1  }
0x2: {  	[smem:$0x3F92] =	sst lr;
	_ =	strace $0xD0000000  }
0x3: {  	_ = 	snop  }
0x4: {  	_ = 	snop  }
0x5: {  	_ = 	snop  }
0x6: {  	_ = 	snop  }
0x7: {  	_ = 	snop  }
__scs_overlays_trampoline_lowered:
0x8: {  	[smem:$0x3FA1] =	sst s0  }
0x9: {  	[smem:$0x3FA2] =	sst s1  }
0xa: {  	[smem:$0x3FA3] =	sst s2  }
0xb: {  	[smem:$0x3FA4] =	sst s3  }
0xc: {  	[smem:$0x3FA5] =	sst s4  }
0xd: {  	[smem:$0x3FA6] =	sst s5  }
0xe: {  	[smem:$0x3FA7] =	sst s6  }
0xf: {  	[smem:$0x3FA8] =	sst s7  }
0x10: {  	[smem:$0x3FA9] =	sst s8  }
0x11: {  	[smem:$0x3FAA] =	sst s9;
	s0 =	simm.s32 @!p0 $0x0  }
0x12: {  	s1 =	sld [smem:$0x3F90];
	s0 =	simm.s32 @p0 $0x1  }
0x13: {  	[smem:$0x3FAB] =	sst s0;
	s0 =	simm.s32 @!p1 $0x0  }
0x14: {  	s2 =	sld [smem:$0x3F8F];
	s0 =	simm.s32 @p1 $0x1  }
0x15: {  	[smem:$0x3FAC] =	sst s0;
	s0 =	simm.s32 @!p2 $0x0  }
0x16: {  	s3 =	sld [smem:$0x3FDB];
	s0 =	simm.s32 @p2 $0x1  }
0x17: {  	s4 =	simm.s32 $0x1BF5;
	[smem:$0x3FAE] =	sst s0  }
0x18: {  	s0 =	sld [smem:$0x3F91];
	_ =	swait.ge [sflag:s4], $0x0  }
0x19: {  	s7 =	sld [smem:$0x3F92]  }
0x1a: {  	s8 =	sadd.s32 $0xFFFFE003, lr  }
0x1b: {  	s9 =	sadd.s32 $0xFFFFFEF7, lr;
	s5 =	simm.s32 $0xFFFFFFFF;
	p2 =	slt.u32 s8, $0xFFFFF086  }
0x1c: {  	p1 =	slt.u32 s9, $0xF7A;
	s5 =	simm.s32 @!p2 $0x0  }
0x1d: {  	s5 =	simm.s32 @p1 $0x1;
	p0 =	seq.s32 s7, s2  }
0x1e: {  	s7 =	smul.u32 @!p0 $0xF7A, s2;
	p2 =	seq.s32 @!p0 s5, $0x0  }
0x1f: {  	s9 =	smul.u32 $0xF7A, s1;
	s8 =	simm.s32 @!p0 $0x1BF5;
	p2 =	por !p2, p0  }
0x20: {  	[sflag:s8] =	ssyncset.s32 @!p0 $0xFFFFF086;
	s6 =	sadd.s32 @!p0 s3, s7;
	s7 =	simm.s32 @!p0 $0x108  }
0x21: {  	s3 =	sadd.s32 s3, s9;
	s6 =	sadd.s32 @!p0 $0x88, s6;
	s7 =	simm.s32 @p2 $0x1082  }
0x22: {  	[simem:s7], [sflag:s8] =	dma.local @!p0 [hbm:s6], $0xF7A  }
0x23: {  	s9 =	sor.u32 $0xD0000000, s2;
	s6 =	simm.s32 $0x108;
	_ =	swait.ge @!p0 [sflag:s8], $0x0  }
0x24: {  	s3 =	sadd.s32 $0x88, s3;
	s6 =	simm.s32 @!p1 $0x1082;
	[sflag:s4] =	ssyncset.s32 $0xFFFFF086  }
0x25: {  	[simem:s6], [sflag:s4] =	dma.local [hbm:s3], $0xF7A  }
0x26: {  	[smem:$0x3F92] =	sst s1;
	(tag) =	ssettag s2;
	_ =	strace s9  }
0x27: {  	s1 =	sld [smem:$0x3FA2]  }
0x28: {  	s2 =	sld [smem:$0x3FA3]  }
0x29: {  	s4 =	sld [smem:$0x3FA5]  }
0x2a: {  	p0 =	seq.s32 s5, $0x0;
	s5 =	sld [smem:$0x3FA6]  }
0x2b: {  	s6 =	sld [smem:$0x3FA7]  }
0x2c: {  	s7 =	sld [smem:$0x3FA8]  }
0x2d: {  	s3 =	simm.s32 $0x108;
	s8 =	sld [smem:$0x3FA9]  }
0x2e: {  	s3 =	simm.s32 @!p0 $0x1082;
	s9 =	sld [smem:$0x3FAA]  }
0x2f: {  	lr =	sadd.s32 s0, s3;
	s0 =	sld [smem:$0x3FA1]  }
0x30: {  	s3 =	sld [smem:$0x3FA4]  }
0x31: {  	[smem:$0x3FAD] =	sst s10  }
0x32: {  	s10 =	sld [smem:$0x3FAB];
	_ =	sdelay $0x3  }
0x33: {  	p0 =	seq.s32 s10, $0x1;
	s10 =	sld [smem:$0x3FAD];
	_ =	sdelay $0x3  }
0x34: {  	[smem:$0x3FAD] =	sst s10  }
0x35: {  	s10 =	sld [smem:$0x3FAC];
	_ =	sdelay $0x3  }
0x36: {  	p1 =	seq.s32 s10, $0x1;
	s10 =	sld [smem:$0x3FAD];
	_ =	sdelay $0x3  }
0x37: {  	[smem:$0x3FAD] =	sst s10  }
0x38: {  	s10 =	sld [smem:$0x3FAE]  }
0x39: {  	_ = 	snop;
	(pc) =	sbr.ind lr, $3  }
0x3a: {  	_ = 	snop  }
0x3b: {  	_ = 	snop  }
0x3c: {  	p2 =	seq.s32 s10, $0x1;
	s10 =	sld [smem:$0x3FAD]  }
0x3d: {  	_ =	shalt  }
0x3e: {  	_ =	shalt  }
0x3f: {  	_ =	shalt  }
0x40: {  	_ =	shalt  }
0x41: {  	_ =	shalt  }
0x42: {  	_ =	shalt  }
0x43: {  	_ =	shalt  }
0x44: {  	_ =	shalt  }
0x45: {  	_ =	shalt  }
0x46: {  	_ =	shalt  }
0x47: {  	_ =	shalt  }
0x48: {  	_ =	shalt  }
0x49: {  	_ =	shalt  }
0x4a: {  	_ =	shalt  }
0x4b: {  	_ =	shalt  }
0x4c: {  	_ =	shalt  }
0x4d: {  	_ =	shalt  }
0x4e: {  	_ =	shalt  }
0x4f: {  	_ =	shalt  }
0x50: {  	_ =	shalt  }
0x51: {  	_ =	shalt  }
0x52: {  	_ =	shalt  }
0x53: {  	_ =	shalt  }
0x54: {  	_ =	shalt  }
0x55: {  	_ =	shalt  }
0x56: {  	_ =	shalt  }
0x57: {  	_ =	shalt  }
0x58: {  	_ =	shalt  }
0x59: {  	_ =	shalt  }
0x5a: {  	_ =	shalt  }
0x5b: {  	_ =	shalt  }
0x5c: {  	_ =	shalt  }
0x5d: {  	_ =	shalt  }
0x5e: {  	_ =	shalt  }
0x5f: {  	_ =	shalt  }
0x60: {  	_ =	shalt  }
0x61: {  	_ =	shalt  }
0x62: {  	_ =	shalt  }
0x63: {  	_ =	shalt  }
0x64: {  	_ =	shalt  }
0x65: {  	_ =	shalt  }
0x66: {  	_ =	shalt  }
0x67: {  	_ =	shalt  }
0x68: {  	_ =	shalt  }
0x69: {  	_ =	shalt  }
0x6a: {  	_ =	shalt  }
0x6b: {  	_ =	shalt  }
0x6c: {  	_ =	shalt  }
0x6d: {  	_ =	shalt  }
0x6e: {  	_ =	shalt  }
0x6f: {  	_ =	shalt  }
0x70: {  	_ =	shalt  }
0x71: {  	_ =	shalt  }
0x72: {  	_ =	shalt  }
0x73: {  	_ =	shalt  }
0x74: {  	_ =	shalt  }
0x75: {  	_ =	shalt  }
0x76: {  	_ =	shalt  }
0x77: {  	_ =	shalt  }
0x78: {  	_ =	shalt  }
0x79: {  	_ =	shalt  }
0x7a: {  	_ =	shalt  }
0x7b: {  	_ =	shalt  }
0x7c: {  	_ =	shalt  }
0x7d: {  	_ =	shalt  }
0x7e: {  	_ =	shalt  }
0x7f: {  	_ =	shalt  }
0x80: {  	_ =	shalt  }
0x81: {  	_ =	shalt  }
0x82: {  	_ =	shalt  }
0x83: {  	_ =	shalt  }
0x84: {  	_ =	shalt  }
0x85: {  	_ =	shalt  }
0x86: {  	_ =	shalt  }
0x87: {  	_ =	shalt  }
.Lfunc_end0:
.L_simem_size_0:
called_computation_lowered:
.L_overlay_start_0:
0x88: {  	s2 =	sld [smem:$0x3FD9]  }
0x89: {  	s3 =	sld [smem:$0x3FFE];
	_ =	sdelay $0x1  }
0x8a: {  	s1 =	srdreg.scid  }
0x8b: {  	s0 =	sand.u32 $0x1, s1  }
0x8c: {  	s17 =	sshll.u32 s0, $0xA;
	s2 =	sadd.s32 s3, s2  }
0x8d: {  	s2 =	sadd.s32 s2, s17  }
0x8e: {  	[smem:$0x3FB9] =	sst s2  }
0x8f: {  	_ = 	snop  }
0x90: {  	s2 =	sld [smem:$0x3FC9]  }
0x91: {  	s18 =	sld [smem:$0x3FC8];
	(tm) =	ssettm $0x1  }
0x92: {  	s4 =	sld [smem:$0x3FFB];
	_ =	sdelay $0x3  }
0x93: {  	_ =	strace s4  }
0x94: {  	s4 =	sld [smem:$0x3FFC];
	_ =	sdelay $0x3  }
0x95: {  	_ =	strace s4  }
0x96: {  	s4 =	sld [smem:$0x3FFD];
	_ =	sdelay $0x3  }
0x97: {  	_ =	strace s4  }
0x98: {  	_ =	strace $0x8FFFFFFF  }
0x99: {  	s19 =	sld [smem:$0x3FDB];
	_ =	sdelay $0x1  }
0x9a: {  	s5 =	simm.s32 $_scs_section_size  }
0x9b: {  	s6 =	simm.s32 $_size__tile_overlayer_lowered;
	s7 =	simm.s32 $_tile_overlayer_lowered  }
0x9c: {  	s22 =	simm.s32 $0x1BFF;
	s21 =	sshll.u32 s7, $0x1;
	s4 =	sadd.s32 s5, s19  }
0x9d: {  	s8 =	simm.s32 $0x0;
	s20 =	sshll.u32 s6, $0x1;
	s6 =	sadd.s32 s21, s4  }
0x9e: {  	[timem:s8], [sflag:s22] =	dma.local [hbm:s6], s20  }
0x9f: {  	_ =	swait.ge [sflag:s22], s20  }
0xa0: {  	s5 =	ssub.s32 $0x0, s20;
	[sflag:s22] =	ssyncset.done $0x0  }
0xa1: {  	[sflag:s22] =	ssyncadd.s32 s5;
	_ =	sdelay $0x1  }
0xa2: {  	s23 =	simm.s32 $0x1B8B  }
0xa3: {  	_ =	swait.ge [sflag:s23], $0x1  }
0xa4: {  	[sflag:s23] =	ssyncset.done $0x0  }
0xa5: {  	s25 =	simm.s32 $0x1B8E;
	s24 =	sld [smem:$0x3FFE];
	[sflag:s23] =	ssyncadd.s32 $0xFFFFFFFF  }
0xa6: {  	s26 =	simm.s32 $execute0_lowered;
	[smem:$0x3FD2] =	sst s25  }
0xa7: {  	s6 =	sshll.u32 s26, $0x1;
	_ =	strace $0x80000046;
	[dreg:$0x1] =	wrdreg $0xFFFFFFFF  }
0xa8: {  	s28 =	simm.s32 $_size_execute0_lowered;
	s4 =	sadd.s32 s4, s6;
	[dreg:$0x0] =	wrdreg $0x0  }
0xa9: {  	s6 =	sshll.u32 s28, $0x1;
	[dreg:$0x2] =	wrdreg s4  }
0xaa: {  	[dreg:$0x3] =	wrdreg s6  }
0xab: {  	[dreg:$0x4] =	wrdreg $0xC0  }
0xac: {  	_ =	task [dreg:s8], $0x5FFFF  }
0xad: {  	[dreg:$0x1] =	wrdreg $0xFFFFFFFF  }
0xae: {  	[dreg:$0x0] =	wrdreg $0x60  }
0xaf: {  	[dreg:$0x2] =	wrdreg s2  }
0xb0: {  	[dreg:$0x3] =	wrdreg s18  }
0xb1: {  	[dreg:$0x4] =	wrdreg s24  }
0xb2: {  	[dreg:$0x5] =	wrdreg $0xC3000  }
0xb3: {  	[dreg:$0x6] =	wrdreg $0x9  }
0xb4: {  	_ =	task.clear_ibuf [dreg:s8], $0x7FFFF;
	_ =	strace $0x90000046  }
0xb5: {  	s29 =	simm.s32 $0x9;
	_ =	strace $0x80000048  }
0xb6: {  	_ =	swait.ge [sflag:s29], $0x1  }
0xb7: {  	[sflag:s29] =	ssyncadd.s32 $0xFFFFFFFF  }
0xb8: {  	_ =	strace $0x90000048  }
0xb9: {  	_ =	sfence  }
0xba: {  	s30 =	sld [smem:$0x0];
	_ =	sdelay $0x2  }
0xbb: {  	s31 =	sshll.u32 s1, $0xD;
	s1 =	sshrl.u32 s1, $0x2  }
0xbc: {  	s3 =	sand.u32 $0x4000, s31;
	s1 =	sadd.s32 s1, s30  }
0xbd: {  	s0 =	sor.u32 s3, s0;
	s1 =	sshll.u32 s1, $0x11  }
0xbe: {  	s0 =	sor.u32 s1, s0  }
0xbf: {  	s0 =	sadd.s32 $0x8F2B, s0  }
0xc0: {  	[sflag:s0] =	ssyncadd.remote.s32 $0x1  }
0xc1: {  	_ =	sfence.sel $0xFFFF  }
0xc2: {  	[dreg:$0x0] =	wrdreg $0xFFFFFFFF;
	(pc) =	sbr.abs _section_cstart, $3  }
0xc3: {  	[dreg:$0x1] =	wrdreg $0xFFFFFFFF  }
0xc4: {  	_ =	task.clear_ibuf [dreg:s8], $0x2FFFF;
	_ =	strace $0x9FFFFFFF  }
0xc5: {  	(tm) =	ssettm $0x7FFFFFFF  }
tec
execute0_lowered:
.L_overlay_start_1:
0x0: {  	(tag) =	ssettag $0x1  }
0x1: {  	s1 =	rddreg [dreg:$0x0]  }
0x2: {  	s0 =	rddreg [dreg:$0x1]  }
0x3: {  	s4 =	rddreg [dreg:$0x2]  }
0x4: {  	s2 =	rddreg [dreg:$0x3];
	s3 =	srdreg.scid  }
0x5: {  	s16 =	stileid.u32;
	s28 =	simm.s32 $0x100;
	s29 =	simm.s32 $0x2  }
0x6: {  	s30 =	simm.s32 $0x4;
	s31 =	simm.s32 $0x4200;
	s10 =	smul.u32 $0x4E000, s16  }
0x7: {  	s5 =	sand.u32 $0x1, s3;
	s3 =	simm.s32 $0x0;
	s12 =	smul.u32 $0x2700, s16  }
0x8: {  	s14 =	sadd.s32 $0x3800, s4;
	s4 =	sadd.s32 $0x2AA00, s4;
	s26 =	smul.u32 $0x13800, s16  }
0x9: {  	s21 =	smul.u32 $0x4E, s16;
	p2 =	seq.s32 s16, $0x0;
	p1 =	sne.s32 s16, $0x0  }
0xa: {  	s6 =	sshll.u32 s5, $0x4;
	[smem:$0x7FF] =	sst s3;
	s25 =	smul.u32 $0x138800, s5  }
0xb: {  	s9 =	ssub.s32 $0x2, s5;
	s19 =	smul.u32 $0x4E0, s5;
	p0 =	sne.s32 s5, $0x0  }
0xc: {  	s5 =	simm.s32 $0x3;
	s6 =	sor.u32 s16, s6;
	_ =	strace $0x80000047  }
0xd: {  	s11 =	sshrl.u32 s9, $0x1;
	s10 =	sshrl.u32 s10, $0x2;
	[dreg:$0x5] =	wrdreg s14  }
0xe: {  	s14 =	sadd.s32 s14, s12;
	s12 =	sadd.s32 s1, s12;
	s7 =	smul.u32 $0x4E, s6  }
0xf: {  	s8 =	smin.u32 s6, $0x4;
	s9 =	ssub.s32 s9, s11;
	[dreg:$0x9] =	wrdreg s14  }
0x10: {  	s10 =	sadd.s32 s10, s2;
	[dreg:$0xa] =	wrdreg s12;
	s18 =	sadd.s32 s26, s25  }
0x11: {  	s11 =	sshrl.u32 s25, $0x3;
	s24 =	sadd.s32 s21, s19;
	p3 =	sgt.u32 s6, $0x3  }
0x12: {  	s6 =	simm.s32 $0x9;
	[dreg:$0x8] =	wrdreg s10;
	s10 =	sadd.s32 $0x138000, s2  }
0x13: {  	s12 =	sshrl.u32 s18, $0x3;
	s11 =	sadd.s32 s4, s11;
	s9 =	smax.u32 s9, $0x1  }
0x14: {  	s7 =	sadd.s32 s8, s7;
	s4 =	sadd.s32 s4, s12;
	s22 =	sadd.s32 $0x27000, s11  }
0x15: {  	[dreg:$0xe] =	wrdreg s9;
	s9 =	simm.s32 $0x4180;
	s11 =	simm.s32 $0x7  }
0x16: {  	s12 =	simm.s32 $0x6;
	s7 =	sshll.u32 s7, $0x5;
	[dreg:$0xc] =	wrdreg s4  }
0x17: {  	[dreg:$0xd] =	wrdreg s22;
	s22 =	simm.s32 $0x4100;
	s15 =	sadd.s32 s0, s7  }
0x18: {  	s20 =	sadd.s32 $0x40, s7;
	s25 =	sadd.s32 $0x60, s7;
	s7 =	sadd.s32 $0x80, s7  }
0x19: {  	s13 =	sadd.s32 $0x20, s15;
	[dreg:$0x6] =	wrdreg s15;
	s17 =	sadd.s32 $0x9C0, s15  }
0x1a: {  	s23 =	sand.u32 $0x1FFFFFE0, s20;
	s26 =	sand.u32 $0x1FFFFFE0, s25;
	[dreg:$0x7] =	wrdreg s13  }
0x1b: {  	s7 =	sand.u32 $0x1FFFFFE0, s7;
	s25 =	simm.s32 $0x1;
	[dreg:$0xb] =	wrdreg s17  }
0x1c: {  	s4 =	sadd.s32 s0, s23;
	s7 =	sadd.s32 s0, s7;
	s23 =	simm.s32 $0xA  }
0x1d: {  	s13 =	simm.s32 $0x0;
	[dreg:$0xf] =	wrdreg s4;
	s4 =	sadd.s32 s8, s24  }
.Ltmp0:
0x1e: {  	s8 =	sadd.s32 s0, s26;
	[dreg:$0x11] =	wrdreg s7;
	(pc) =	sbr.rel .LBB2_1-.Ltmp0, $4  }
0x1f: {  	s26 =	simm.s32 $0x80;
	s24 =	simm.s32 $0x5;
	s4 =	sshll.u32 s4, $0x5  }
0x20: {  	s7 =	simm.s32 $0x8;
	[dreg:$0x10] =	wrdreg s8;
	s0 =	sadd.s32 s0, s4  }
0x21: {  	s8 =	simm.s32 $0x8280;
	s4 =	simm.s32 $0x8300;
	s19 =	sadd.s32 $0xE0, s0  }
0x22: {  	s20 =	sadd.s32 $0xC0, s0;
	s21 =	sadd.s32 $0xA0, s0;
	s0 =	simm.s32 $0x8200  }
.LBB2_8:
0x23: {  	_ =	swait.ge [sflag:s7], $0x4000  }
0x24: {  	[sflag:s7] =	ssyncset.done $0x0  }
0x25: {  	[sflag:s7] =	ssyncadd.s32 $0xFFFFC000  }
0x26: {  	[spmem:s2] =	stream.indirect.scatter.add.f32 [tilespmem:s4], [sflag:$0x9], $0x80, s8, s26, $0xb8;
	[tilespmem:$0x1FB80] =	vst v63  }
0x27: {  	_ =	swait.ge [sflag:s12], $0x4000  }
0x28: {  	[sflag:s12] =	ssyncset.done $0x0  }
0x29: {  	[sflag:s12] =	ssyncadd.s32 $0xFFFFC000  }
0x2a: {  	_ =	swait.ge [sflag:s6], $0x4000  }
0x2b: {  	[sflag:s6] =	ssyncset.done $0x0  }
0x2c: {  	s16 =	simm.s32 @!p3 $0x0;
	s17 =	rddreg [dreg:$0xb];
	[sflag:s6] =	ssyncadd.s32 $0xFFFFC000  }
0x2d: {  	[tilespmem:s16], [sflag:$0x1] =	stream.linear.gather @!p3 [hbm4b:s17+s16], $0x100, $0x38;
	[tilespmem:$0x1FB80] =	vst v63  }
0x2e: {  	s17 =	simm.s32 @!p3 $0x1  }
0x2f: {  	_ =	swait.ge @!p3 [sflag:s17], $0x100  }
0x30: {  	[sflag:s17] =	ssyncset.done @!p3 $0x0  }
0x31: {  	s18 =	simm.s32 @!p3 $0x100;
	[sflag:s17] =	ssyncadd.s32 @!p3 $0xFFFFFF00;
	s17 =	simm.s32 @!p3 $0x80  }
0x32: {  	[tilespmem:s18], [sflag:$0x2] =	stream.indirect.gather @!p3 [hbm4b:s1+s17], $0x80, s16, s17, $0xb8;
	[tilespmem:$0x1FB80] =	vst v63  }
0x33: {  	s16 =	simm.s32 @!p3 $0x2  }
0x34: {  	_ =	swait.ge @!p3 [sflag:s16], $0x4000  }
0x35: {  	[sflag:s16] =	ssyncset.done @!p3 $0x0  }
0x36: {  	[sflag:s16] =	ssyncadd.s32 @!p3 $0xFFFFC000;
	s16 =	simm.s32 @!p3 $0x3  }
0x37: {  	[spmem:s2] =	stream.indirect.scatter.add.f32 @!p3 [tilespmem:s18], [sflag:$0x3], $0x80, s17, s17, $0xb8;
	[tilespmem:$0x1FB80] =	vst v63  }
0x38: {  	_ =	swait.ge @!p3 [sflag:s16], $0x4000  }
0x39: {  	[sflag:s16] =	ssyncset.done @!p3 $0x0  }
0x3a: {  	[sflag:s16] =	ssyncadd.s32 @!p3 $0xFFFFC000  }
0x3b: {  	[bflag:$0x0] =	sbarrier.arrive $0xFFFF  }
0x3c: {  	s17 =	rddreg [dreg:$0xc]  }
0x3d: {  	[hbm:s17], [sflag:s14] =	dma.local [spmem:s15], $0x2700  }
0x3e: {  	_ =	swait.ge [sflag:s23], $0x2700  }
0x3f: {  	[sflag:s23] =	ssyncset.done $0x0  }
0x40: {  	s15 =	sshrl.u32 @p4 s10, $0x3;
	s16 =	rddreg [dreg:$0xd];
	[sflag:s23] =	ssyncadd.s32 $0xFFFFD900  }
0x41: {  	[hbm:s16], [sflag:s14] =	dma.local @p4 [spmem:s15], $0x100  }
0x42: {  	s14 =	simm.s32 @p4 $0xA  }
0x43: {  	_ =	swait.ge @p4 [sflag:s14], $0x100  }
0x44: {  	s13 =	sadd.s32 $0x1, s13;
	s18 =	rddreg [dreg:$0xe]  }
0x45: {  	p5 =	sne.s32 s13, s18  }
.Ltmp1:
0x46: {  	_ = 	snop;
	(pc) =	sbr.rel @!p5 .LBB2_9-.Ltmp1, $3  }
0x47: {  	_ =	sdelay $0x1  }
0x48: {  	[sflag:s14] =	ssyncset.done @p4 $0x0  }
0x49: {  	[sflag:s14] =	ssyncadd.s32 @p4 $0xFFFFFF00  }
.LBB2_1:
0x4a: {  	s14 =	rddreg [dreg:$0x6]  }
.Ltmp2:
0x4b: {  	s18 =	stileid.u32;
	(pc) =	sbr.rel @p0 .LBB2_3-.Ltmp2, $4  }
0x4c: {  	[tilespmem:s3], [sflag:$0x1] =	stream.linear.gather [hbm4b:s14+s3], $0x100, $0x38;
	[tilespmem:$0x1FB80] =	vst v63  }
0x4d: {  	s15 =	rddreg [dreg:$0x8];
	s14 =	sshll.u32 s18, $0x6  }
0x4e: {  	s17 =	rddreg [dreg:$0x7];
	s15 =	sshrl.u32 s15, $0x3;
	s14 =	sor.u32 $0x1C0A, s14  }
0x4f: {  	[tilespmem:s22], [sflag:$0x4] =	stream.linear.gather [hbm4b:s17+s3], $0x100, $0x38;
	[tilespmem:$0x1FB80] =	vst v63  }
0x50: {  	s16 =	rddreg [dreg:$0xa]  }
0x51: {  	[spmem:s15], [sflag:s14] =	dma.local [hbm:s16], $0x2700  }
.Ltmp3:
0x52: {  	_ = 	snop;
	(pc) =	sbr.rel @!p2 .LBB2_5-.Ltmp3, $4  }
.Ltmp4:
0x53: {  	_ = 	snop;
	(pc) =	sbr.rel @p2 .LBB2_4-.Ltmp4, $4  }
0x54: {  	_ =	swait.ge [sflag:s23], $0x2700  }
0x55: {  	[sflag:s23] =	ssyncset.done $0x0  }
0x56: {  	p4 =	por $0x0, $0x0;
	s16 =	smov.u32 s1;
	[sflag:s23] =	ssyncadd.s32 $0xFFFFD900  }
0x57: {  	_ = 	snop  }
.LBB2_3:
.Ltmp5:
0x58: {  	s16 =	rddreg [dreg:$0x9];
	(pc) =	sbr.rel @p1 .LBB2_5-.Ltmp5, $4  }
0x59: {  	[spmem:s15], [sflag:s14] =	dma.local [hbm:s16], $0x2700  }
0x5a: {  	_ =	swait.ge [sflag:s23], $0x2700  }
0x5b: {  	[sflag:s23] =	ssyncset.done $0x0  }
0x5c: {  	p4 =	por $0x0, $0x0;
	s16 =	rddreg [dreg:$0x5];
	[sflag:s23] =	ssyncadd.s32 $0xFFFFD900  }
.LBB2_4:
0x5d: {  	s16 =	sadd.s32 $0x27000, s16;
	s17 =	sshrl.u32 s10, $0x3;
	s18 =	simm.s32 $0x1C0A  }
0x5e: {  	[spmem:s17], [sflag:s18] =	dma.local [hbm:s16], $0x100  }
0x5f: {  	_ =	swait.ge [sflag:s23], $0x100  }
0x60: {  	[sflag:s23] =	ssyncset.done $0x0  }
0x61: {  	p4 =	por $0x1, $0x1;
	[sflag:s23] =	ssyncadd.s32 $0xFFFFFF00  }
.LBB2_5:
0x62: {  	_ =	swait.ge [sflag:s25], $0x100  }
0x63: {  	[sflag:s25] =	ssyncset.done $0x0  }
0x64: {  	s16 =	simm.s32 $0x0;
	[sflag:s25] =	ssyncadd.s32 $0xFFFFFF00  }
0x65: {  	[tilespmem:s28], [sflag:$0x2] =	stream.indirect.gather [hbm4b:s1+s26], $0x80, s16, s26, $0xb8;
	[tilespmem:$0x1FB80] =	vst v63  }
0x66: {  	[bflag:$0x0] =	sbarrier.arrive $0xFFFF  }
0x67: {  	_ =	swait.ge [sflag:s29], $0x4000  }
0x68: {  	[sflag:s29] =	ssyncset.done $0x0  }
0x69: {  	[sflag:s29] =	ssyncadd.s32 $0xFFFFC000  }
0x6a: {  	[spmem:s2] =	stream.indirect.scatter.add.f32 [tilespmem:s28], [sflag:$0x3], $0x80, s26, s26, $0xb8;
	[tilespmem:$0x1FB80] =	vst v63  }
0x6b: {  	_ =	swait.ge [sflag:s30], $0x100  }
0x6c: {  	[sflag:s30] =	ssyncset.done $0x0  }
0x6d: {  	[sflag:s30] =	ssyncadd.s32 $0xFFFFFF00  }
0x6e: {  	[tilespmem:s31], [sflag:$0x5] =	stream.indirect.gather [hbm4b:s1+s26], $0x80, s22, s26, $0xb8;
	[tilespmem:$0x1FB80] =	vst v63  }
0x6f: {  	s17 =	rddreg [dreg:$0xf]  }
0x70: {  	[tilespmem:s0], [sflag:$0x7] =	stream.linear.gather [hbm4b:s17+s16], $0x100, $0x38;
	[tilespmem:$0x1FB80] =	vst v63  }
0x71: {  	_ =	swait.ge [sflag:s24], $0x4000  }
0x72: {  	[sflag:s24] =	ssyncset.done $0x0  }
0x73: {  	[sflag:s24] =	ssyncadd.s32 $0xFFFFC000  }
0x74: {  	[spmem:s2] =	stream.indirect.scatter.add.f32 [tilespmem:s31], [sflag:$0x6], $0x80, s9, s26, $0xb8;
	[tilespmem:$0x1FB80] =	vst v63  }
0x75: {  	_ =	swait.ge [sflag:s5], $0x4000  }
0x76: {  	[sflag:s5] =	ssyncset.done $0x0  }
0x77: {  	[sflag:s5] =	ssyncadd.s32 $0xFFFFC000  }
0x78: {  	_ =	swait.ge [sflag:s11], $0x100  }
0x79: {  	[sflag:s11] =	ssyncset.done $0x0  }
0x7a: {  	[sflag:s11] =	ssyncadd.s32 $0xFFFFFF00  }
0x7b: {  	[tilespmem:s4], [sflag:$0x8] =	stream.indirect.gather [hbm4b:s1+s26], $0x80, s0, s26, $0xb8;
	[tilespmem:$0x1FB80] =	vst v63  }
0x7c: {  	s18 =	rddreg [dreg:$0x10]  }
0x7d: {  	[tilespmem:s16], [sflag:$0x1] =	stream.linear.gather [hbm4b:s18+s16], $0x100, $0x38;
	[tilespmem:$0x1FB80] =	vst v63  }
0x7e: {  	_ =	swait.ge [sflag:s7], $0x4000  }
0x7f: {  	[sflag:s7] =	ssyncset.done $0x0  }
0x80: {  	[sflag:s7] =	ssyncadd.s32 $0xFFFFC000  }
0x81: {  	[spmem:s2] =	stream.indirect.scatter.add.f32 [tilespmem:s4], [sflag:$0x9], $0x80, s8, s26, $0xb8;
	[tilespmem:$0x1FB80] =	vst v63  }
0x82: {  	_ =	swait.ge [sflag:s12], $0x4000  }
0x83: {  	[sflag:s12] =	ssyncset.done $0x0  }
0x84: {  	[sflag:s12] =	ssyncadd.s32 $0xFFFFC000  }
0x85: {  	_ =	swait.ge [sflag:s25], $0x100  }
0x86: {  	[sflag:s25] =	ssyncset.done $0x0  }
0x87: {  	[sflag:s25] =	ssyncadd.s32 $0xFFFFFF00  }
0x88: {  	[tilespmem:s28], [sflag:$0x2] =	stream.indirect.gather [hbm4b:s1+s26], $0x80, s16, s26, $0xb8;
	[tilespmem:$0x1FB80] =	vst v63  }
0x89: {  	s18 =	rddreg [dreg:$0x11]  }
0x8a: {  	[tilespmem:s22], [sflag:$0x4] =	stream.linear.gather [hbm4b:s18+s16], $0x100, $0x38;
	[tilespmem:$0x1FB80] =	vst v63  }
.LBB2_6:
0x8b: {  	_ =	swait.ge [sflag:s29], $0x4000  }
0x8c: {  	[sflag:s29] =	ssyncset.done $0x0  }
0x8d: {  	[sflag:s29] =	ssyncadd.s32 $0xFFFFC000  }
0x8e: {  	[spmem:s2] =	stream.indirect.scatter.add.f32 [tilespmem:s28], [sflag:$0x3], $0x80, s26, s26, $0xb8;
	[tilespmem:$0x1FB80] =	vst v63  }
0x8f: {  	_ =	swait.ge [sflag:s6], $0x4000  }
0x90: {  	[sflag:s6] =	ssyncset.done $0x0  }
0x91: {  	[sflag:s6] =	ssyncadd.s32 $0xFFFFC000  }
0x92: {  	_ =	swait.ge [sflag:s30], $0x100  }
0x93: {  	[sflag:s30] =	ssyncset.done $0x0  }
0x94: {  	[sflag:s30] =	ssyncadd.s32 $0xFFFFFF00  }
0x95: {  	[tilespmem:s31], [sflag:$0x5] =	stream.indirect.gather [hbm4b:s1+s26], $0x80, s22, s26, $0xb8;
	[tilespmem:$0x1FB80] =	vst v63  }
0x96: {  	s17 =	sadd.s32 s16, s21  }
0x97: {  	[tilespmem:s0], [sflag:$0x7] =	stream.linear.gather [hbm4b:s17+s3], $0x100, $0x38;
	[tilespmem:$0x1FB80] =	vst v63  }
0x98: {  	_ =	swait.ge [sflag:s24], $0x4000  }
0x99: {  	[sflag:s24] =	ssyncset.done $0x0  }
0x9a: {  	[sflag:s24] =	ssyncadd.s32 $0xFFFFC000  }
0x9b: {  	[spmem:s2] =	stream.indirect.scatter.add.f32 [tilespmem:s31], [sflag:$0x6], $0x80, s9, s26, $0xb8;
	[tilespmem:$0x1FB80] =	vst v63  }
0x9c: {  	_ =	swait.ge [sflag:s5], $0x4000  }
0x9d: {  	p5 =	seq.s32 s16, $0x900;
	[sflag:s5] =	ssyncset.done $0x0  }
.Ltmp6:
0x9e: {  	[sflag:s5] =	ssyncadd.s32 $0xFFFFC000;
	(pc) =	sbr.rel @p5 .LBB2_8-.Ltmp6, $4  }
0x9f: {  	_ =	swait.ge [sflag:s11], $0x100  }
0xa0: {  	[sflag:s11] =	ssyncset.done $0x0  }
0xa1: {  	[sflag:s11] =	ssyncadd.s32 $0xFFFFFF00  }
0xa2: {  	[tilespmem:s4], [sflag:$0x8] =	stream.indirect.gather [hbm4b:s1+s26], $0x80, s0, s26, $0xb8;
	[tilespmem:$0x1FB80] =	vst v63  }
0xa3: {  	s17 =	sadd.s32 s16, s20  }
0xa4: {  	[tilespmem:s3], [sflag:$0x1] =	stream.linear.gather [hbm4b:s17+s3], $0x100, $0x38;
	[tilespmem:$0x1FB80] =	vst v63  }
0xa5: {  	_ =	swait.ge [sflag:s7], $0x4000  }
0xa6: {  	[sflag:s7] =	ssyncset.done $0x0  }
0xa7: {  	[sflag:s7] =	ssyncadd.s32 $0xFFFFC000  }
0xa8: {  	[spmem:s2] =	stream.indirect.scatter.add.f32 [tilespmem:s4], [sflag:$0x9], $0x80, s8, s26, $0xb8;
	[tilespmem:$0x1FB80] =	vst v63  }
0xa9: {  	_ =	swait.ge [sflag:s12], $0x4000  }
0xaa: {  	[sflag:s12] =	ssyncset.done $0x0  }
0xab: {  	[sflag:s12] =	ssyncadd.s32 $0xFFFFC000  }
0xac: {  	_ =	swait.ge [sflag:s25], $0x100  }
.Ltmp7:
0xad: {  	[sflag:s25] =	ssyncset.done $0x0;
	(pc) =	sbr.rel .LBB2_6-.Ltmp7, $4  }
0xae: {  	[sflag:s25] =	ssyncadd.s32 $0xFFFFFF00  }
0xaf: {  	[tilespmem:s28], [sflag:$0x2] =	stream.indirect.gather [hbm4b:s1+s26], $0x80, s3, s26, $0xb8;
	[tilespmem:$0x1FB80] =	vst v63  }
0xb0: {  	s18 =	sadd.s32 s16, s19;
	s16 =	sadd.s32 $0x60, s16  }
0xb1: {  	[tilespmem:s22], [sflag:$0x4] =	stream.linear.gather [hbm4b:s18+s3], $0x100, $0x38;
	[tilespmem:$0x1FB80] =	vst v63  }
.LBB2_9:
0xb2: {  	_ =	sfence.sel $0x180000  }
0xb3: {  	[bflag:$0x0] =	sbarrier.arrive $0xFFFF  }
0xb4: {  	_ =	strace $0x90000047  }
0xb5: {  	[bflag:$0x2] =	sbarrier.arrive $0xFFFF  }
0xb6: {  	s0 =	rddreg [dreg:$0x4]  }
0xb7: {  	s0 =	sadd.s32 @!p1 $0x100000, s0  }
0xb8: {  	[sflag:s0] =	ssyncadd.tile.s32 @!p1 $0x1;
	_ =	shalt  }
.Lfunc_end2:
_tile_overlayer_lowered:
.L_overlay_start_2:
0xb9: {  	(tag) =	ssettag $0x2  }
0xba: {  	s0 =	rddreg [dreg:$0x0];
	s2 =	stileid.u32  }
0xbb: {  	s1 =	rddreg [dreg:$0x1];
	p0 =	sne.s32 s2, $0x0  }
0xbc: {  	s3 =	rddreg [dreg:$0x2];
	[bflag:$0x3] =	sbarrier.arrive $0xFFFF;
	s2 =	simm.s32 @!p0 $0x1C0A  }
0xbd: {  	[timem:s3], [sflag:s2] =	dma.local @!p0 [hbm:s0], s1  }
0xbe: {  	s0 =	simm.s32 @!p0 $0xA  }
0xbf: {  	_ =	swait.ge @!p0 [sflag:s0], s1  }
0xc0: {  	s1 =	ssub.s32 @!p0 $0x0, s1;
	[sflag:s0] =	ssyncset.done @!p0 $0x0  }
0xc1: {  	[sflag:s0] =	ssyncadd.s32 @!p0 s1  }
0xc2: {  	[bflag:$0x3] =	sbarrier.arrive $0xFFFF  }
0xc3: {  	_ =	shalt  }

</sc_bundles>
